<compile_context>
chip_gen: v7x
topology: tpu7x:2x2x1
jax: 0.10.2.dev20260603
libtpu: 0.0.44.dev20260713+nightly
codegen_flags: <defaults>
</compile_context>

<pallas_src>
import functools

import jax
import jax.numpy as jnp
from jax import lax
from jax.experimental import pallas as pl
from jax.experimental.pallas import tpu as pltpu
from jax.experimental.pallas import tpu_sc as plsc

_NUM_EMB = 100000
_D = 64
_S = 12
_SP = 16
_B = 1024
_L = 50
_TOKENS = _B * _L

_NC = 2
_NS = 16
_NW = _NC * _NS
_TPW = _TOKENS // _NW

_C = 32
_ROWS = _C * _S
_NIDX = _ROWS // 128
_CHUNKS = _TPW // _C

_BLK = 4096
_NB = 25
_TAB_DATA = _NB * _BLK
_ZROWS = 8192
_TAB_ROWS = _TAB_DATA + _ZROWS



def _prep_body(w_ref, wr_ref, o_ref, wr16_ref):
    i = pl.program_id(0)
    x = w_ref[...]
    ss = jnp.sum(x * x, axis=-1, keepdims=True)
    scale = jnp.where(ss > 1.0, lax.rsqrt(ss), 1.0)
    y = jnp.where(i < _NB, x * scale, 0.0)
    o_ref[...] = jnp.concatenate([y[: _BLK // 2], y[_BLK // 2:]], axis=1)
    w16 = jnp.pad(wr_ref[...], ((0, 0), (0, _SP - _S)))
    wr16_ref[...] = jnp.concatenate(
        [w16[k * (_BLK // 8):(k + 1) * (_BLK // 8)] for k in range(8)], axis=1)


def _prep(weight, wr):
    return pl.pallas_call(
        _prep_body,
        grid=(_NB + _ZROWS // _BLK,),
        in_specs=[
            pl.BlockSpec((_BLK, _D), lambda i: (jnp.minimum(i, _NB - 1), 0)),
            pl.BlockSpec((_BLK, _S), lambda i: (jnp.minimum(i, _NB - 1), 0)),
        ],
        out_specs=[
            pl.BlockSpec((_BLK // 2, 2 * _D), lambda i: (i, 0)),
            pl.BlockSpec((_BLK // 8, 8 * _SP), lambda i: (jnp.minimum(i, _NB - 1), 0)),
        ],
        out_shape=[
            jax.ShapeDtypeStruct((_TAB_ROWS // 2, 2 * _D), jnp.float32),
            jax.ShapeDtypeStruct((_TAB_DATA // 8, 8 * _SP), jnp.int32),
        ],
    )(weight, wr)


def _bag_body(ids_hbm, wr_hbm, tab_hbm, out_hbm,
              ids_v, sub_v, idx0, idx1, emb0, emb1, out_v,
              sem_s, sem_b0, sem_b1):
    wid = lax.axis_index("s") * _NC + lax.axis_index("c")
    tbase = wid * _TPW
    lanes = lax.iota(jnp.int32, 16)

    pltpu.sync_copy(ids_hbm.at[pl.ds(tbase, _TPW)], ids_v)

    @plsc.parallel_loop(0, _TPW // 16, unroll=4)
    def permute(i):
        v = ids_v[pl.ds(i * 16, 16)]
        s = jnp.bitwise_and(v, _BLK - 1)
        ids_v[pl.ds(i * 16, 16)] = (v - s + 8 * jnp.bitwise_and(s, 511)
                                    + jnp.right_shift(s, 9))

    for k in range(_TPW // 128):
        pltpu.async_copy(wr_hbm.at[ids_v.at[pl.ds(k * 128, 128)]],
                         sub_v.at[pl.ds(k * 128, 128)], sem_s)
    rem = _TPW % 128
    if rem:
        pltpu.async_copy(wr_hbm.at[ids_v.at[pl.ds(_TPW - rem, rem)]],
                         sub_v.at[pl.ds(_TPW - rem, rem)], sem_s)
    pltpu.make_async_copy(wr_hbm.at[pl.ds(0, _TPW)], sub_v, sem_s).wait()

    def build(c, idx_ref):
        @plsc.parallel_loop(0, _C, unroll=4)
        def body(t):
            row = sub_v[c * _C + t, :]
            pos = lanes * _C + t
            r = jnp.bitwise_and(row, _BLK - 1)
            tabrow = (row - r + 2 * jnp.bitwise_and(r, _BLK // 2 - 1)
                      + jnp.right_shift(r, 11))
            spread = _TAB_DATA + jnp.bitwise_and(wid * _ROWS + pos, _ZROWS - 1)
            plsc.store_scatter(idx_ref, [pos],
                               jnp.where(row == 0, spread, tabrow),
                               mask=lanes < _S)

    def fire(idx_ref, emb_ref, sem):
        for k in range(_NIDX):
            pltpu.async_copy(tab_hbm.at[idx_ref.at[pl.ds(k * 128, 128)]],
                             emb_ref.at[pl.ds(k * 128, 128)], sem)

    def wait_emb(emb_ref, sem):
        pltpu.make_async_copy(tab_hbm.at[pl.ds(0, _ROWS)], emb_ref, sem).wait()

    def compute_out(c, emb_ref):
        @plsc.parallel_loop(0, _C, unroll=2)
        def tok(t):
            for q in range(_D // 16):
                sl = pl.ds(q * 16, 16)
                acc = emb_ref[t, sl]
                for j in range(1, _S):
                    acc = acc + emb_ref[j * _C + t, sl]
                out_v[t, sl] = acc
        pltpu.sync_copy(out_v, out_hbm.at[pl.ds(tbase + c * _C, _C)])

    build(0, idx0)
    fire(idx0, emb0, sem_b0)

    def group(g, carry):
        a = 2 * g + 1
        build(a, idx1)
        fire(idx1, emb1, sem_b1)
        wait_emb(emb0, sem_b0)
        compute_out(a - 1, emb0)
        build(a + 1, idx0)
        fire(idx0, emb0, sem_b0)
        wait_emb(emb1, sem_b1)
        compute_out(a, emb1)
        return carry

    lax.fori_loop(0, (_CHUNKS - 2) // 2, group, 0)

    last = _CHUNKS - 1
    build(last, idx1)
    fire(idx1, emb1, sem_b1)
    wait_emb(emb0, sem_b0)
    compute_out(last - 1, emb0)
    wait_emb(emb1, sem_b1)
    compute_out(last, emb1)


@functools.partial(
    pl.kernel,
    out_type=jax.ShapeDtypeStruct((_TOKENS, _D), jnp.float32),
    mesh=plsc.VectorSubcoreMesh(core_axis_name="c", subcore_axis_name="s"),
    compiler_params=pltpu.CompilerParams(
        needs_layout_passes=False, use_tc_tiling_on_sc=False),
    scratch_types=[
        pltpu.VMEM((_TPW,), jnp.int32),
        pltpu.VMEM((_TPW, _SP), jnp.int32),
        pltpu.VMEM((_ROWS,), jnp.int32),
        pltpu.VMEM((_ROWS,), jnp.int32),
        pltpu.VMEM((_ROWS, _D), jnp.float32),
        pltpu.VMEM((_ROWS, _D), jnp.float32),
        pltpu.VMEM((_C, _D), jnp.float32),
        pltpu.SemaphoreType.DMA,
        pltpu.SemaphoreType.DMA,
        pltpu.SemaphoreType.DMA,
    ],
)
def _bag_kernel(ids_hbm, wr_hbm, tab_hbm, out_hbm,
                ids_v, sub_v, idx0, idx1, emb0, emb1, out_v,
                sem_s, sem_b0, sem_b1):
    _bag_body(ids_hbm, wr_hbm, tab_hbm, out_hbm,
              ids_v, sub_v, idx0, idx1, emb0, emb1, out_v,
              sem_s, sem_b0, sem_b1)


def kernel(input_ids, word_representation, weight):
    ids = input_ids.reshape(-1)
    tab128, wr16_128 = _prep(weight, word_representation)
    tab = tab128.reshape(_TAB_ROWS, _D)
    wr16 = wr16_128.reshape(_TAB_DATA, _SP)
    out = _bag_kernel(ids, wr16, tab)
    return out.reshape(_B, _L, _D)

# --- scband reference (transcript-rebuilt; emitter-appended) ---
"""Pipeline reference for scband-fasttext-model-6038724018528 (READ-ONLY COPY).

The authoritative reference and input builder live on the scoring server;
editing this copy changes nothing except your own understanding.
"""

import jax, jax.numpy as jnp
import numpy as np

NUM_EMBEDDINGS = 100000
EMBED_DIM = 64
MAX_SUBWORDS = 12
PAD = 0
BATCH = 1024
SEQ = 50


def setup_inputs(seed: int = 0) -> dict:
    key = jax.random.key(seed)
    k1, k2, k3, k4 = jax.random.split(key, 4)
    # forward arg: token ids
    input_ids = jax.random.randint(k1, (BATCH, SEQ), 0, NUM_EMBEDDINGS, dtype=jnp.int32)
    # buffer: word -> subword-id bag representation (padded with PAD), as built in
    # FasttextEmbedding.__compute_representations. First slot is the word id itself,
    # remaining slots are character-ngram ids, rows padded to MAX_SUBWORDS with PAD.
    wr = jax.random.randint(k2, (NUM_EMBEDDINGS, MAX_SUBWORDS), 1, NUM_EMBEDDINGS, dtype=jnp.int32)
    wr = wr.at[:, 0].set(jnp.arange(NUM_EMBEDDINGS, dtype=jnp.int32))
    lengths = jax.random.randint(k3, (NUM_EMBEDDINGS,), 1, MAX_SUBWORDS + 1, dtype=jnp.int32)
    col = jnp.arange(MAX_SUBWORDS, dtype=jnp.int32)
    word_representation = jnp.where(col[None, :] < lengths[:, None], wr, PAD)
    word_representation = word_representation.at[PAD].set(PAD)
    # learned param: EmbeddingBag weight (xavier-like init, padding row zeroed)
    weight = jax.random.normal(k4, (NUM_EMBEDDINGS, EMBED_DIM), dtype=jnp.float32) * 0.05
    weight = weight.at[PAD].set(0.0)
    return {"input_ids": input_ids, "word_representation": word_representation, "weight": weight}


def reference(input_ids, word_representation, weight):
    # FasttextEmbedding.forward: gather subword bags, then EmbeddingBag(mode='sum',
    # max_norm=1, padding_idx=PAD)
    S = word_representation.shape[1]
    tokens = jnp.take(word_representation, input_ids, axis=0).reshape((-1, S))  # [B*L, S]
    emb = jnp.take(weight, tokens, axis=0)  # [B*L, S, D]
    # max_norm=1 renorm at lookup time (functional equivalent of torch's in-place renorm)
    norms = jnp.sqrt(jnp.sum(emb * emb, axis=-1, keepdims=True))
    scale = jnp.where(norms > 1.0, 1.0 / jnp.maximum(norms, 1e-12), 1.0)
    emb = emb * scale
    # padding_idx entries excluded from the bag sum
    mask = (tokens != PAD)[..., None].astype(emb.dtype)
    bag = jnp.sum(emb * mask, axis=1)  # [B*L, D]
    word = bag.reshape((input_ids.shape[0], input_ids.shape[1], EMBED_DIM))
    # FasttextModel.forward with labels=None -> (word, None); return word
    return word

if __name__ == "__main__":
    import jax
    _d = setup_inputs()
    print(jax.jit(kernel)(*tuple(_d.values())))

</pallas_src>

<mosaic_0001>
#map = affine_map<(d0, d1) -> (0)>
#map1 = affine_map<(d0, d1) -> (0, 0)>
module attributes {stable_mosaic.version = 14 : i64} {
  func.func @_bag_kernel(%arg0: i32, %arg1: i32, %arg2: memref<51200xi32, #tpu.memory_space<hbm>>, %arg3: memref<102400x16xi32, #tpu.memory_space<hbm>>, %arg4: memref<110592x64xf32, #tpu.memory_space<hbm>>, %arg5: memref<51200x64xf32, #tpu.memory_space<hbm>>, %arg6: memref<1600xi32, #tpu.memory_space<vmem>>, %arg7: memref<1600x16xi32, #tpu.memory_space<vmem>>, %arg8: memref<384xi32, #tpu.memory_space<vmem>>, %arg9: memref<384xi32, #tpu.memory_space<vmem>>, %arg10: memref<384x64xf32, #tpu.memory_space<vmem>>, %arg11: memref<384x64xf32, #tpu.memory_space<vmem>>, %arg12: memref<32x64xf32, #tpu.memory_space<vmem>>, %arg13: memref<!tpu.dma_semaphore, #tpu.memory_space<semaphore_mem>>, %arg14: memref<!tpu.dma_semaphore, #tpu.memory_space<semaphore_mem>>, %arg15: memref<!tpu.dma_semaphore, #tpu.memory_space<semaphore_mem>>) attributes {dimension_semantics = [#tpu.dimension_semantics<core_parallel>, #tpu.dimension_semantics<subcore_parallel>], iteration_bounds = array<i64: 2, 16>, scalar_prefetch = 0 : i64, scratch_operands = 10 : i64, tpu.core_type = #tpu.core_type<sc_vector_subcore>, window_params = [{transform_indices = #map}, {transform_indices = #map1}, {transform_indices = #map1}, {transform_indices = #map1}]} {
    %mul3A = arith.constant 2 : i32
    %mul3A_0 = arith.muli %arg1, %mul3A : i32
    %add3A = arith.addi %mul3A_0, %arg0 : i32
    %mul3A_1 = arith.constant 1600 : i32
    %mul3A_2 = arith.muli %add3A, %mul3A_1 : i32
    %iota3A = tpu.iota {dimensions = array<i32: 0>} : vector<16xi32>
    "tpu.region"() ({
      %run_scoped3A = tpu.sem_alloc : memref<!tpu.dma_semaphore, #tpu.memory_space<semaphore_mem>>
      %dma_start3A_194 = tpu.memref_slice %arg2[%mul3A_2] : memref<51200xi32, #tpu.memory_space<hbm>> -> memref<1600xi32, #tpu.memory_space<hbm>>
      %dma_start3A_195 = tpu.memref_slice %arg2[%mul3A_2] : memref<51200xi32, #tpu.memory_space<hbm>> -> memref<1600xi32, #tpu.memory_space<hbm>>
      tpu.enqueue_dma source(%dma_start3A_195 : memref<1600xi32, #tpu.memory_space<hbm>>) target(%arg6 : memref<1600xi32, #tpu.memory_space<vmem>>) target_semaphore(%run_scoped3A : memref<!tpu.dma_semaphore, #tpu.memory_space<semaphore_mem>>)
      %dma_wait3A_196 = tpu.memref_slice %arg2[%mul3A_2] : memref<51200xi32, #tpu.memory_space<hbm>> -> memref<1600xi32, #tpu.memory_space<hbm>>
      %dma_wait3A_197 = tpu.memref_slice %arg2[%mul3A_2] : memref<51200xi32, #tpu.memory_space<hbm>> -> memref<1600xi32, #tpu.memory_space<hbm>>
      tpu.wait_dma2 semaphore(%run_scoped3A : memref<!tpu.dma_semaphore, #tpu.memory_space<semaphore_mem>>) src(%dma_wait3A_197 : memref<1600xi32, #tpu.memory_space<hbm>>) dst(%arg6 : memref<1600xi32, #tpu.memory_space<vmem>>)
      tpu.yield
    }) : () -> ()
    %parallel_loop3A = arith.constant 0 : i32
    %parallel_loop3A_3 = arith.constant 100 : i32
    %parallel_loop3A_4 = arith.constant 1 : i32
    scf.for %parallel_loop3A_194 = %parallel_loop3A to %parallel_loop3A_3 step %parallel_loop3A_4  : i32 {
      %parallel_loop3A_195 = arith.constant 16 : i32
      %parallel_loop3A_196 = arith.muli %parallel_loop3A_194, %parallel_loop3A_195 : i32
      %parallel_loop3A_197 = arith.index_cast %parallel_loop3A_196 : i32 to index
      %parallel_loop3A_198 = tpu.vector_load %arg6[%parallel_loop3A_197] {strides = array<i32>} : memref<1600xi32, #tpu.memory_space<vmem>>, vector<16xi32>,
      %parallel_loop3A_199 = arith.constant 4095 : i32
      %parallel_loop3A_200 = vector.broadcast %parallel_loop3A_199 : i32 to vector<16xi32>
      %parallel_loop3A_201 = arith.andi %parallel_loop3A_198, %parallel_loop3A_200 : vector<16xi32>
      %parallel_loop3A_202 = arith.subi %parallel_loop3A_198, %parallel_loop3A_201 : vector<16xi32>
      %parallel_loop3A_203 = arith.constant 511 : i32
      %parallel_loop3A_204 = vector.broadcast %parallel_loop3A_203 : i32 to vector<16xi32>
      %parallel_loop3A_205 = arith.andi %parallel_loop3A_201, %parallel_loop3A_204 : vector<16xi32>
      %parallel_loop3A_206 = arith.constant 8 : i32
      %parallel_loop3A_207 = vector.broadcast %parallel_loop3A_206 : i32 to vector<16xi32>
      %parallel_loop3A_208 = arith.muli %parallel_loop3A_207, %parallel_loop3A_205 : vector<16xi32>
      %parallel_loop3A_209 = arith.addi %parallel_loop3A_202, %parallel_loop3A_208 : vector<16xi32>
      %parallel_loop3A_210 = arith.constant 9 : i32
      %parallel_loop3A_211 = vector.broadcast %parallel_loop3A_210 : i32 to vector<16xi32>
      %parallel_loop3A_212 = arith.shrsi %parallel_loop3A_201, %parallel_loop3A_211 : vector<16xi32>
      %parallel_loop3A_213 = arith.addi %parallel_loop3A_209, %parallel_loop3A_212 : vector<16xi32>
      %parallel_loop3A_214 = arith.constant 16 : i32
      %parallel_loop3A_215 = arith.muli %parallel_loop3A_194, %parallel_loop3A_214 : i32
      %parallel_loop3A_216 = arith.index_cast %parallel_loop3A_215 : i32 to index
      %parallel_loop3A_217 = tpu.vector_load %arg6[%parallel_loop3A_216] {strides = array<i32>} : memref<1600xi32, #tpu.memory_space<vmem>>, vector<16xi32>,
      tpu.vector_store %arg6[%parallel_loop3A_216], %parallel_loop3A_213 {strides = array<i32>} : memref<1600xi32, #tpu.memory_space<vmem>>, vector<16xi32>,
    } {sc.loop_unroll_factor = 4 : i64, sc.parallel_access}
    %dma_start3A = arith.constant 0 : i32
    %dma_start3A_5 = arith.constant 0 : i32
    %dma_start3A_6 = tpu.memref_slice %arg7[%dma_start3A, %dma_start3A_5] : memref<1600x16xi32, #tpu.memory_space<vmem>> -> memref<128x16xi32, #tpu.memory_space<vmem>>
    %dma_start3A_7 = arith.constant 0 : i32
    %dma_start3A_8 = tpu.memref_slice %arg6[%dma_start3A_7] : memref<1600xi32, #tpu.memory_space<vmem>> -> memref<128xi32, #tpu.memory_space<vmem>>
    %dma_start3A_9 = arith.constant 0 : i32
    %dma_start3A_10 = arith.constant 0 : i32
    %dma_start3A_11 = tpu.memref_slice %arg3[%dma_start3A_9, %dma_start3A_10] : memref<102400x16xi32, #tpu.memory_space<hbm>> -> memref<102400x16xi32, #tpu.memory_space<hbm>>
    tpu.enqueue_indirect_dma source(%dma_start3A_11 : memref<102400x16xi32, #tpu.memory_space<hbm>>) target(%dma_start3A_6 : memref<128x16xi32, #tpu.memory_space<vmem>>) offsets(%dma_start3A_8 : memref<128xi32, #tpu.memory_space<vmem>>) semaphore(%arg13 : memref<!tpu.dma_semaphore, #tpu.memory_space<semaphore_mem>>)
    %dma_start3A_12 = arith.constant 128 : i32
    %dma_start3A_13 = arith.constant 0 : i32
    %dma_start3A_14 = tpu.memref_slice %arg7[%dma_start3A_12, %dma_start3A_13] : memref<1600x16xi32, #tpu.memory_space<vmem>> -> memref<128x16xi32, #tpu.memory_space<vmem>>
    %dma_start3A_15 = arith.constant 128 : i32
    %dma_start3A_16 = tpu.memref_slice %arg6[%dma_start3A_15] : memref<1600xi32, #tpu.memory_space<vmem>> -> memref<128xi32, #tpu.memory_space<vmem>>
    %dma_start3A_17 = arith.constant 0 : i32
    %dma_start3A_18 = arith.constant 0 : i32
    %dma_start3A_19 = tpu.memref_slice %arg3[%dma_start3A_17, %dma_start3A_18] : memref<102400x16xi32, #tpu.memory_space<hbm>> -> memref<102400x16xi32, #tpu.memory_space<hbm>>
    tpu.enqueue_indirect_dma source(%dma_start3A_19 : memref<102400x16xi32, #tpu.memory_space<hbm>>) target(%dma_start3A_14 : memref<128x16xi32, #tpu.memory_space<vmem>>) offsets(%dma_start3A_16 : memref<128xi32, #tpu.memory_space<vmem>>) semaphore(%arg13 : memref<!tpu.dma_semaphore, #tpu.memory_space<semaphore_mem>>)
    %dma_start3A_20 = arith.constant 256 : i32
    %dma_start3A_21 = arith.constant 0 : i32
    %dma_start3A_22 = tpu.memref_slice %arg7[%dma_start3A_20, %dma_start3A_21] : memref<1600x16xi32, #tpu.memory_space<vmem>> -> memref<128x16xi32, #tpu.memory_space<vmem>>
    %dma_start3A_23 = arith.constant 256 : i32
    %dma_start3A_24 = tpu.memref_slice %arg6[%dma_start3A_23] : memref<1600xi32, #tpu.memory_space<vmem>> -> memref<128xi32, #tpu.memory_space<vmem>>
    %dma_start3A_25 = arith.constant 0 : i32
    %dma_start3A_26 = arith.constant 0 : i32
    %dma_start3A_27 = tpu.memref_slice %arg3[%dma_start3A_25, %dma_start3A_26] : memref<102400x16xi32, #tpu.memory_space<hbm>> -> memref<102400x16xi32, #tpu.memory_space<hbm>>
    tpu.enqueue_indirect_dma source(%dma_start3A_27 : memref<102400x16xi32, #tpu.memory_space<hbm>>) target(%dma_start3A_22 : memref<128x16xi32, #tpu.memory_space<vmem>>) offsets(%dma_start3A_24 : memref<128xi32, #tpu.memory_space<vmem>>) semaphore(%arg13 : memref<!tpu.dma_semaphore, #tpu.memory_space<semaphore_mem>>)
    %dma_start3A_28 = arith.constant 384 : i32
    %dma_start3A_29 = arith.constant 0 : i32
    %dma_start3A_30 = tpu.memref_slice %arg7[%dma_start3A_28, %dma_start3A_29] : memref<1600x16xi32, #tpu.memory_space<vmem>> -> memref<128x16xi32, #tpu.memory_space<vmem>>
    %dma_start3A_31 = arith.constant 384 : i32
    %dma_start3A_32 = tpu.memref_slice %arg6[%dma_start3A_31] : memref<1600xi32, #tpu.memory_space<vmem>> -> memref<128xi32, #tpu.memory_space<vmem>>
    %dma_start3A_33 = arith.constant 0 : i32
    %dma_start3A_34 = arith.constant 0 : i32
    %dma_start3A_35 = tpu.memref_slice %arg3[%dma_start3A_33, %dma_start3A_34] : memref<102400x16xi32, #tpu.memory_space<hbm>> -> memref<102400x16xi32, #tpu.memory_space<hbm>>
    tpu.enqueue_indirect_dma source(%dma_start3A_35 : memref<102400x16xi32, #tpu.memory_space<hbm>>) target(%dma_start3A_30 : memref<128x16xi32, #tpu.memory_space<vmem>>) offsets(%dma_start3A_32 : memref<128xi32, #tpu.memory_space<vmem>>) semaphore(%arg13 : memref<!tpu.dma_semaphore, #tpu.memory_space<semaphore_mem>>)
    %dma_start3A_36 = arith.constant 512 : i32
    %dma_start3A_37 = arith.constant 0 : i32
    %dma_start3A_38 = tpu.memref_slice %arg7[%dma_start3A_36, %dma_start3A_37] : memref<1600x16xi32, #tpu.memory_space<vmem>> -> memref<128x16xi32, #tpu.memory_space<vmem>>
    %dma_start3A_39 = arith.constant 512 : i32
    %dma_start3A_40 = tpu.memref_slice %arg6[%dma_start3A_39] : memref<1600xi32, #tpu.memory_space<vmem>> -> memref<128xi32, #tpu.memory_space<vmem>>
    %dma_start3A_41 = arith.constant 0 : i32
    %dma_start3A_42 = arith.constant 0 : i32
    %dma_start3A_43 = tpu.memref_slice %arg3[%dma_start3A_41, %dma_start3A_42] : memref<102400x16xi32, #tpu.memory_space<hbm>> -> memref<102400x16xi32, #tpu.memory_space<hbm>>
    tpu.enqueue_indirect_dma source(%dma_start3A_43 : memref<102400x16xi32, #tpu.memory_space<hbm>>) target(%dma_start3A_38 : memref<128x16xi32, #tpu.memory_space<vmem>>) offsets(%dma_start3A_40 : memref<128xi32, #tpu.memory_space<vmem>>) semaphore(%arg13 : memref<!tpu.dma_semaphore, #tpu.memory_space<semaphore_mem>>)
    %dma_start3A_44 = arith.constant 640 : i32
    %dma_start3A_45 = arith.constant 0 : i32
    %dma_start3A_46 = tpu.memref_slice %arg7[%dma_start3A_44, %dma_start3A_45] : memref<1600x16xi32, #tpu.memory_space<vmem>> -> memref<128x16xi32, #tpu.memory_space<vmem>>
    %dma_start3A_47 = arith.constant 640 : i32
    %dma_start3A_48 = tpu.memref_slice %arg6[%dma_start3A_47] : memref<1600xi32, #tpu.memory_space<vmem>> -> memref<128xi32, #tpu.memory_space<vmem>>
    %dma_start3A_49 = arith.constant 0 : i32
    %dma_start3A_50 = arith.constant 0 : i32
    %dma_start3A_51 = tpu.memref_slice %arg3[%dma_start3A_49, %dma_start3A_50] : memref<102400x16xi32, #tpu.memory_space<hbm>> -> memref<102400x16xi32, #tpu.memory_space<hbm>>
    tpu.enqueue_indirect_dma source(%dma_start3A_51 : memref<102400x16xi32, #tpu.memory_space<hbm>>) target(%dma_start3A_46 : memref<128x16xi32, #tpu.memory_space<vmem>>) offsets(%dma_start3A_48 : memref<128xi32, #tpu.memory_space<vmem>>) semaphore(%arg13 : memref<!tpu.dma_semaphore, #tpu.memory_space<semaphore_mem>>)
    %dma_start3A_52 = arith.constant 768 : i32
    %dma_start3A_53 = arith.constant 0 : i32
    %dma_start3A_54 = tpu.memref_slice %arg7[%dma_start3A_52, %dma_start3A_53] : memref<1600x16xi32, #tpu.memory_space<vmem>> -> memref<128x16xi32, #tpu.memory_space<vmem>>
    %dma_start3A_55 = arith.constant 768 : i32
    %dma_start3A_56 = tpu.memref_slice %arg6[%dma_start3A_55] : memref<1600xi32, #tpu.memory_space<vmem>> -> memref<128xi32, #tpu.memory_space<vmem>>
    %dma_start3A_57 = arith.constant 0 : i32
    %dma_start3A_58 = arith.constant 0 : i32
    %dma_start3A_59 = tpu.memref_slice %arg3[%dma_start3A_57, %dma_start3A_58] : memref<102400x16xi32, #tpu.memory_space<hbm>> -> memref<102400x16xi32, #tpu.memory_space<hbm>>
    tpu.enqueue_indirect_dma source(%dma_start3A_59 : memref<102400x16xi32, #tpu.memory_space<hbm>>) target(%dma_start3A_54 : memref<128x16xi32, #tpu.memory_space<vmem>>) offsets(%dma_start3A_56 : memref<128xi32, #tpu.memory_space<vmem>>) semaphore(%arg13 : memref<!tpu.dma_semaphore, #tpu.memory_space<semaphore_mem>>)
    %dma_start3A_60 = arith.constant 896 : i32
    %dma_start3A_61 = arith.constant 0 : i32
    %dma_start3A_62 = tpu.memref_slice %arg7[%dma_start3A_60, %dma_start3A_61] : memref<1600x16xi32, #tpu.memory_space<vmem>> -> memref<128x16xi32, #tpu.memory_space<vmem>>
    %dma_start3A_63 = arith.constant 896 : i32
    %dma_start3A_64 = tpu.memref_slice %arg6[%dma_start3A_63] : memref<1600xi32, #tpu.memory_space<vmem>> -> memref<128xi32, #tpu.memory_space<vmem>>
    %dma_start3A_65 = arith.constant 0 : i32
    %dma_start3A_66 = arith.constant 0 : i32
    %dma_start3A_67 = tpu.memref_slice %arg3[%dma_start3A_65, %dma_start3A_66] : memref<102400x16xi32, #tpu.memory_space<hbm>> -> memref<102400x16xi32, #tpu.memory_space<hbm>>
    tpu.enqueue_indirect_dma source(%dma_start3A_67 : memref<102400x16xi32, #tpu.memory_space<hbm>>) target(%dma_start3A_62 : memref<128x16xi32, #tpu.memory_space<vmem>>) offsets(%dma_start3A_64 : memref<128xi32, #tpu.memory_space<vmem>>) semaphore(%arg13 : memref<!tpu.dma_semaphore, #tpu.memory_space<semaphore_mem>>)
    %dma_start3A_68 = arith.constant 1024 : i32
    %dma_start3A_69 = arith.constant 0 : i32
    %dma_start3A_70 = tpu.memref_slice %arg7[%dma_start3A_68, %dma_start3A_69] : memref<1600x16xi32, #tpu.memory_space<vmem>> -> memref<128x16xi32, #tpu.memory_space<vmem>>
    %dma_start3A_71 = arith.constant 1024 : i32
    %dma_start3A_72 = tpu.memref_slice %arg6[%dma_start3A_71] : memref<1600xi32, #tpu.memory_space<vmem>> -> memref<128xi32, #tpu.memory_space<vmem>>
    %dma_start3A_73 = arith.constant 0 : i32
    %dma_start3A_74 = arith.constant 0 : i32
    %dma_start3A_75 = tpu.memref_slice %arg3[%dma_start3A_73, %dma_start3A_74] : memref<102400x16xi32, #tpu.memory_space<hbm>> -> memref<102400x16xi32, #tpu.memory_space<hbm>>
    tpu.enqueue_indirect_dma source(%dma_start3A_75 : memref<102400x16xi32, #tpu.memory_space<hbm>>) target(%dma_start3A_70 : memref<128x16xi32, #tpu.memory_space<vmem>>) offsets(%dma_start3A_72 : memref<128xi32, #tpu.memory_space<vmem>>) semaphore(%arg13 : memref<!tpu.dma_semaphore, #tpu.memory_space<semaphore_mem>>)
    %dma_start3A_76 = arith.constant 1152 : i32
    %dma_start3A_77 = arith.constant 0 : i32
    %dma_start3A_78 = tpu.memref_slice %arg7[%dma_start3A_76, %dma_start3A_77] : memref<1600x16xi32, #tpu.memory_space<vmem>> -> memref<128x16xi32, #tpu.memory_space<vmem>>
    %dma_start3A_79 = arith.constant 1152 : i32
    %dma_start3A_80 = tpu.memref_slice %arg6[%dma_start3A_79] : memref<1600xi32, #tpu.memory_space<vmem>> -> memref<128xi32, #tpu.memory_space<vmem>>
    %dma_start3A_81 = arith.constant 0 : i32
    %dma_start3A_82 = arith.constant 0 : i32
    %dma_start3A_83 = tpu.memref_slice %arg3[%dma_start3A_81, %dma_start3A_82] : memref<102400x16xi32, #tpu.memory_space<hbm>> -> memref<102400x16xi32, #tpu.memory_space<hbm>>
    tpu.enqueue_indirect_dma source(%dma_start3A_83 : memref<102400x16xi32, #tpu.memory_space<hbm>>) target(%dma_start3A_78 : memref<128x16xi32, #tpu.memory_space<vmem>>) offsets(%dma_start3A_80 : memref<128xi32, #tpu.memory_space<vmem>>) semaphore(%arg13 : memref<!tpu.dma_semaphore, #tpu.memory_space<semaphore_mem>>)
    %dma_start3A_84 = arith.constant 1280 : i32
    %dma_start3A_85 = arith.constant 0 : i32
    %dma_start3A_86 = tpu.memref_slice %arg7[%dma_start3A_84, %dma_start3A_85] : memref<1600x16xi32, #tpu.memory_space<vmem>> -> memref<128x16xi32, #tpu.memory_space<vmem>>
    %dma_start3A_87 = arith.constant 1280 : i32
    %dma_start3A_88 = tpu.memref_slice %arg6[%dma_start3A_87] : memref<1600xi32, #tpu.memory_space<vmem>> -> memref<128xi32, #tpu.memory_space<vmem>>
    %dma_start3A_89 = arith.constant 0 : i32
    %dma_start3A_90 = arith.constant 0 : i32
    %dma_start3A_91 = tpu.memref_slice %arg3[%dma_start3A_89, %dma_start3A_90] : memref<102400x16xi32, #tpu.memory_space<hbm>> -> memref<102400x16xi32, #tpu.memory_space<hbm>>
    tpu.enqueue_indirect_dma source(%dma_start3A_91 : memref<102400x16xi32, #tpu.memory_space<hbm>>) target(%dma_start3A_86 : memref<128x16xi32, #tpu.memory_space<vmem>>) offsets(%dma_start3A_88 : memref<128xi32, #tpu.memory_space<vmem>>) semaphore(%arg13 : memref<!tpu.dma_semaphore, #tpu.memory_space<semaphore_mem>>)
    %dma_start3A_92 = arith.constant 1408 : i32
    %dma_start3A_93 = arith.constant 0 : i32
    %dma_start3A_94 = tpu.memref_slice %arg7[%dma_start3A_92, %dma_start3A_93] : memref<1600x16xi32, #tpu.memory_space<vmem>> -> memref<128x16xi32, #tpu.memory_space<vmem>>
    %dma_start3A_95 = arith.constant 1408 : i32
    %dma_start3A_96 = tpu.memref_slice %arg6[%dma_start3A_95] : memref<1600xi32, #tpu.memory_space<vmem>> -> memref<128xi32, #tpu.memory_space<vmem>>
    %dma_start3A_97 = arith.constant 0 : i32
    %dma_start3A_98 = arith.constant 0 : i32
    %dma_start3A_99 = tpu.memref_slice %arg3[%dma_start3A_97, %dma_start3A_98] : memref<102400x16xi32, #tpu.memory_space<hbm>> -> memref<102400x16xi32, #tpu.memory_space<hbm>>
    tpu.enqueue_indirect_dma source(%dma_start3A_99 : memref<102400x16xi32, #tpu.memory_space<hbm>>) target(%dma_start3A_94 : memref<128x16xi32, #tpu.memory_space<vmem>>) offsets(%dma_start3A_96 : memref<128xi32, #tpu.memory_space<vmem>>) semaphore(%arg13 : memref<!tpu.dma_semaphore, #tpu.memory_space<semaphore_mem>>)
    %dma_start3A_100 = arith.constant 1536 : i32
    %dma_start3A_101 = arith.constant 0 : i32
    %dma_start3A_102 = tpu.memref_slice %arg7[%dma_start3A_100, %dma_start3A_101] : memref<1600x16xi32, #tpu.memory_space<vmem>> -> memref<64x16xi32, #tpu.memory_space<vmem>>
    %dma_start3A_103 = arith.constant 1536 : i32
    %dma_start3A_104 = tpu.memref_slice %arg6[%dma_start3A_103] : memref<1600xi32, #tpu.memory_space<vmem>> -> memref<64xi32, #tpu.memory_space<vmem>>
    %dma_start3A_105 = arith.constant 0 : i32
    %dma_start3A_106 = arith.constant 0 : i32
    %dma_start3A_107 = tpu.memref_slice %arg3[%dma_start3A_105, %dma_start3A_106] : memref<102400x16xi32, #tpu.memory_space<hbm>> -> memref<102400x16xi32, #tpu.memory_space<hbm>>
    tpu.enqueue_indirect_dma source(%dma_start3A_107 : memref<102400x16xi32, #tpu.memory_space<hbm>>) target(%dma_start3A_102 : memref<64x16xi32, #tpu.memory_space<vmem>>) offsets(%dma_start3A_104 : memref<64xi32, #tpu.memory_space<vmem>>) semaphore(%arg13 : memref<!tpu.dma_semaphore, #tpu.memory_space<semaphore_mem>>)
    %dma_wait3A = arith.constant 0 : i32
    %dma_wait3A_108 = arith.constant 0 : i32
    %dma_wait3A_109 = tpu.memref_slice %arg3[%dma_wait3A, %dma_wait3A_108] : memref<102400x16xi32, #tpu.memory_space<hbm>> -> memref<1600x16xi32, #tpu.memory_space<hbm>>
    %dma_wait3A_110 = arith.constant 0 : i32
    %dma_wait3A_111 = arith.constant 0 : i32
    %dma_wait3A_112 = tpu.memref_slice %arg3[%dma_wait3A_110, %dma_wait3A_111] : memref<102400x16xi32, #tpu.memory_space<hbm>> -> memref<1600x16xi32, #tpu.memory_space<hbm>>
    tpu.wait_dma2 semaphore(%arg13 : memref<!tpu.dma_semaphore, #tpu.memory_space<semaphore_mem>>) src(%dma_wait3A_112 : memref<1600x16xi32, #tpu.memory_space<hbm>>) dst(%arg7 : memref<1600x16xi32, #tpu.memory_space<vmem>>)
    %parallel_loop3A_113 = arith.constant 0 : i32
    %parallel_loop3A_114 = arith.constant 32 : i32
    %parallel_loop3A_115 = arith.constant 1 : i32
    scf.for %parallel_loop3A_194 = %parallel_loop3A_113 to %parallel_loop3A_114 step %parallel_loop3A_115  : i32 {
      %parallel_loop3A_195 = arith.constant 0 : i32
      %parallel_loop3A_196 = arith.addi %parallel_loop3A_195, %parallel_loop3A_194 : i32
      %parallel_loop3A_197 = arith.index_cast %parallel_loop3A_196 : i32 to index
      %parallel_loop3A_198 = arith.constant 0 : index
      %parallel_loop3A_199 = tpu.vector_load %arg7[%parallel_loop3A_197, %parallel_loop3A_198] {strides = array<i32>} : memref<1600x16xi32, #tpu.memory_space<vmem>>, vector<16xi32>,
      %parallel_loop3A_200 = arith.constant 32 : i32
      %parallel_loop3A_201 = vector.broadcast %parallel_loop3A_200 : i32 to vector<16xi32>
      %parallel_loop3A_202 = arith.muli %iota3A, %parallel_loop3A_201 : vector<16xi32>
      %parallel_loop3A_203 = vector.broadcast %parallel_loop3A_194 : i32 to vector<16xi32>
      %parallel_loop3A_204 = arith.addi %parallel_loop3A_202, %parallel_loop3A_203 : vector<16xi32>
      %parallel_loop3A_205 = arith.constant 4095 : i32
      %parallel_loop3A_206 = vector.broadcast %parallel_loop3A_205 : i32 to vector<16xi32>
      %parallel_loop3A_207 = arith.andi %parallel_loop3A_199, %parallel_loop3A_206 : vector<16xi32>
      %parallel_loop3A_208 = arith.subi %parallel_loop3A_199, %parallel_loop3A_207 : vector<16xi32>
      %parallel_loop3A_209 = arith.constant 2047 : i32
      %parallel_loop3A_210 = vector.broadcast %parallel_loop3A_209 : i32 to vector<16xi32>
      %parallel_loop3A_211 = arith.andi %parallel_loop3A_207, %parallel_loop3A_210 : vector<16xi32>
      %parallel_loop3A_212 = arith.constant 2 : i32
      %parallel_loop3A_213 = vector.broadcast %parallel_loop3A_212 : i32 to vector<16xi32>
      %parallel_loop3A_214 = arith.muli %parallel_loop3A_213, %parallel_loop3A_211 : vector<16xi32>
      %parallel_loop3A_215 = arith.addi %parallel_loop3A_208, %parallel_loop3A_214 : vector<16xi32>
      %parallel_loop3A_216 = arith.constant 11 : i32
      %parallel_loop3A_217 = vector.broadcast %parallel_loop3A_216 : i32 to vector<16xi32>
      %parallel_loop3A_218 = arith.shrsi %parallel_loop3A_207, %parallel_loop3A_217 : vector<16xi32>
      %parallel_loop3A_219 = arith.addi %parallel_loop3A_215, %parallel_loop3A_218 : vector<16xi32>
      %parallel_loop3A_220 = arith.constant 384 : i32
      %parallel_loop3A_221 = arith.muli %add3A, %parallel_loop3A_220 : i32
      %parallel_loop3A_222 = vector.broadcast %parallel_loop3A_221 : i32 to vector<16xi32>
      %parallel_loop3A_223 = arith.addi %parallel_loop3A_222, %parallel_loop3A_204 : vector<16xi32>
      %parallel_loop3A_224 = arith.constant 8191 : i32
      %parallel_loop3A_225 = vector.broadcast %parallel_loop3A_224 : i32 to vector<16xi32>
      %parallel_loop3A_226 = arith.andi %parallel_loop3A_223, %parallel_loop3A_225 : vector<16xi32>
      %parallel_loop3A_227 = arith.constant 102400 : i32
      %parallel_loop3A_228 = vector.broadcast %parallel_loop3A_227 : i32 to vector<16xi32>
      %parallel_loop3A_229 = arith.addi %parallel_loop3A_228, %parallel_loop3A_226 : vector<16xi32>
      %parallel_loop3A_230 = arith.constant 0 : i32
      %parallel_loop3A_231 = vector.broadcast %parallel_loop3A_230 : i32 to vector<16xi32>
      %parallel_loop3A_232 = arith.cmpi eq, %parallel_loop3A_199, %parallel_loop3A_231 : vector<16xi32>
      %parallel_loop3A_233 = arith.select %parallel_loop3A_232, %parallel_loop3A_229, %parallel_loop3A_219 : vector<16xi1>, vector<16xi32>
      %parallel_loop3A_234 = arith.constant 12 : i32
      %parallel_loop3A_235 = vector.broadcast %parallel_loop3A_234 : i32 to vector<16xi32>
      %parallel_loop3A_236 = arith.cmpi slt, %iota3A, %parallel_loop3A_235 : vector<16xi32>
      tpu.vector_store_idx %arg8[%parallel_loop3A_204], %parallel_loop3A_233 masked %parallel_loop3A_236 : memref<384xi32, #tpu.memory_space<vmem>>[vector<16xi32>], vector<16xi32>, vector<16xi1>
    } {sc.loop_unroll_factor = 4 : i64, sc.parallel_access}
    %dma_start3A_116 = arith.constant 0 : i32
    %dma_start3A_117 = arith.constant 0 : i32
    %dma_start3A_118 = tpu.memref_slice %arg10[%dma_start3A_116, %dma_start3A_117] : memref<384x64xf32, #tpu.memory_space<vmem>> -> memref<128x64xf32, #tpu.memory_space<vmem>>
    %dma_start3A_119 = arith.constant 0 : i32
    %dma_start3A_120 = tpu.memref_slice %arg8[%dma_start3A_119] : memref<384xi32, #tpu.memory_space<vmem>> -> memref<128xi32, #tpu.memory_space<vmem>>
    %dma_start3A_121 = arith.constant 0 : i32
    %dma_start3A_122 = arith.constant 0 : i32
    %dma_start3A_123 = tpu.memref_slice %arg4[%dma_start3A_121, %dma_start3A_122] : memref<110592x64xf32, #tpu.memory_space<hbm>> -> memref<110592x64xf32, #tpu.memory_space<hbm>>
    tpu.enqueue_indirect_dma source(%dma_start3A_123 : memref<110592x64xf32, #tpu.memory_space<hbm>>) target(%dma_start3A_118 : memref<128x64xf32, #tpu.memory_space<vmem>>) offsets(%dma_start3A_120 : memref<128xi32, #tpu.memory_space<vmem>>) semaphore(%arg14 : memref<!tpu.dma_semaphore, #tpu.memory_space<semaphore_mem>>)
    %dma_start3A_124 = arith.constant 128 : i32
    %dma_start3A_125 = arith.constant 0 : i32
    %dma_start3A_126 = tpu.memref_slice %arg10[%dma_start3A_124, %dma_start3A_125] : memref<384x64xf32, #tpu.memory_space<vmem>> -> memref<128x64xf32, #tpu.memory_space<vmem>>
    %dma_start3A_127 = arith.constant 128 : i32
    %dma_start3A_128 = tpu.memref_slice %arg8[%dma_start3A_127] : memref<384xi32, #tpu.memory_space<vmem>> -> memref<128xi32, #tpu.memory_space<vmem>>
    %dma_start3A_129 = arith.constant 0 : i32
    %dma_start3A_130 = arith.constant 0 : i32
    %dma_start3A_131 = tpu.memref_slice %arg4[%dma_start3A_129, %dma_start3A_130] : memref<110592x64xf32, #tpu.memory_space<hbm>> -> memref<110592x64xf32, #tpu.memory_space<hbm>>
    tpu.enqueue_indirect_dma source(%dma_start3A_131 : memref<110592x64xf32, #tpu.memory_space<hbm>>) target(%dma_start3A_126 : memref<128x64xf32, #tpu.memory_space<vmem>>) offsets(%dma_start3A_128 : memref<128xi32, #tpu.memory_space<vmem>>) semaphore(%arg14 : memref<!tpu.dma_semaphore, #tpu.memory_space<semaphore_mem>>)
    %dma_start3A_132 = arith.constant 256 : i32
    %dma_start3A_133 = arith.constant 0 : i32
    %dma_start3A_134 = tpu.memref_slice %arg10[%dma_start3A_132, %dma_start3A_133] : memref<384x64xf32, #tpu.memory_space<vmem>> -> memref<128x64xf32, #tpu.memory_space<vmem>>
    %dma_start3A_135 = arith.constant 256 : i32
    %dma_start3A_136 = tpu.memref_slice %arg8[%dma_start3A_135] : memref<384xi32, #tpu.memory_space<vmem>> -> memref<128xi32, #tpu.memory_space<vmem>>
    %dma_start3A_137 = arith.constant 0 : i32
    %dma_start3A_138 = arith.constant 0 : i32
    %dma_start3A_139 = tpu.memref_slice %arg4[%dma_start3A_137, %dma_start3A_138] : memref<110592x64xf32, #tpu.memory_space<hbm>> -> memref<110592x64xf32, #tpu.memory_space<hbm>>
    tpu.enqueue_indirect_dma source(%dma_start3A_139 : memref<110592x64xf32, #tpu.memory_space<hbm>>) target(%dma_start3A_134 : memref<128x64xf32, #tpu.memory_space<vmem>>) offsets(%dma_start3A_136 : memref<128xi32, #tpu.memory_space<vmem>>) semaphore(%arg14 : memref<!tpu.dma_semaphore, #tpu.memory_space<semaphore_mem>>)
    %scan3A = arith.constant 0 : i32
    %scan3A_140 = arith.constant 0 : i32
    %scan3A_141 = arith.constant 24 : i32
    %scan3A_142 = arith.addi %scan3A_140, %scan3A_141 : i32
    %scan3A_143 = arith.constant 1 : i32
    scf.for %scan3A_194 = %scan3A_140 to %scan3A_142 step %scan3A_143  : i32 {
      %mul3A_195 = arith.constant 2 : i32
      %mul3A_196 = arith.muli %mul3A_195, %scan3A_194 : i32
      %add3A_197 = arith.constant 1 : i32
      %add3A_198 = arith.addi %mul3A_196, %add3A_197 : i32
      %parallel_loop3A_199 = arith.constant 0 : i32
      %parallel_loop3A_200 = arith.constant 32 : i32
      %parallel_loop3A_201 = arith.constant 1 : i32
      scf.for %parallel_loop3A_280 = %parallel_loop3A_199 to %parallel_loop3A_200 step %parallel_loop3A_201  : i32 {
        %parallel_loop3A_281 = arith.constant 32 : i32
        %parallel_loop3A_282 = arith.muli %add3A_198, %parallel_loop3A_281 : i32
        %parallel_loop3A_283 = arith.addi %parallel_loop3A_282, %parallel_loop3A_280 : i32
        %parallel_loop3A_284 = arith.index_cast %parallel_loop3A_283 : i32 to index
        %parallel_loop3A_285 = arith.constant 0 : index
        %parallel_loop3A_286 = tpu.vector_load %arg7[%parallel_loop3A_284, %parallel_loop3A_285] {strides = array<i32>} : memref<1600x16xi32, #tpu.memory_space<vmem>>, vector<16xi32>,
        %parallel_loop3A_287 = arith.constant 32 : i32
        %parallel_loop3A_288 = vector.broadcast %parallel_loop3A_287 : i32 to vector<16xi32>
        %parallel_loop3A_289 = arith.muli %iota3A, %parallel_loop3A_288 : vector<16xi32>
        %parallel_loop3A_290 = vector.broadcast %parallel_loop3A_280 : i32 to vector<16xi32>
        %parallel_loop3A_291 = arith.addi %parallel_loop3A_289, %parallel_loop3A_290 : vector<16xi32>
        %parallel_loop3A_292 = arith.constant 4095 : i32
        %parallel_loop3A_293 = vector.broadcast %parallel_loop3A_292 : i32 to vector<16xi32>
        %parallel_loop3A_294 = arith.andi %parallel_loop3A_286, %parallel_loop3A_293 : vector<16xi32>
        %parallel_loop3A_295 = arith.subi %parallel_loop3A_286, %parallel_loop3A_294 : vector<16xi32>
        %parallel_loop3A_296 = arith.constant 2047 : i32
        %parallel_loop3A_297 = vector.broadcast %parallel_loop3A_296 : i32 to vector<16xi32>
        %parallel_loop3A_298 = arith.andi %parallel_loop3A_294, %parallel_loop3A_297 : vector<16xi32>
        %parallel_loop3A_299 = arith.constant 2 : i32
        %parallel_loop3A_300 = vector.broadcast %parallel_loop3A_299 : i32 to vector<16xi32>
        %parallel_loop3A_301 = arith.muli %parallel_loop3A_300, %parallel_loop3A_298 : vector<16xi32>
        %parallel_loop3A_302 = arith.addi %parallel_loop3A_295, %parallel_loop3A_301 : vector<16xi32>
        %parallel_loop3A_303 = arith.constant 11 : i32
        %parallel_loop3A_304 = vector.broadcast %parallel_loop3A_303 : i32 to vector<16xi32>
        %parallel_loop3A_305 = arith.shrsi %parallel_loop3A_294, %parallel_loop3A_304 : vector<16xi32>
        %parallel_loop3A_306 = arith.addi %parallel_loop3A_302, %parallel_loop3A_305 : vector<16xi32>
        %parallel_loop3A_307 = arith.constant 384 : i32
        %parallel_loop3A_308 = arith.muli %add3A, %parallel_loop3A_307 : i32
        %parallel_loop3A_309 = vector.broadcast %parallel_loop3A_308 : i32 to vector<16xi32>
        %parallel_loop3A_310 = arith.addi %parallel_loop3A_309, %parallel_loop3A_291 : vector<16xi32>
        %parallel_loop3A_311 = arith.constant 8191 : i32
        %parallel_loop3A_312 = vector.broadcast %parallel_loop3A_311 : i32 to vector<16xi32>
        %parallel_loop3A_313 = arith.andi %parallel_loop3A_310, %parallel_loop3A_312 : vector<16xi32>
        %parallel_loop3A_314 = arith.constant 102400 : i32
        %parallel_loop3A_315 = vector.broadcast %parallel_loop3A_314 : i32 to vector<16xi32>
        %parallel_loop3A_316 = arith.addi %parallel_loop3A_315, %parallel_loop3A_313 : vector<16xi32>
        %parallel_loop3A_317 = arith.constant 0 : i32
        %parallel_loop3A_318 = vector.broadcast %parallel_loop3A_317 : i32 to vector<16xi32>
        %parallel_loop3A_319 = arith.cmpi eq, %parallel_loop3A_286, %parallel_loop3A_318 : vector<16xi32>
        %parallel_loop3A_320 = arith.select %parallel_loop3A_319, %parallel_loop3A_316, %parallel_loop3A_306 : vector<16xi1>, vector<16xi32>
        %parallel_loop3A_321 = arith.constant 12 : i32
        %parallel_loop3A_322 = vector.broadcast %parallel_loop3A_321 : i32 to vector<16xi32>
        %parallel_loop3A_323 = arith.cmpi slt, %iota3A, %parallel_loop3A_322 : vector<16xi32>
        tpu.vector_store_idx %arg9[%parallel_loop3A_291], %parallel_loop3A_320 masked %parallel_loop3A_323 : memref<384xi32, #tpu.memory_space<vmem>>[vector<16xi32>], vector<16xi32>, vector<16xi1>
      } {sc.loop_unroll_factor = 4 : i64, sc.parallel_access}
      %dma_start3A_202 = arith.constant 0 : i32
      %dma_start3A_203 = arith.constant 0 : i32
      %dma_start3A_204 = tpu.memref_slice %arg11[%dma_start3A_202, %dma_start3A_203] : memref<384x64xf32, #tpu.memory_space<vmem>> -> memref<128x64xf32, #tpu.memory_space<vmem>>
      %dma_start3A_205 = arith.constant 0 : i32
      %dma_start3A_206 = tpu.memref_slice %arg9[%dma_start3A_205] : memref<384xi32, #tpu.memory_space<vmem>> -> memref<128xi32, #tpu.memory_space<vmem>>
      %dma_start3A_207 = arith.constant 0 : i32
      %dma_start3A_208 = arith.constant 0 : i32
      %dma_start3A_209 = tpu.memref_slice %arg4[%dma_start3A_207, %dma_start3A_208] : memref<110592x64xf32, #tpu.memory_space<hbm>> -> memref<110592x64xf32, #tpu.memory_space<hbm>>
      tpu.enqueue_indirect_dma source(%dma_start3A_209 : memref<110592x64xf32, #tpu.memory_space<hbm>>) target(%dma_start3A_204 : memref<128x64xf32, #tpu.memory_space<vmem>>) offsets(%dma_start3A_206 : memref<128xi32, #tpu.memory_space<vmem>>) semaphore(%arg15 : memref<!tpu.dma_semaphore, #tpu.memory_space<semaphore_mem>>)
      %dma_start3A_210 = arith.constant 128 : i32
      %dma_start3A_211 = arith.constant 0 : i32
      %dma_start3A_212 = tpu.memref_slice %arg11[%dma_start3A_210, %dma_start3A_211] : memref<384x64xf32, #tpu.memory_space<vmem>> -> memref<128x64xf32, #tpu.memory_space<vmem>>
      %dma_start3A_213 = arith.constant 128 : i32
      %dma_start3A_214 = tpu.memref_slice %arg9[%dma_start3A_213] : memref<384xi32, #tpu.memory_space<vmem>> -> memref<128xi32, #tpu.memory_space<vmem>>
      %dma_start3A_215 = arith.constant 0 : i32
      %dma_start3A_216 = arith.constant 0 : i32
      %dma_start3A_217 = tpu.memref_slice %arg4[%dma_start3A_215, %dma_start3A_216] : memref<110592x64xf32, #tpu.memory_space<hbm>> -> memref<110592x64xf32, #tpu.memory_space<hbm>>
      tpu.enqueue_indirect_dma source(%dma_start3A_217 : memref<110592x64xf32, #tpu.memory_space<hbm>>) target(%dma_start3A_212 : memref<128x64xf32, #tpu.memory_space<vmem>>) offsets(%dma_start3A_214 : memref<128xi32, #tpu.memory_space<vmem>>) semaphore(%arg15 : memref<!tpu.dma_semaphore, #tpu.memory_space<semaphore_mem>>)
      %dma_start3A_218 = arith.constant 256 : i32
      %dma_start3A_219 = arith.constant 0 : i32
      %dma_start3A_220 = tpu.memref_slice %arg11[%dma_start3A_218, %dma_start3A_219] : memref<384x64xf32, #tpu.memory_space<vmem>> -> memref<128x64xf32, #tpu.memory_space<vmem>>
      %dma_start3A_221 = arith.constant 256 : i32
      %dma_start3A_222 = tpu.memref_slice %arg9[%dma_start3A_221] : memref<384xi32, #tpu.memory_space<vmem>> -> memref<128xi32, #tpu.memory_space<vmem>>
      %dma_start3A_223 = arith.constant 0 : i32
      %dma_start3A_224 = arith.constant 0 : i32
      %dma_start3A_225 = tpu.memref_slice %arg4[%dma_start3A_223, %dma_start3A_224] : memref<110592x64xf32, #tpu.memory_space<hbm>> -> memref<110592x64xf32, #tpu.memory_space<hbm>>
      tpu.enqueue_indirect_dma source(%dma_start3A_225 : memref<110592x64xf32, #tpu.memory_space<hbm>>) target(%dma_start3A_220 : memref<128x64xf32, #tpu.memory_space<vmem>>) offsets(%dma_start3A_222 : memref<128xi32, #tpu.memory_space<vmem>>) semaphore(%arg15 : memref<!tpu.dma_semaphore, #tpu.memory_space<semaphore_mem>>)
      %dma_wait3A_226 = arith.constant 0 : i32
      %dma_wait3A_227 = arith.constant 0 : i32
      %dma_wait3A_228 = tpu.memref_slice %arg4[%dma_wait3A_226, %dma_wait3A_227] : memref<110592x64xf32, #tpu.memory_space<hbm>> -> memref<384x64xf32, #tpu.memory_space<hbm>>
      %dma_wait3A_229 = arith.constant 0 : i32
      %dma_wait3A_230 = arith.constant 0 : i32
      %dma_wait3A_231 = tpu.memref_slice %arg4[%dma_wait3A_229, %dma_wait3A_230] : memref<110592x64xf32, #tpu.memory_space<hbm>> -> memref<384x64xf32, #tpu.memory_space<hbm>>
      tpu.wait_dma2 semaphore(%arg14 : memref<!tpu.dma_semaphore, #tpu.memory_space<semaphore_mem>>) src(%dma_wait3A_231 : memref<384x64xf32, #tpu.memory_space<hbm>>) dst(%arg10 : memref<384x64xf32, #tpu.memory_space<vmem>>)
      %sub3A = arith.constant 1 : i32
      %sub3A_232 = arith.subi %add3A_198, %sub3A : i32
      %parallel_loop3A_233 = arith.constant 0 : i32
      %parallel_loop3A_234 = arith.constant 32 : i32
      %parallel_loop3A_235 = arith.constant 1 : i32
      scf.for %parallel_loop3A_280 = %parallel_loop3A_233 to %parallel_loop3A_234 step %parallel_loop3A_235  : i32 {
        %parallel_loop3A_281 = arith.index_cast %parallel_loop3A_280 : i32 to index
        %parallel_loop3A_282 = arith.constant 0 : index
        %parallel_loop3A_283 = tpu.vector_load %arg10[%parallel_loop3A_281, %parallel_loop3A_282] {strides = array<i32>} : memref<384x64xf32, #tpu.memory_space<vmem>>, vector<16xf32>,
        %parallel_loop3A_284 = arith.constant 32 : i32
        %parallel_loop3A_285 = arith.addi %parallel_loop3A_284, %parallel_loop3A_280 : i32
        %parallel_loop3A_286 = arith.index_cast %parallel_loop3A_285 : i32 to index
        %parallel_loop3A_287 = arith.constant 0 : index
        %parallel_loop3A_288 = tpu.vector_load %arg10[%parallel_loop3A_286, %parallel_loop3A_287] {strides = array<i32>} : memref<384x64xf32, #tpu.memory_space<vmem>>, vector<16xf32>,
        %parallel_loop3A_289 = arith.addf %parallel_loop3A_283, %parallel_loop3A_288 : vector<16xf32>
        %parallel_loop3A_290 = arith.constant 64 : i32
        %parallel_loop3A_291 = arith.addi %parallel_loop3A_290, %parallel_loop3A_280 : i32
        %parallel_loop3A_292 = arith.index_cast %parallel_loop3A_291 : i32 to index
        %parallel_loop3A_293 = arith.constant 0 : index
        %parallel_loop3A_294 = tpu.vector_load %arg10[%parallel_loop3A_292, %parallel_loop3A_293] {strides = array<i32>} : memref<384x64xf32, #tpu.memory_space<vmem>>, vector<16xf32>,
        %parallel_loop3A_295 = arith.addf %parallel_loop3A_289, %parallel_loop3A_294 : vector<16xf32>
        %parallel_loop3A_296 = arith.constant 96 : i32
        %parallel_loop3A_297 = arith.addi %parallel_loop3A_296, %parallel_loop3A_280 : i32
        %parallel_loop3A_298 = arith.index_cast %parallel_loop3A_297 : i32 to index
        %parallel_loop3A_299 = arith.constant 0 : index
        %parallel_loop3A_300 = tpu.vector_load %arg10[%parallel_loop3A_298, %parallel_loop3A_299] {strides = array<i32>} : memref<384x64xf32, #tpu.memory_space<vmem>>, vector<16xf32>,
        %parallel_loop3A_301 = arith.addf %parallel_loop3A_295, %parallel_loop3A_300 : vector<16xf32>
        %parallel_loop3A_302 = arith.constant 128 : i32
        %parallel_loop3A_303 = arith.addi %parallel_loop3A_302, %parallel_loop3A_280 : i32
        %parallel_loop3A_304 = arith.index_cast %parallel_loop3A_303 : i32 to index
        %parallel_loop3A_305 = arith.constant 0 : index
        %parallel_loop3A_306 = tpu.vector_load %arg10[%parallel_loop3A_304, %parallel_loop3A_305] {strides = array<i32>} : memref<384x64xf32, #tpu.memory_space<vmem>>, vector<16xf32>,
        %parallel_loop3A_307 = arith.addf %parallel_loop3A_301, %parallel_loop3A_306 : vector<16xf32>
        %parallel_loop3A_308 = arith.constant 160 : i32
        %parallel_loop3A_309 = arith.addi %parallel_loop3A_308, %parallel_loop3A_280 : i32
        %parallel_loop3A_310 = arith.index_cast %parallel_loop3A_309 : i32 to index
        %parallel_loop3A_311 = arith.constant 0 : index
        %parallel_loop3A_312 = tpu.vector_load %arg10[%parallel_loop3A_310, %parallel_loop3A_311] {strides = array<i32>} : memref<384x64xf32, #tpu.memory_space<vmem>>, vector<16xf32>,
        %parallel_loop3A_313 = arith.addf %parallel_loop3A_307, %parallel_loop3A_312 : vector<16xf32>
        %parallel_loop3A_314 = arith.constant 192 : i32
        %parallel_loop3A_315 = arith.addi %parallel_loop3A_314, %parallel_loop3A_280 : i32
        %parallel_loop3A_316 = arith.index_cast %parallel_loop3A_315 : i32 to index
        %parallel_loop3A_317 = arith.constant 0 : index
        %parallel_loop3A_318 = tpu.vector_load %arg10[%parallel_loop3A_316, %parallel_loop3A_317] {strides = array<i32>} : memref<384x64xf32, #tpu.memory_space<vmem>>, vector<16xf32>,
        %parallel_loop3A_319 = arith.addf %parallel_loop3A_313, %parallel_loop3A_318 : vector<16xf32>
        %parallel_loop3A_320 = arith.constant 224 : i32
        %parallel_loop3A_321 = arith.addi %parallel_loop3A_320, %parallel_loop3A_280 : i32
        %parallel_loop3A_322 = arith.index_cast %parallel_loop3A_321 : i32 to index
        %parallel_loop3A_323 = arith.constant 0 : index
        %parallel_loop3A_324 = tpu.vector_load %arg10[%parallel_loop3A_322, %parallel_loop3A_323] {strides = array<i32>} : memref<384x64xf32, #tpu.memory_space<vmem>>, vector<16xf32>,
        %parallel_loop3A_325 = arith.addf %parallel_loop3A_319, %parallel_loop3A_324 : vector<16xf32>
        %parallel_loop3A_326 = arith.constant 256 : i32
        %parallel_loop3A_327 = arith.addi %parallel_loop3A_326, %parallel_loop3A_280 : i32
        %parallel_loop3A_328 = arith.index_cast %parallel_loop3A_327 : i32 to index
        %parallel_loop3A_329 = arith.constant 0 : index
        %parallel_loop3A_330 = tpu.vector_load %arg10[%parallel_loop3A_328, %parallel_loop3A_329] {strides = array<i32>} : memref<384x64xf32, #tpu.memory_space<vmem>>, vector<16xf32>,
        %parallel_loop3A_331 = arith.addf %parallel_loop3A_325, %parallel_loop3A_330 : vector<16xf32>
        %parallel_loop3A_332 = arith.constant 288 : i32
        %parallel_loop3A_333 = arith.addi %parallel_loop3A_332, %parallel_loop3A_280 : i32
        %parallel_loop3A_334 = arith.index_cast %parallel_loop3A_333 : i32 to index
        %parallel_loop3A_335 = arith.constant 0 : index
        %parallel_loop3A_336 = tpu.vector_load %arg10[%parallel_loop3A_334, %parallel_loop3A_335] {strides = array<i32>} : memref<384x64xf32, #tpu.memory_space<vmem>>, vector<16xf32>,
        %parallel_loop3A_337 = arith.addf %parallel_loop3A_331, %parallel_loop3A_336 : vector<16xf32>
        %parallel_loop3A_338 = arith.constant 320 : i32
        %parallel_loop3A_339 = arith.addi %parallel_loop3A_338, %parallel_loop3A_280 : i32
        %parallel_loop3A_340 = arith.index_cast %parallel_loop3A_339 : i32 to index
        %parallel_loop3A_341 = arith.constant 0 : index
        %parallel_loop3A_342 = tpu.vector_load %arg10[%parallel_loop3A_340, %parallel_loop3A_341] {strides = array<i32>} : memref<384x64xf32, #tpu.memory_space<vmem>>, vector<16xf32>,
        %parallel_loop3A_343 = arith.addf %parallel_loop3A_337, %parallel_loop3A_342 : vector<16xf32>
        %parallel_loop3A_344 = arith.constant 352 : i32
        %parallel_loop3A_345 = arith.addi %parallel_loop3A_344, %parallel_loop3A_280 : i32
        %parallel_loop3A_346 = arith.index_cast %parallel_loop3A_345 : i32 to index
        %parallel_loop3A_347 = arith.constant 0 : index
        %parallel_loop3A_348 = tpu.vector_load %arg10[%parallel_loop3A_346, %parallel_loop3A_347] {strides = array<i32>} : memref<384x64xf32, #tpu.memory_space<vmem>>, vector<16xf32>,
        %parallel_loop3A_349 = arith.addf %parallel_loop3A_343, %parallel_loop3A_348 : vector<16xf32>
        %parallel_loop3A_350 = arith.index_cast %parallel_loop3A_280 : i32 to index
        %parallel_loop3A_351 = arith.constant 0 : index
        %parallel_loop3A_352 = tpu.vector_load %arg12[%parallel_loop3A_350, %parallel_loop3A_351] {strides = array<i32>} : memref<32x64xf32, #tpu.memory_space<vmem>>, vector<16xf32>,
        tpu.vector_store %arg12[%parallel_loop3A_350, %parallel_loop3A_351], %parallel_loop3A_349 {strides = array<i32>} : memref<32x64xf32, #tpu.memory_space<vmem>>, vector<16xf32>,
        %parallel_loop3A_353 = arith.index_cast %parallel_loop3A_280 : i32 to index
        %parallel_loop3A_354 = arith.constant 16 : index
        %parallel_loop3A_355 = tpu.vector_load %arg10[%parallel_loop3A_353, %parallel_loop3A_354] {strides = array<i32>} : memref<384x64xf32, #tpu.memory_space<vmem>>, vector<16xf32>,
        %parallel_loop3A_356 = arith.constant 32 : i32
        %parallel_loop3A_357 = arith.addi %parallel_loop3A_356, %parallel_loop3A_280 : i32
        %parallel_loop3A_358 = arith.index_cast %parallel_loop3A_357 : i32 to index
        %parallel_loop3A_359 = arith.constant 16 : index
        %parallel_loop3A_360 = tpu.vector_load %arg10[%parallel_loop3A_358, %parallel_loop3A_359] {strides = array<i32>} : memref<384x64xf32, #tpu.memory_space<vmem>>, vector<16xf32>,
        %parallel_loop3A_361 = arith.addf %parallel_loop3A_355, %parallel_loop3A_360 : vector<16xf32>
        %parallel_loop3A_362 = arith.constant 64 : i32
        %parallel_loop3A_363 = arith.addi %parallel_loop3A_362, %parallel_loop3A_280 : i32
        %parallel_loop3A_364 = arith.index_cast %parallel_loop3A_363 : i32 to index
        %parallel_loop3A_365 = arith.constant 16 : index
        %parallel_loop3A_366 = tpu.vector_load %arg10[%parallel_loop3A_364, %parallel_loop3A_365] {strides = array<i32>} : memref<384x64xf32, #tpu.memory_space<vmem>>, vector<16xf32>,
        %parallel_loop3A_367 = arith.addf %parallel_loop3A_361, %parallel_loop3A_366 : vector<16xf32>
        %parallel_loop3A_368 = arith.constant 96 : i32
        %parallel_loop3A_369 = arith.addi %parallel_loop3A_368, %parallel_loop3A_280 : i32
        %parallel_loop3A_370 = arith.index_cast %parallel_loop3A_369 : i32 to index
        %parallel_loop3A_371 = arith.constant 16 : index
        %parallel_loop3A_372 = tpu.vector_load %arg10[%parallel_loop3A_370, %parallel_loop3A_371] {strides = array<i32>} : memref<384x64xf32, #tpu.memory_space<vmem>>, vector<16xf32>,
        %parallel_loop3A_373 = arith.addf %parallel_loop3A_367, %parallel_loop3A_372 : vector<16xf32>
        %parallel_loop3A_374 = arith.constant 128 : i32
        %parallel_loop3A_375 = arith.addi %parallel_loop3A_374, %parallel_loop3A_280 : i32
        %parallel_loop3A_376 = arith.index_cast %parallel_loop3A_375 : i32 to index
        %parallel_loop3A_377 = arith.constant 16 : index
        %parallel_loop3A_378 = tpu.vector_load %arg10[%parallel_loop3A_376, %parallel_loop3A_377] {strides = array<i32>} : memref<384x64xf32, #tpu.memory_space<vmem>>, vector<16xf32>,
        %parallel_loop3A_379 = arith.addf %parallel_loop3A_373, %parallel_loop3A_378 : vector<16xf32>
        %parallel_loop3A_380 = arith.constant 160 : i32
        %parallel_loop3A_381 = arith.addi %parallel_loop3A_380, %parallel_loop3A_280 : i32
        %parallel_loop3A_382 = arith.index_cast %parallel_loop3A_381 : i32 to index
        %parallel_loop3A_383 = arith.constant 16 : index
        %parallel_loop3A_384 = tpu.vector_load %arg10[%parallel_loop3A_382, %parallel_loop3A_383] {strides = array<i32>} : memref<384x64xf32, #tpu.memory_space<vmem>>, vector<16xf32>,
        %parallel_loop3A_385 = arith.addf %parallel_loop3A_379, %parallel_loop3A_384 : vector<16xf32>
        %parallel_loop3A_386 = arith.constant 192 : i32
        %parallel_loop3A_387 = arith.addi %parallel_loop3A_386, %parallel_loop3A_280 : i32
        %parallel_loop3A_388 = arith.index_cast %parallel_loop3A_387 : i32 to index
        %parallel_loop3A_389 = arith.constant 16 : index
        %parallel_loop3A_390 = tpu.vector_load %arg10[%parallel_loop3A_388, %parallel_loop3A_389] {strides = array<i32>} : memref<384x64xf32, #tpu.memory_space<vmem>>, vector<16xf32>,
        %parallel_loop3A_391 = arith.addf %parallel_loop3A_385, %parallel_loop3A_390 : vector<16xf32>
        %parallel_loop3A_392 = arith.constant 224 : i32
        %parallel_loop3A_393 = arith.addi %parallel_loop3A_392, %parallel_loop3A_280 : i32
        %parallel_loop3A_394 = arith.index_cast %parallel_loop3A_393 : i32 to index
        %parallel_loop3A_395 = arith.constant 16 : index
        %parallel_loop3A_396 = tpu.vector_load %arg10[%parallel_loop3A_394, %parallel_loop3A_395] {strides = array<i32>} : memref<384x64xf32, #tpu.memory_space<vmem>>, vector<16xf32>,
        %parallel_loop3A_397 = arith.addf %parallel_loop3A_391, %parallel_loop3A_396 : vector<16xf32>
        %parallel_loop3A_398 = arith.constant 256 : i32
        %parallel_loop3A_399 = arith.addi %parallel_loop3A_398, %parallel_loop3A_280 : i32
        %parallel_loop3A_400 = arith.index_cast %parallel_loop3A_399 : i32 to index
        %parallel_loop3A_401 = arith.constant 16 : index
        %parallel_loop3A_402 = tpu.vector_load %arg10[%parallel_loop3A_400, %parallel_loop3A_401] {strides = array<i32>} : memref<384x64xf32, #tpu.memory_space<vmem>>, vector<16xf32>,
        %parallel_loop3A_403 = arith.addf %parallel_loop3A_397, %parallel_loop3A_402 : vector<16xf32>
        %parallel_loop3A_404 = arith.constant 288 : i32
        %parallel_loop3A_405 = arith.addi %parallel_loop3A_404, %parallel_loop3A_280 : i32
        %parallel_loop3A_406 = arith.index_cast %parallel_loop3A_405 : i32 to index
        %parallel_loop3A_407 = arith.constant 16 : index
        %parallel_loop3A_408 = tpu.vector_load %arg10[%parallel_loop3A_406, %parallel_loop3A_407] {strides = array<i32>} : memref<384x64xf32, #tpu.memory_space<vmem>>, vector<16xf32>,
        %parallel_loop3A_409 = arith.addf %parallel_loop3A_403, %parallel_loop3A_408 : vector<16xf32>
        %parallel_loop3A_410 = arith.constant 320 : i32
        %parallel_loop3A_411 = arith.addi %parallel_loop3A_410, %parallel_loop3A_280 : i32
        %parallel_loop3A_412 = arith.index_cast %parallel_loop3A_411 : i32 to index
        %parallel_loop3A_413 = arith.constant 16 : index
        %parallel_loop3A_414 = tpu.vector_load %arg10[%parallel_loop3A_412, %parallel_loop3A_413] {strides = array<i32>} : memref<384x64xf32, #tpu.memory_space<vmem>>, vector<16xf32>,
        %parallel_loop3A_415 = arith.addf %parallel_loop3A_409, %parallel_loop3A_414 : vector<16xf32>
        %parallel_loop3A_416 = arith.constant 352 : i32
        %parallel_loop3A_417 = arith.addi %parallel_loop3A_416, %parallel_loop3A_280 : i32
        %parallel_loop3A_418 = arith.index_cast %parallel_loop3A_417 : i32 to index
        %parallel_loop3A_419 = arith.constant 16 : index
        %parallel_loop3A_420 = tpu.vector_load %arg10[%parallel_loop3A_418, %parallel_loop3A_419] {strides = array<i32>} : memref<384x64xf32, #tpu.memory_space<vmem>>, vector<16xf32>,
        %parallel_loop3A_421 = arith.addf %parallel_loop3A_415, %parallel_loop3A_420 : vector<16xf32>
        %parallel_loop3A_422 = arith.index_cast %parallel_loop3A_280 : i32 to index
        %parallel_loop3A_423 = arith.constant 16 : index
        %parallel_loop3A_424 = tpu.vector_load %arg12[%parallel_loop3A_422, %parallel_loop3A_423] {strides = array<i32>} : memref<32x64xf32, #tpu.memory_space<vmem>>, vector<16xf32>,
        tpu.vector_store %arg12[%parallel_loop3A_422, %parallel_loop3A_423], %parallel_loop3A_421 {strides = array<i32>} : memref<32x64xf32, #tpu.memory_space<vmem>>, vector<16xf32>,
        %parallel_loop3A_425 = arith.index_cast %parallel_loop3A_280 : i32 to index
        %parallel_loop3A_426 = arith.constant 32 : index
        %parallel_loop3A_427 = tpu.vector_load %arg10[%parallel_loop3A_425, %parallel_loop3A_426] {strides = array<i32>} : memref<384x64xf32, #tpu.memory_space<vmem>>, vector<16xf32>,
        %parallel_loop3A_428 = arith.constant 32 : i32
        %parallel_loop3A_429 = arith.addi %parallel_loop3A_428, %parallel_loop3A_280 : i32
        %parallel_loop3A_430 = arith.index_cast %parallel_loop3A_429 : i32 to index
        %parallel_loop3A_431 = arith.constant 32 : index
        %parallel_loop3A_432 = tpu.vector_load %arg10[%parallel_loop3A_430, %parallel_loop3A_431] {strides = array<i32>} : memref<384x64xf32, #tpu.memory_space<vmem>>, vector<16xf32>,
        %parallel_loop3A_433 = arith.addf %parallel_loop3A_427, %parallel_loop3A_432 : vector<16xf32>
        %parallel_loop3A_434 = arith.constant 64 : i32
        %parallel_loop3A_435 = arith.addi %parallel_loop3A_434, %parallel_loop3A_280 : i32
        %parallel_loop3A_436 = arith.index_cast %parallel_loop3A_435 : i32 to index
        %parallel_loop3A_437 = arith.constant 32 : index
        %parallel_loop3A_438 = tpu.vector_load %arg10[%parallel_loop3A_436, %parallel_loop3A_437] {strides = array<i32>} : memref<384x64xf32, #tpu.memory_space<vmem>>, vector<16xf32>,
        %parallel_loop3A_439 = arith.addf %parallel_loop3A_433, %parallel_loop3A_438 : vector<16xf32>
        %parallel_loop3A_440 = arith.constant 96 : i32
        %parallel_loop3A_441 = arith.addi %parallel_loop3A_440, %parallel_loop3A_280 : i32
        %parallel_loop3A_442 = arith.index_cast %parallel_loop3A_441 : i32 to index
        %parallel_loop3A_443 = arith.constant 32 : index
        %parallel_loop3A_444 = tpu.vector_load %arg10[%parallel_loop3A_442, %parallel_loop3A_443] {strides = array<i32>} : memref<384x64xf32, #tpu.memory_space<vmem>>, vector<16xf32>,
        %parallel_loop3A_445 = arith.addf %parallel_loop3A_439, %parallel_loop3A_444 : vector<16xf32>
        %parallel_loop3A_446 = arith.constant 128 : i32
        %parallel_loop3A_447 = arith.addi %parallel_loop3A_446, %parallel_loop3A_280 : i32
        %parallel_loop3A_448 = arith.index_cast %parallel_loop3A_447 : i32 to index
        %parallel_loop3A_449 = arith.constant 32 : index
        %parallel_loop3A_450 = tpu.vector_load %arg10[%parallel_loop3A_448, %parallel_loop3A_449] {strides = array<i32>} : memref<384x64xf32, #tpu.memory_space<vmem>>, vector<16xf32>,
        %parallel_loop3A_451 = arith.addf %parallel_loop3A_445, %parallel_loop3A_450 : vector<16xf32>
        %parallel_loop3A_452 = arith.constant 160 : i32
        %parallel_loop3A_453 = arith.addi %parallel_loop3A_452, %parallel_loop3A_280 : i32
        %parallel_loop3A_454 = arith.index_cast %parallel_loop3A_453 : i32 to index
        %parallel_loop3A_455 = arith.constant 32 : index
        %parallel_loop3A_456 = tpu.vector_load %arg10[%parallel_loop3A_454, %parallel_loop3A_455] {strides = array<i32>} : memref<384x64xf32, #tpu.memory_space<vmem>>, vector<16xf32>,
        %parallel_loop3A_457 = arith.addf %parallel_loop3A_451, %parallel_loop3A_456 : vector<16xf32>
        %parallel_loop3A_458 = arith.constant 192 : i32
        %parallel_loop3A_459 = arith.addi %parallel_loop3A_458, %parallel_loop3A_280 : i32
        %parallel_loop3A_460 = arith.index_cast %parallel_loop3A_459 : i32 to index
        %parallel_loop3A_461 = arith.constant 32 : index
        %parallel_loop3A_462 = tpu.vector_load %arg10[%parallel_loop3A_460, %parallel_loop3A_461] {strides = array<i32>} : memref<384x64xf32, #tpu.memory_space<vmem>>, vector<16xf32>,
        %parallel_loop3A_463 = arith.addf %parallel_loop3A_457, %parallel_loop3A_462 : vector<16xf32>
        %parallel_loop3A_464 = arith.constant 224 : i32
        %parallel_loop3A_465 = arith.addi %parallel_loop3A_464, %parallel_loop3A_280 : i32
        %parallel_loop3A_466 = arith.index_cast %parallel_loop3A_465 : i32 to index
        %parallel_loop3A_467 = arith.constant 32 : index
        %parallel_loop3A_468 = tpu.vector_load %arg10[%parallel_loop3A_466, %parallel_loop3A_467] {strides = array<i32>} : memref<384x64xf32, #tpu.memory_space<vmem>>, vector<16xf32>,
        %parallel_loop3A_469 = arith.addf %parallel_loop3A_463, %parallel_loop3A_468 : vector<16xf32>
        %parallel_loop3A_470 = arith.constant 256 : i32
        %parallel_loop3A_471 = arith.addi %parallel_loop3A_470, %parallel_loop3A_280 : i32
        %parallel_loop3A_472 = arith.index_cast %parallel_loop3A_471 : i32 to index
        %parallel_loop3A_473 = arith.constant 32 : index
        %parallel_loop3A_474 = tpu.vector_load %arg10[%parallel_loop3A_472, %parallel_loop3A_473] {strides = array<i32>} : memref<384x64xf32, #tpu.memory_space<vmem>>, vector<16xf32>,
        %parallel_loop3A_475 = arith.addf %parallel_loop3A_469, %parallel_loop3A_474 : vector<16xf32>
        %parallel_loop3A_476 = arith.constant 288 : i32
        %parallel_loop3A_477 = arith.addi %parallel_loop3A_476, %parallel_loop3A_280 : i32
        %parallel_loop3A_478 = arith.index_cast %parallel_loop3A_477 : i32 to index
        %parallel_loop3A_479 = arith.constant 32 : index
        %parallel_loop3A_480 = tpu.vector_load %arg10[%parallel_loop3A_478, %parallel_loop3A_479] {strides = array<i32>} : memref<384x64xf32, #tpu.memory_space<vmem>>, vector<16xf32>,
        %parallel_loop3A_481 = arith.addf %parallel_loop3A_475, %parallel_loop3A_480 : vector<16xf32>
        %parallel_loop3A_482 = arith.constant 320 : i32
        %parallel_loop3A_483 = arith.addi %parallel_loop3A_482, %parallel_loop3A_280 : i32
        %parallel_loop3A_484 = arith.index_cast %parallel_loop3A_483 : i32 to index
        %parallel_loop3A_485 = arith.constant 32 : index
        %parallel_loop3A_486 = tpu.vector_load %arg10[%parallel_loop3A_484, %parallel_loop3A_485] {strides = array<i32>} : memref<384x64xf32, #tpu.memory_space<vmem>>, vector<16xf32>,
        %parallel_loop3A_487 = arith.addf %parallel_loop3A_481, %parallel_loop3A_486 : vector<16xf32>
        %parallel_loop3A_488 = arith.constant 352 : i32
        %parallel_loop3A_489 = arith.addi %parallel_loop3A_488, %parallel_loop3A_280 : i32
        %parallel_loop3A_490 = arith.index_cast %parallel_loop3A_489 : i32 to index
        %parallel_loop3A_491 = arith.constant 32 : index
        %parallel_loop3A_492 = tpu.vector_load %arg10[%parallel_loop3A_490, %parallel_loop3A_491] {strides = array<i32>} : memref<384x64xf32, #tpu.memory_space<vmem>>, vector<16xf32>,
        %parallel_loop3A_493 = arith.addf %parallel_loop3A_487, %parallel_loop3A_492 : vector<16xf32>
        %parallel_loop3A_494 = arith.index_cast %parallel_loop3A_280 : i32 to index
        %parallel_loop3A_495 = arith.constant 32 : index
        %parallel_loop3A_496 = tpu.vector_load %arg12[%parallel_loop3A_494, %parallel_loop3A_495] {strides = array<i32>} : memref<32x64xf32, #tpu.memory_space<vmem>>, vector<16xf32>,
        tpu.vector_store %arg12[%parallel_loop3A_494, %parallel_loop3A_495], %parallel_loop3A_493 {strides = array<i32>} : memref<32x64xf32, #tpu.memory_space<vmem>>, vector<16xf32>,
        %parallel_loop3A_497 = arith.index_cast %parallel_loop3A_280 : i32 to index
        %parallel_loop3A_498 = arith.constant 48 : index
        %parallel_loop3A_499 = tpu.vector_load %arg10[%parallel_loop3A_497, %parallel_loop3A_498] {strides = array<i32>} : memref<384x64xf32, #tpu.memory_space<vmem>>, vector<16xf32>,
        %parallel_loop3A_500 = arith.constant 32 : i32
        %parallel_loop3A_501 = arith.addi %parallel_loop3A_500, %parallel_loop3A_280 : i32
        %parallel_loop3A_502 = arith.index_cast %parallel_loop3A_501 : i32 to index
        %parallel_loop3A_503 = arith.constant 48 : index
        %parallel_loop3A_504 = tpu.vector_load %arg10[%parallel_loop3A_502, %parallel_loop3A_503] {strides = array<i32>} : memref<384x64xf32, #tpu.memory_space<vmem>>, vector<16xf32>,
        %parallel_loop3A_505 = arith.addf %parallel_loop3A_499, %parallel_loop3A_504 : vector<16xf32>
        %parallel_loop3A_506 = arith.constant 64 : i32
        %parallel_loop3A_507 = arith.addi %parallel_loop3A_506, %parallel_loop3A_280 : i32
        %parallel_loop3A_508 = arith.index_cast %parallel_loop3A_507 : i32 to index
        %parallel_loop3A_509 = arith.constant 48 : index
        %parallel_loop3A_510 = tpu.vector_load %arg10[%parallel_loop3A_508, %parallel_loop3A_509] {strides = array<i32>} : memref<384x64xf32, #tpu.memory_space<vmem>>, vector<16xf32>,
        %parallel_loop3A_511 = arith.addf %parallel_loop3A_505, %parallel_loop3A_510 : vector<16xf32>
        %parallel_loop3A_512 = arith.constant 96 : i32
        %parallel_loop3A_513 = arith.addi %parallel_loop3A_512, %parallel_loop3A_280 : i32
        %parallel_loop3A_514 = arith.index_cast %parallel_loop3A_513 : i32 to index
        %parallel_loop3A_515 = arith.constant 48 : index
        %parallel_loop3A_516 = tpu.vector_load %arg10[%parallel_loop3A_514, %parallel_loop3A_515] {strides = array<i32>} : memref<384x64xf32, #tpu.memory_space<vmem>>, vector<16xf32>,
        %parallel_loop3A_517 = arith.addf %parallel_loop3A_511, %parallel_loop3A_516 : vector<16xf32>
        %parallel_loop3A_518 = arith.constant 128 : i32
        %parallel_loop3A_519 = arith.addi %parallel_loop3A_518, %parallel_loop3A_280 : i32
        %parallel_loop3A_520 = arith.index_cast %parallel_loop3A_519 : i32 to index
        %parallel_loop3A_521 = arith.constant 48 : index
        %parallel_loop3A_522 = tpu.vector_load %arg10[%parallel_loop3A_520, %parallel_loop3A_521] {strides = array<i32>} : memref<384x64xf32, #tpu.memory_space<vmem>>, vector<16xf32>,
        %parallel_loop3A_523 = arith.addf %parallel_loop3A_517, %parallel_loop3A_522 : vector<16xf32>
        %parallel_loop3A_524 = arith.constant 160 : i32
        %parallel_loop3A_525 = arith.addi %parallel_loop3A_524, %parallel_loop3A_280 : i32
        %parallel_loop3A_526 = arith.index_cast %parallel_loop3A_525 : i32 to index
        %parallel_loop3A_527 = arith.constant 48 : index
        %parallel_loop3A_528 = tpu.vector_load %arg10[%parallel_loop3A_526, %parallel_loop3A_527] {strides = array<i32>} : memref<384x64xf32, #tpu.memory_space<vmem>>, vector<16xf32>,
        %parallel_loop3A_529 = arith.addf %parallel_loop3A_523, %parallel_loop3A_528 : vector<16xf32>
        %parallel_loop3A_530 = arith.constant 192 : i32
        %parallel_loop3A_531 = arith.addi %parallel_loop3A_530, %parallel_loop3A_280 : i32
        %parallel_loop3A_532 = arith.index_cast %parallel_loop3A_531 : i32 to index
        %parallel_loop3A_533 = arith.constant 48 : index
        %parallel_loop3A_534 = tpu.vector_load %arg10[%parallel_loop3A_532, %parallel_loop3A_533] {strides = array<i32>} : memref<384x64xf32, #tpu.memory_space<vmem>>, vector<16xf32>,
        %parallel_loop3A_535 = arith.addf %parallel_loop3A_529, %parallel_loop3A_534 : vector<16xf32>
        %parallel_loop3A_536 = arith.constant 224 : i32
        %parallel_loop3A_537 = arith.addi %parallel_loop3A_536, %parallel_loop3A_280 : i32
        %parallel_loop3A_538 = arith.index_cast %parallel_loop3A_537 : i32 to index
        %parallel_loop3A_539 = arith.constant 48 : index
        %parallel_loop3A_540 = tpu.vector_load %arg10[%parallel_loop3A_538, %parallel_loop3A_539] {strides = array<i32>} : memref<384x64xf32, #tpu.memory_space<vmem>>, vector<16xf32>,
        %parallel_loop3A_541 = arith.addf %parallel_loop3A_535, %parallel_loop3A_540 : vector<16xf32>
        %parallel_loop3A_542 = arith.constant 256 : i32
        %parallel_loop3A_543 = arith.addi %parallel_loop3A_542, %parallel_loop3A_280 : i32
        %parallel_loop3A_544 = arith.index_cast %parallel_loop3A_543 : i32 to index
        %parallel_loop3A_545 = arith.constant 48 : index
        %parallel_loop3A_546 = tpu.vector_load %arg10[%parallel_loop3A_544, %parallel_loop3A_545] {strides = array<i32>} : memref<384x64xf32, #tpu.memory_space<vmem>>, vector<16xf32>,
        %parallel_loop3A_547 = arith.addf %parallel_loop3A_541, %parallel_loop3A_546 : vector<16xf32>
        %parallel_loop3A_548 = arith.constant 288 : i32
        %parallel_loop3A_549 = arith.addi %parallel_loop3A_548, %parallel_loop3A_280 : i32
        %parallel_loop3A_550 = arith.index_cast %parallel_loop3A_549 : i32 to index
        %parallel_loop3A_551 = arith.constant 48 : index
        %parallel_loop3A_552 = tpu.vector_load %arg10[%parallel_loop3A_550, %parallel_loop3A_551] {strides = array<i32>} : memref<384x64xf32, #tpu.memory_space<vmem>>, vector<16xf32>,
        %parallel_loop3A_553 = arith.addf %parallel_loop3A_547, %parallel_loop3A_552 : vector<16xf32>
        %parallel_loop3A_554 = arith.constant 320 : i32
        %parallel_loop3A_555 = arith.addi %parallel_loop3A_554, %parallel_loop3A_280 : i32
        %parallel_loop3A_556 = arith.index_cast %parallel_loop3A_555 : i32 to index
        %parallel_loop3A_557 = arith.constant 48 : index
        %parallel_loop3A_558 = tpu.vector_load %arg10[%parallel_loop3A_556, %parallel_loop3A_557] {strides = array<i32>} : memref<384x64xf32, #tpu.memory_space<vmem>>, vector<16xf32>,
        %parallel_loop3A_559 = arith.addf %parallel_loop3A_553, %parallel_loop3A_558 : vector<16xf32>
        %parallel_loop3A_560 = arith.constant 352 : i32
        %parallel_loop3A_561 = arith.addi %parallel_loop3A_560, %parallel_loop3A_280 : i32
        %parallel_loop3A_562 = arith.index_cast %parallel_loop3A_561 : i32 to index
        %parallel_loop3A_563 = arith.constant 48 : index
        %parallel_loop3A_564 = tpu.vector_load %arg10[%parallel_loop3A_562, %parallel_loop3A_563] {strides = array<i32>} : memref<384x64xf32, #tpu.memory_space<vmem>>, vector<16xf32>,
        %parallel_loop3A_565 = arith.addf %parallel_loop3A_559, %parallel_loop3A_564 : vector<16xf32>
        %parallel_loop3A_566 = arith.index_cast %parallel_loop3A_280 : i32 to index
        %parallel_loop3A_567 = arith.constant 48 : index
        %parallel_loop3A_568 = tpu.vector_load %arg12[%parallel_loop3A_566, %parallel_loop3A_567] {strides = array<i32>} : memref<32x64xf32, #tpu.memory_space<vmem>>, vector<16xf32>,
        tpu.vector_store %arg12[%parallel_loop3A_566, %parallel_loop3A_567], %parallel_loop3A_565 {strides = array<i32>} : memref<32x64xf32, #tpu.memory_space<vmem>>, vector<16xf32>,
      } {sc.loop_unroll_factor = 2 : i64, sc.parallel_access}
      %mul3A_236 = arith.constant 32 : i32
      %mul3A_237 = arith.muli %sub3A_232, %mul3A_236 : i32
      %add3A_238 = arith.addi %mul3A_2, %mul3A_237 : i32
      "tpu.region"() ({
        %run_scoped3A = tpu.sem_alloc : memref<!tpu.dma_semaphore, #tpu.memory_space<semaphore_mem>>
        %dma_start3A_280 = arith.constant 0 : i32
        %dma_start3A_281 = tpu.memref_slice %arg5[%add3A_238, %dma_start3A_280] : memref<51200x64xf32, #tpu.memory_space<hbm>> -> memref<32x64xf32, #tpu.memory_space<hbm>>
        %dma_start3A_282 = arith.constant 0 : i32
        %dma_start3A_283 = tpu.memref_slice %arg5[%add3A_238, %dma_start3A_282] : memref<51200x64xf32, #tpu.memory_space<hbm>> -> memref<32x64xf32, #tpu.memory_space<hbm>>
        tpu.enqueue_dma source(%arg12 : memref<32x64xf32, #tpu.memory_space<vmem>>) target(%dma_start3A_283 : memref<32x64xf32, #tpu.memory_space<hbm>>) target_semaphore(%run_scoped3A : memref<!tpu.dma_semaphore, #tpu.memory_space<semaphore_mem>>)
        %dma_wait3A_284 = arith.constant 0 : i32
        %dma_wait3A_285 = tpu.memref_slice %arg5[%add3A_238, %dma_wait3A_284] : memref<51200x64xf32, #tpu.memory_space<hbm>> -> memref<32x64xf32, #tpu.memory_space<hbm>>
        %dma_wait3A_286 = arith.constant 0 : i32
        %dma_wait3A_287 = tpu.memref_slice %arg5[%add3A_238, %dma_wait3A_286] : memref<51200x64xf32, #tpu.memory_space<hbm>> -> memref<32x64xf32, #tpu.memory_space<hbm>>
        tpu.wait_dma2 semaphore(%run_scoped3A : memref<!tpu.dma_semaphore, #tpu.memory_space<semaphore_mem>>) src(%arg12 : memref<32x64xf32, #tpu.memory_space<vmem>>) dst(%dma_wait3A_287 : memref<32x64xf32, #tpu.memory_space<hbm>>)
        tpu.yield
      }) : () -> ()
      %add3A_239 = arith.constant 1 : i32
      %add3A_240 = arith.addi %add3A_198, %add3A_239 : i32
      %parallel_loop3A_241 = arith.constant 0 : i32
      %parallel_loop3A_242 = arith.constant 32 : i32
      %parallel_loop3A_243 = arith.constant 1 : i32
      scf.for %parallel_loop3A_280 = %parallel_loop3A_241 to %parallel_loop3A_242 step %parallel_loop3A_243  : i32 {
        %parallel_loop3A_281 = arith.constant 32 : i32
        %parallel_loop3A_282 = arith.muli %add3A_240, %parallel_loop3A_281 : i32
        %parallel_loop3A_283 = arith.addi %parallel_loop3A_282, %parallel_loop3A_280 : i32
        %parallel_loop3A_284 = arith.index_cast %parallel_loop3A_283 : i32 to index
        %parallel_loop3A_285 = arith.constant 0 : index
        %parallel_loop3A_286 = tpu.vector_load %arg7[%parallel_loop3A_284, %parallel_loop3A_285] {strides = array<i32>} : memref<1600x16xi32, #tpu.memory_space<vmem>>, vector<16xi32>,
        %parallel_loop3A_287 = arith.constant 32 : i32
        %parallel_loop3A_288 = vector.broadcast %parallel_loop3A_287 : i32 to vector<16xi32>
        %parallel_loop3A_289 = arith.muli %iota3A, %parallel_loop3A_288 : vector<16xi32>
        %parallel_loop3A_290 = vector.broadcast %parallel_loop3A_280 : i32 to vector<16xi32>
        %parallel_loop3A_291 = arith.addi %parallel_loop3A_289, %parallel_loop3A_290 : vector<16xi32>
        %parallel_loop3A_292 = arith.constant 4095 : i32
        %parallel_loop3A_293 = vector.broadcast %parallel_loop3A_292 : i32 to vector<16xi32>
        %parallel_loop3A_294 = arith.andi %parallel_loop3A_286, %parallel_loop3A_293 : vector<16xi32>
        %parallel_loop3A_295 = arith.subi %parallel_loop3A_286, %parallel_loop3A_294 : vector<16xi32>
        %parallel_loop3A_296 = arith.constant 2047 : i32
        %parallel_loop3A_297 = vector.broadcast %parallel_loop3A_296 : i32 to vector<16xi32>
        %parallel_loop3A_298 = arith.andi %parallel_loop3A_294, %parallel_loop3A_297 : vector<16xi32>
        %parallel_loop3A_299 = arith.constant 2 : i32
        %parallel_loop3A_300 = vector.broadcast %parallel_loop3A_299 : i32 to vector<16xi32>
        %parallel_loop3A_301 = arith.muli %parallel_loop3A_300, %parallel_loop3A_298 : vector<16xi32>
        %parallel_loop3A_302 = arith.addi %parallel_loop3A_295, %parallel_loop3A_301 : vector<16xi32>
        %parallel_loop3A_303 = arith.constant 11 : i32
        %parallel_loop3A_304 = vector.broadcast %parallel_loop3A_303 : i32 to vector<16xi32>
        %parallel_loop3A_305 = arith.shrsi %parallel_loop3A_294, %parallel_loop3A_304 : vector<16xi32>
        %parallel_loop3A_306 = arith.addi %parallel_loop3A_302, %parallel_loop3A_305 : vector<16xi32>
        %parallel_loop3A_307 = arith.constant 384 : i32
        %parallel_loop3A_308 = arith.muli %add3A, %parallel_loop3A_307 : i32
        %parallel_loop3A_309 = vector.broadcast %parallel_loop3A_308 : i32 to vector<16xi32>
        %parallel_loop3A_310 = arith.addi %parallel_loop3A_309, %parallel_loop3A_291 : vector<16xi32>
        %parallel_loop3A_311 = arith.constant 8191 : i32
        %parallel_loop3A_312 = vector.broadcast %parallel_loop3A_311 : i32 to vector<16xi32>
        %parallel_loop3A_313 = arith.andi %parallel_loop3A_310, %parallel_loop3A_312 : vector<16xi32>
        %parallel_loop3A_314 = arith.constant 102400 : i32
        %parallel_loop3A_315 = vector.broadcast %parallel_loop3A_314 : i32 to vector<16xi32>
        %parallel_loop3A_316 = arith.addi %parallel_loop3A_315, %parallel_loop3A_313 : vector<16xi32>
        %parallel_loop3A_317 = arith.constant 0 : i32
        %parallel_loop3A_318 = vector.broadcast %parallel_loop3A_317 : i32 to vector<16xi32>
        %parallel_loop3A_319 = arith.cmpi eq, %parallel_loop3A_286, %parallel_loop3A_318 : vector<16xi32>
        %parallel_loop3A_320 = arith.select %parallel_loop3A_319, %parallel_loop3A_316, %parallel_loop3A_306 : vector<16xi1>, vector<16xi32>
        %parallel_loop3A_321 = arith.constant 12 : i32
        %parallel_loop3A_322 = vector.broadcast %parallel_loop3A_321 : i32 to vector<16xi32>
        %parallel_loop3A_323 = arith.cmpi slt, %iota3A, %parallel_loop3A_322 : vector<16xi32>
        tpu.vector_store_idx %arg8[%parallel_loop3A_291], %parallel_loop3A_320 masked %parallel_loop3A_323 : memref<384xi32, #tpu.memory_space<vmem>>[vector<16xi32>], vector<16xi32>, vector<16xi1>
      } {sc.loop_unroll_factor = 4 : i64, sc.parallel_access}
      %dma_start3A_244 = arith.constant 0 : i32
      %dma_start3A_245 = arith.constant 0 : i32
      %dma_start3A_246 = tpu.memref_slice %arg10[%dma_start3A_244, %dma_start3A_245] : memref<384x64xf32, #tpu.memory_space<vmem>> -> memref<128x64xf32, #tpu.memory_space<vmem>>
      %dma_start3A_247 = arith.constant 0 : i32
      %dma_start3A_248 = tpu.memref_slice %arg8[%dma_start3A_247] : memref<384xi32, #tpu.memory_space<vmem>> -> memref<128xi32, #tpu.memory_space<vmem>>
      %dma_start3A_249 = arith.constant 0 : i32
      %dma_start3A_250 = arith.constant 0 : i32
      %dma_start3A_251 = tpu.memref_slice %arg4[%dma_start3A_249, %dma_start3A_250] : memref<110592x64xf32, #tpu.memory_space<hbm>> -> memref<110592x64xf32, #tpu.memory_space<hbm>>
      tpu.enqueue_indirect_dma source(%dma_start3A_251 : memref<110592x64xf32, #tpu.memory_space<hbm>>) target(%dma_start3A_246 : memref<128x64xf32, #tpu.memory_space<vmem>>) offsets(%dma_start3A_248 : memref<128xi32, #tpu.memory_space<vmem>>) semaphore(%arg14 : memref<!tpu.dma_semaphore, #tpu.memory_space<semaphore_mem>>)
      %dma_start3A_252 = arith.constant 128 : i32
      %dma_start3A_253 = arith.constant 0 : i32
      %dma_start3A_254 = tpu.memref_slice %arg10[%dma_start3A_252, %dma_start3A_253] : memref<384x64xf32, #tpu.memory_space<vmem>> -> memref<128x64xf32, #tpu.memory_space<vmem>>
      %dma_start3A_255 = arith.constant 128 : i32
      %dma_start3A_256 = tpu.memref_slice %arg8[%dma_start3A_255] : memref<384xi32, #tpu.memory_space<vmem>> -> memref<128xi32, #tpu.memory_space<vmem>>
      %dma_start3A_257 = arith.constant 0 : i32
      %dma_start3A_258 = arith.constant 0 : i32
      %dma_start3A_259 = tpu.memref_slice %arg4[%dma_start3A_257, %dma_start3A_258] : memref<110592x64xf32, #tpu.memory_space<hbm>> -> memref<110592x64xf32, #tpu.memory_space<hbm>>
      tpu.enqueue_indirect_dma source(%dma_start3A_259 : memref<110592x64xf32, #tpu.memory_space<hbm>>) target(%dma_start3A_254 : memref<128x64xf32, #tpu.memory_space<vmem>>) offsets(%dma_start3A_256 : memref<128xi32, #tpu.memory_space<vmem>>) semaphore(%arg14 : memref<!tpu.dma_semaphore, #tpu.memory_space<semaphore_mem>>)
      %dma_start3A_260 = arith.constant 256 : i32
      %dma_start3A_261 = arith.constant 0 : i32
      %dma_start3A_262 = tpu.memref_slice %arg10[%dma_start3A_260, %dma_start3A_261] : memref<384x64xf32, #tpu.memory_space<vmem>> -> memref<128x64xf32, #tpu.memory_space<vmem>>
      %dma_start3A_263 = arith.constant 256 : i32
      %dma_start3A_264 = tpu.memref_slice %arg8[%dma_start3A_263] : memref<384xi32, #tpu.memory_space<vmem>> -> memref<128xi32, #tpu.memory_space<vmem>>
      %dma_start3A_265 = arith.constant 0 : i32
      %dma_start3A_266 = arith.constant 0 : i32
      %dma_start3A_267 = tpu.memref_slice %arg4[%dma_start3A_265, %dma_start3A_266] : memref<110592x64xf32, #tpu.memory_space<hbm>> -> memref<110592x64xf32, #tpu.memory_space<hbm>>
      tpu.enqueue_indirect_dma source(%dma_start3A_267 : memref<110592x64xf32, #tpu.memory_space<hbm>>) target(%dma_start3A_262 : memref<128x64xf32, #tpu.memory_space<vmem>>) offsets(%dma_start3A_264 : memref<128xi32, #tpu.memory_space<vmem>>) semaphore(%arg14 : memref<!tpu.dma_semaphore, #tpu.memory_space<semaphore_mem>>)
      %dma_wait3A_268 = arith.constant 0 : i32
      %dma_wait3A_269 = arith.constant 0 : i32
      %dma_wait3A_270 = tpu.memref_slice %arg4[%dma_wait3A_268, %dma_wait3A_269] : memref<110592x64xf32, #tpu.memory_space<hbm>> -> memref<384x64xf32, #tpu.memory_space<hbm>>
      %dma_wait3A_271 = arith.constant 0 : i32
      %dma_wait3A_272 = arith.constant 0 : i32
      %dma_wait3A_273 = tpu.memref_slice %arg4[%dma_wait3A_271, %dma_wait3A_272] : memref<110592x64xf32, #tpu.memory_space<hbm>> -> memref<384x64xf32, #tpu.memory_space<hbm>>
      tpu.wait_dma2 semaphore(%arg15 : memref<!tpu.dma_semaphore, #tpu.memory_space<semaphore_mem>>) src(%dma_wait3A_273 : memref<384x64xf32, #tpu.memory_space<hbm>>) dst(%arg11 : memref<384x64xf32, #tpu.memory_space<vmem>>)
      %parallel_loop3A_274 = arith.constant 0 : i32
      %parallel_loop3A_275 = arith.constant 32 : i32
      %parallel_loop3A_276 = arith.constant 1 : i32
      scf.for %parallel_loop3A_280 = %parallel_loop3A_274 to %parallel_loop3A_275 step %parallel_loop3A_276  : i32 {
        %parallel_loop3A_281 = arith.index_cast %parallel_loop3A_280 : i32 to index
        %parallel_loop3A_282 = arith.constant 0 : index
        %parallel_loop3A_283 = tpu.vector_load %arg11[%parallel_loop3A_281, %parallel_loop3A_282] {strides = array<i32>} : memref<384x64xf32, #tpu.memory_space<vmem>>, vector<16xf32>,
        %parallel_loop3A_284 = arith.constant 32 : i32
        %parallel_loop3A_285 = arith.addi %parallel_loop3A_284, %parallel_loop3A_280 : i32
        %parallel_loop3A_286 = arith.index_cast %parallel_loop3A_285 : i32 to index
        %parallel_loop3A_287 = arith.constant 0 : index
        %parallel_loop3A_288 = tpu.vector_load %arg11[%parallel_loop3A_286, %parallel_loop3A_287] {strides = array<i32>} : memref<384x64xf32, #tpu.memory_space<vmem>>, vector<16xf32>,
        %parallel_loop3A_289 = arith.addf %parallel_loop3A_283, %parallel_loop3A_288 : vector<16xf32>
        %parallel_loop3A_290 = arith.constant 64 : i32
        %parallel_loop3A_291 = arith.addi %parallel_loop3A_290, %parallel_loop3A_280 : i32
        %parallel_loop3A_292 = arith.index_cast %parallel_loop3A_291 : i32 to index
        %parallel_loop3A_293 = arith.constant 0 : index
        %parallel_loop3A_294 = tpu.vector_load %arg11[%parallel_loop3A_292, %parallel_loop3A_293] {strides = array<i32>} : memref<384x64xf32, #tpu.memory_space<vmem>>, vector<16xf32>,
        %parallel_loop3A_295 = arith.addf %parallel_loop3A_289, %parallel_loop3A_294 : vector<16xf32>
        %parallel_loop3A_296 = arith.constant 96 : i32
        %parallel_loop3A_297 = arith.addi %parallel_loop3A_296, %parallel_loop3A_280 : i32
        %parallel_loop3A_298 = arith.index_cast %parallel_loop3A_297 : i32 to index
        %parallel_loop3A_299 = arith.constant 0 : index
        %parallel_loop3A_300 = tpu.vector_load %arg11[%parallel_loop3A_298, %parallel_loop3A_299] {strides = array<i32>} : memref<384x64xf32, #tpu.memory_space<vmem>>, vector<16xf32>,
        %parallel_loop3A_301 = arith.addf %parallel_loop3A_295, %parallel_loop3A_300 : vector<16xf32>
        %parallel_loop3A_302 = arith.constant 128 : i32
        %parallel_loop3A_303 = arith.addi %parallel_loop3A_302, %parallel_loop3A_280 : i32
        %parallel_loop3A_304 = arith.index_cast %parallel_loop3A_303 : i32 to index
        %parallel_loop3A_305 = arith.constant 0 : index
        %parallel_loop3A_306 = tpu.vector_load %arg11[%parallel_loop3A_304, %parallel_loop3A_305] {strides = array<i32>} : memref<384x64xf32, #tpu.memory_space<vmem>>, vector<16xf32>,
        %parallel_loop3A_307 = arith.addf %parallel_loop3A_301, %parallel_loop3A_306 : vector<16xf32>
        %parallel_loop3A_308 = arith.constant 160 : i32
        %parallel_loop3A_309 = arith.addi %parallel_loop3A_308, %parallel_loop3A_280 : i32
        %parallel_loop3A_310 = arith.index_cast %parallel_loop3A_309 : i32 to index
        %parallel_loop3A_311 = arith.constant 0 : index
        %parallel_loop3A_312 = tpu.vector_load %arg11[%parallel_loop3A_310, %parallel_loop3A_311] {strides = array<i32>} : memref<384x64xf32, #tpu.memory_space<vmem>>, vector<16xf32>,
        %parallel_loop3A_313 = arith.addf %parallel_loop3A_307, %parallel_loop3A_312 : vector<16xf32>
        %parallel_loop3A_314 = arith.constant 192 : i32
        %parallel_loop3A_315 = arith.addi %parallel_loop3A_314, %parallel_loop3A_280 : i32
        %parallel_loop3A_316 = arith.index_cast %parallel_loop3A_315 : i32 to index
        %parallel_loop3A_317 = arith.constant 0 : index
        %parallel_loop3A_318 = tpu.vector_load %arg11[%parallel_loop3A_316, %parallel_loop3A_317] {strides = array<i32>} : memref<384x64xf32, #tpu.memory_space<vmem>>, vector<16xf32>,
        %parallel_loop3A_319 = arith.addf %parallel_loop3A_313, %parallel_loop3A_318 : vector<16xf32>
        %parallel_loop3A_320 = arith.constant 224 : i32
        %parallel_loop3A_321 = arith.addi %parallel_loop3A_320, %parallel_loop3A_280 : i32
        %parallel_loop3A_322 = arith.index_cast %parallel_loop3A_321 : i32 to index
        %parallel_loop3A_323 = arith.constant 0 : index
        %parallel_loop3A_324 = tpu.vector_load %arg11[%parallel_loop3A_322, %parallel_loop3A_323] {strides = array<i32>} : memref<384x64xf32, #tpu.memory_space<vmem>>, vector<16xf32>,
        %parallel_loop3A_325 = arith.addf %parallel_loop3A_319, %parallel_loop3A_324 : vector<16xf32>
        %parallel_loop3A_326 = arith.constant 256 : i32
        %parallel_loop3A_327 = arith.addi %parallel_loop3A_326, %parallel_loop3A_280 : i32
        %parallel_loop3A_328 = arith.index_cast %parallel_loop3A_327 : i32 to index
        %parallel_loop3A_329 = arith.constant 0 : index
        %parallel_loop3A_330 = tpu.vector_load %arg11[%parallel_loop3A_328, %parallel_loop3A_329] {strides = array<i32>} : memref<384x64xf32, #tpu.memory_space<vmem>>, vector<16xf32>,
        %parallel_loop3A_331 = arith.addf %parallel_loop3A_325, %parallel_loop3A_330 : vector<16xf32>
        %parallel_loop3A_332 = arith.constant 288 : i32
        %parallel_loop3A_333 = arith.addi %parallel_loop3A_332, %parallel_loop3A_280 : i32
        %parallel_loop3A_334 = arith.index_cast %parallel_loop3A_333 : i32 to index
        %parallel_loop3A_335 = arith.constant 0 : index
        %parallel_loop3A_336 = tpu.vector_load %arg11[%parallel_loop3A_334, %parallel_loop3A_335] {strides = array<i32>} : memref<384x64xf32, #tpu.memory_space<vmem>>, vector<16xf32>,
        %parallel_loop3A_337 = arith.addf %parallel_loop3A_331, %parallel_loop3A_336 : vector<16xf32>
        %parallel_loop3A_338 = arith.constant 320 : i32
        %parallel_loop3A_339 = arith.addi %parallel_loop3A_338, %parallel_loop3A_280 : i32
        %parallel_loop3A_340 = arith.index_cast %parallel_loop3A_339 : i32 to index
        %parallel_loop3A_341 = arith.constant 0 : index
        %parallel_loop3A_342 = tpu.vector_load %arg11[%parallel_loop3A_340, %parallel_loop3A_341] {strides = array<i32>} : memref<384x64xf32, #tpu.memory_space<vmem>>, vector<16xf32>,
        %parallel_loop3A_343 = arith.addf %parallel_loop3A_337, %parallel_loop3A_342 : vector<16xf32>
        %parallel_loop3A_344 = arith.constant 352 : i32
        %parallel_loop3A_345 = arith.addi %parallel_loop3A_344, %parallel_loop3A_280 : i32
        %parallel_loop3A_346 = arith.index_cast %parallel_loop3A_345 : i32 to index
        %parallel_loop3A_347 = arith.constant 0 : index
        %parallel_loop3A_348 = tpu.vector_load %arg11[%parallel_loop3A_346, %parallel_loop3A_347] {strides = array<i32>} : memref<384x64xf32, #tpu.memory_space<vmem>>, vector<16xf32>,
        %parallel_loop3A_349 = arith.addf %parallel_loop3A_343, %parallel_loop3A_348 : vector<16xf32>
        %parallel_loop3A_350 = arith.index_cast %parallel_loop3A_280 : i32 to index
        %parallel_loop3A_351 = arith.constant 0 : index
        %parallel_loop3A_352 = tpu.vector_load %arg12[%parallel_loop3A_350, %parallel_loop3A_351] {strides = array<i32>} : memref<32x64xf32, #tpu.memory_space<vmem>>, vector<16xf32>,
        tpu.vector_store %arg12[%parallel_loop3A_350, %parallel_loop3A_351], %parallel_loop3A_349 {strides = array<i32>} : memref<32x64xf32, #tpu.memory_space<vmem>>, vector<16xf32>,
        %parallel_loop3A_353 = arith.index_cast %parallel_loop3A_280 : i32 to index
        %parallel_loop3A_354 = arith.constant 16 : index
        %parallel_loop3A_355 = tpu.vector_load %arg11[%parallel_loop3A_353, %parallel_loop3A_354] {strides = array<i32>} : memref<384x64xf32, #tpu.memory_space<vmem>>, vector<16xf32>,
        %parallel_loop3A_356 = arith.constant 32 : i32
        %parallel_loop3A_357 = arith.addi %parallel_loop3A_356, %parallel_loop3A_280 : i32
        %parallel_loop3A_358 = arith.index_cast %parallel_loop3A_357 : i32 to index
        %parallel_loop3A_359 = arith.constant 16 : index
        %parallel_loop3A_360 = tpu.vector_load %arg11[%parallel_loop3A_358, %parallel_loop3A_359] {strides = array<i32>} : memref<384x64xf32, #tpu.memory_space<vmem>>, vector<16xf32>,
        %parallel_loop3A_361 = arith.addf %parallel_loop3A_355, %parallel_loop3A_360 : vector<16xf32>
        %parallel_loop3A_362 = arith.constant 64 : i32
        %parallel_loop3A_363 = arith.addi %parallel_loop3A_362, %parallel_loop3A_280 : i32
        %parallel_loop3A_364 = arith.index_cast %parallel_loop3A_363 : i32 to index
        %parallel_loop3A_365 = arith.constant 16 : index
        %parallel_loop3A_366 = tpu.vector_load %arg11[%parallel_loop3A_364, %parallel_loop3A_365] {strides = array<i32>} : memref<384x64xf32, #tpu.memory_space<vmem>>, vector<16xf32>,
        %parallel_loop3A_367 = arith.addf %parallel_loop3A_361, %parallel_loop3A_366 : vector<16xf32>
        %parallel_loop3A_368 = arith.constant 96 : i32
        %parallel_loop3A_369 = arith.addi %parallel_loop3A_368, %parallel_loop3A_280 : i32
        %parallel_loop3A_370 = arith.index_cast %parallel_loop3A_369 : i32 to index
        %parallel_loop3A_371 = arith.constant 16 : index
        %parallel_loop3A_372 = tpu.vector_load %arg11[%parallel_loop3A_370, %parallel_loop3A_371] {strides = array<i32>} : memref<384x64xf32, #tpu.memory_space<vmem>>, vector<16xf32>,
        %parallel_loop3A_373 = arith.addf %parallel_loop3A_367, %parallel_loop3A_372 : vector<16xf32>
        %parallel_loop3A_374 = arith.constant 128 : i32
        %parallel_loop3A_375 = arith.addi %parallel_loop3A_374, %parallel_loop3A_280 : i32
        %parallel_loop3A_376 = arith.index_cast %parallel_loop3A_375 : i32 to index
        %parallel_loop3A_377 = arith.constant 16 : index
        %parallel_loop3A_378 = tpu.vector_load %arg11[%parallel_loop3A_376, %parallel_loop3A_377] {strides = array<i32>} : memref<384x64xf32, #tpu.memory_space<vmem>>, vector<16xf32>,
        %parallel_loop3A_379 = arith.addf %parallel_loop3A_373, %parallel_loop3A_378 : vector<16xf32>
        %parallel_loop3A_380 = arith.constant 160 : i32
        %parallel_loop3A_381 = arith.addi %parallel_loop3A_380, %parallel_loop3A_280 : i32
        %parallel_loop3A_382 = arith.index_cast %parallel_loop3A_381 : i32 to index
        %parallel_loop3A_383 = arith.constant 16 : index
        %parallel_loop3A_384 = tpu.vector_load %arg11[%parallel_loop3A_382, %parallel_loop3A_383] {strides = array<i32>} : memref<384x64xf32, #tpu.memory_space<vmem>>, vector<16xf32>,
        %parallel_loop3A_385 = arith.addf %parallel_loop3A_379, %parallel_loop3A_384 : vector<16xf32>
        %parallel_loop3A_386 = arith.constant 192 : i32
        %parallel_loop3A_387 = arith.addi %parallel_loop3A_386, %parallel_loop3A_280 : i32
        %parallel_loop3A_388 = arith.index_cast %parallel_loop3A_387 : i32 to index
        %parallel_loop3A_389 = arith.constant 16 : index
        %parallel_loop3A_390 = tpu.vector_load %arg11[%parallel_loop3A_388, %parallel_loop3A_389] {strides = array<i32>} : memref<384x64xf32, #tpu.memory_space<vmem>>, vector<16xf32>,
        %parallel_loop3A_391 = arith.addf %parallel_loop3A_385, %parallel_loop3A_390 : vector<16xf32>
        %parallel_loop3A_392 = arith.constant 224 : i32
        %parallel_loop3A_393 = arith.addi %parallel_loop3A_392, %parallel_loop3A_280 : i32
        %parallel_loop3A_394 = arith.index_cast %parallel_loop3A_393 : i32 to index
        %parallel_loop3A_395 = arith.constant 16 : index
        %parallel_loop3A_396 = tpu.vector_load %arg11[%parallel_loop3A_394, %parallel_loop3A_395] {strides = array<i32>} : memref<384x64xf32, #tpu.memory_space<vmem>>, vector<16xf32>,
        %parallel_loop3A_397 = arith.addf %parallel_loop3A_391, %parallel_loop3A_396 : vector<16xf32>
        %parallel_loop3A_398 = arith.constant 256 : i32
        %parallel_loop3A_399 = arith.addi %parallel_loop3A_398, %parallel_loop3A_280 : i32
        %parallel_loop3A_400 = arith.index_cast %parallel_loop3A_399 : i32 to index
        %parallel_loop3A_401 = arith.constant 16 : index
        %parallel_loop3A_402 = tpu.vector_load %arg11[%parallel_loop3A_400, %parallel_loop3A_401] {strides = array<i32>} : memref<384x64xf32, #tpu.memory_space<vmem>>, vector<16xf32>,
        %parallel_loop3A_403 = arith.addf %parallel_loop3A_397, %parallel_loop3A_402 : vector<16xf32>
        %parallel_loop3A_404 = arith.constant 288 : i32
        %parallel_loop3A_405 = arith.addi %parallel_loop3A_404, %parallel_loop3A_280 : i32
        %parallel_loop3A_406 = arith.index_cast %parallel_loop3A_405 : i32 to index
        %parallel_loop3A_407 = arith.constant 16 : index
        %parallel_loop3A_408 = tpu.vector_load %arg11[%parallel_loop3A_406, %parallel_loop3A_407] {strides = array<i32>} : memref<384x64xf32, #tpu.memory_space<vmem>>, vector<16xf32>,
        %parallel_loop3A_409 = arith.addf %parallel_loop3A_403, %parallel_loop3A_408 : vector<16xf32>
        %parallel_loop3A_410 = arith.constant 320 : i32
        %parallel_loop3A_411 = arith.addi %parallel_loop3A_410, %parallel_loop3A_280 : i32
        %parallel_loop3A_412 = arith.index_cast %parallel_loop3A_411 : i32 to index
        %parallel_loop3A_413 = arith.constant 16 : index
        %parallel_loop3A_414 = tpu.vector_load %arg11[%parallel_loop3A_412, %parallel_loop3A_413] {strides = array<i32>} : memref<384x64xf32, #tpu.memory_space<vmem>>, vector<16xf32>,
        %parallel_loop3A_415 = arith.addf %parallel_loop3A_409, %parallel_loop3A_414 : vector<16xf32>
        %parallel_loop3A_416 = arith.constant 352 : i32
        %parallel_loop3A_417 = arith.addi %parallel_loop3A_416, %parallel_loop3A_280 : i32
        %parallel_loop3A_418 = arith.index_cast %parallel_loop3A_417 : i32 to index
        %parallel_loop3A_419 = arith.constant 16 : index
        %parallel_loop3A_420 = tpu.vector_load %arg11[%parallel_loop3A_418, %parallel_loop3A_419] {strides = array<i32>} : memref<384x64xf32, #tpu.memory_space<vmem>>, vector<16xf32>,
        %parallel_loop3A_421 = arith.addf %parallel_loop3A_415, %parallel_loop3A_420 : vector<16xf32>
        %parallel_loop3A_422 = arith.index_cast %parallel_loop3A_280 : i32 to index
        %parallel_loop3A_423 = arith.constant 16 : index
        %parallel_loop3A_424 = tpu.vector_load %arg12[%parallel_loop3A_422, %parallel_loop3A_423] {strides = array<i32>} : memref<32x64xf32, #tpu.memory_space<vmem>>, vector<16xf32>,
        tpu.vector_store %arg12[%parallel_loop3A_422, %parallel_loop3A_423], %parallel_loop3A_421 {strides = array<i32>} : memref<32x64xf32, #tpu.memory_space<vmem>>, vector<16xf32>,
        %parallel_loop3A_425 = arith.index_cast %parallel_loop3A_280 : i32 to index
        %parallel_loop3A_426 = arith.constant 32 : index
        %parallel_loop3A_427 = tpu.vector_load %arg11[%parallel_loop3A_425, %parallel_loop3A_426] {strides = array<i32>} : memref<384x64xf32, #tpu.memory_space<vmem>>, vector<16xf32>,
        %parallel_loop3A_428 = arith.constant 32 : i32
        %parallel_loop3A_429 = arith.addi %parallel_loop3A_428, %parallel_loop3A_280 : i32
        %parallel_loop3A_430 = arith.index_cast %parallel_loop3A_429 : i32 to index
        %parallel_loop3A_431 = arith.constant 32 : index
        %parallel_loop3A_432 = tpu.vector_load %arg11[%parallel_loop3A_430, %parallel_loop3A_431] {strides = array<i32>} : memref<384x64xf32, #tpu.memory_space<vmem>>, vector<16xf32>,
        %parallel_loop3A_433 = arith.addf %parallel_loop3A_427, %parallel_loop3A_432 : vector<16xf32>
        %parallel_loop3A_434 = arith.constant 64 : i32
        %parallel_loop3A_435 = arith.addi %parallel_loop3A_434, %parallel_loop3A_280 : i32
        %parallel_loop3A_436 = arith.index_cast %parallel_loop3A_435 : i32 to index
        %parallel_loop3A_437 = arith.constant 32 : index
        %parallel_loop3A_438 = tpu.vector_load %arg11[%parallel_loop3A_436, %parallel_loop3A_437] {strides = array<i32>} : memref<384x64xf32, #tpu.memory_space<vmem>>, vector<16xf32>,
        %parallel_loop3A_439 = arith.addf %parallel_loop3A_433, %parallel_loop3A_438 : vector<16xf32>
        %parallel_loop3A_440 = arith.constant 96 : i32
        %parallel_loop3A_441 = arith.addi %parallel_loop3A_440, %parallel_loop3A_280 : i32
        %parallel_loop3A_442 = arith.index_cast %parallel_loop3A_441 : i32 to index
        %parallel_loop3A_443 = arith.constant 32 : index
        %parallel_loop3A_444 = tpu.vector_load %arg11[%parallel_loop3A_442, %parallel_loop3A_443] {strides = array<i32>} : memref<384x64xf32, #tpu.memory_space<vmem>>, vector<16xf32>,
        %parallel_loop3A_445 = arith.addf %parallel_loop3A_439, %parallel_loop3A_444 : vector<16xf32>
        %parallel_loop3A_446 = arith.constant 128 : i32
        %parallel_loop3A_447 = arith.addi %parallel_loop3A_446, %parallel_loop3A_280 : i32
        %parallel_loop3A_448 = arith.index_cast %parallel_loop3A_447 : i32 to index
        %parallel_loop3A_449 = arith.constant 32 : index
        %parallel_loop3A_450 = tpu.vector_load %arg11[%parallel_loop3A_448, %parallel_loop3A_449] {strides = array<i32>} : memref<384x64xf32, #tpu.memory_space<vmem>>, vector<16xf32>,
        %parallel_loop3A_451 = arith.addf %parallel_loop3A_445, %parallel_loop3A_450 : vector<16xf32>
        %parallel_loop3A_452 = arith.constant 160 : i32
        %parallel_loop3A_453 = arith.addi %parallel_loop3A_452, %parallel_loop3A_280 : i32
        %parallel_loop3A_454 = arith.index_cast %parallel_loop3A_453 : i32 to index
        %parallel_loop3A_455 = arith.constant 32 : index
        %parallel_loop3A_456 = tpu.vector_load %arg11[%parallel_loop3A_454, %parallel_loop3A_455] {strides = array<i32>} : memref<384x64xf32, #tpu.memory_space<vmem>>, vector<16xf32>,
        %parallel_loop3A_457 = arith.addf %parallel_loop3A_451, %parallel_loop3A_456 : vector<16xf32>
        %parallel_loop3A_458 = arith.constant 192 : i32
        %parallel_loop3A_459 = arith.addi %parallel_loop3A_458, %parallel_loop3A_280 : i32
        %parallel_loop3A_460 = arith.index_cast %parallel_loop3A_459 : i32 to index
        %parallel_loop3A_461 = arith.constant 32 : index
        %parallel_loop3A_462 = tpu.vector_load %arg11[%parallel_loop3A_460, %parallel_loop3A_461] {strides = array<i32>} : memref<384x64xf32, #tpu.memory_space<vmem>>, vector<16xf32>,
        %parallel_loop3A_463 = arith.addf %parallel_loop3A_457, %parallel_loop3A_462 : vector<16xf32>
        %parallel_loop3A_464 = arith.constant 224 : i32
        %parallel_loop3A_465 = arith.addi %parallel_loop3A_464, %parallel_loop3A_280 : i32
        %parallel_loop3A_466 = arith.index_cast %parallel_loop3A_465 : i32 to index
        %parallel_loop3A_467 = arith.constant 32 : index
        %parallel_loop3A_468 = tpu.vector_load %arg11[%parallel_loop3A_466, %parallel_loop3A_467] {strides = array<i32>} : memref<384x64xf32, #tpu.memory_space<vmem>>, vector<16xf32>,
        %parallel_loop3A_469 = arith.addf %parallel_loop3A_463, %parallel_loop3A_468 : vector<16xf32>
        %parallel_loop3A_470 = arith.constant 256 : i32
        %parallel_loop3A_471 = arith.addi %parallel_loop3A_470, %parallel_loop3A_280 : i32
        %parallel_loop3A_472 = arith.index_cast %parallel_loop3A_471 : i32 to index
        %parallel_loop3A_473 = arith.constant 32 : index
        %parallel_loop3A_474 = tpu.vector_load %arg11[%parallel_loop3A_472, %parallel_loop3A_473] {strides = array<i32>} : memref<384x64xf32, #tpu.memory_space<vmem>>, vector<16xf32>,
        %parallel_loop3A_475 = arith.addf %parallel_loop3A_469, %parallel_loop3A_474 : vector<16xf32>
        %parallel_loop3A_476 = arith.constant 288 : i32
        %parallel_loop3A_477 = arith.addi %parallel_loop3A_476, %parallel_loop3A_280 : i32
        %parallel_loop3A_478 = arith.index_cast %parallel_loop3A_477 : i32 to index
        %parallel_loop3A_479 = arith.constant 32 : index
        %parallel_loop3A_480 = tpu.vector_load %arg11[%parallel_loop3A_478, %parallel_loop3A_479] {strides = array<i32>} : memref<384x64xf32, #tpu.memory_space<vmem>>, vector<16xf32>,
        %parallel_loop3A_481 = arith.addf %parallel_loop3A_475, %parallel_loop3A_480 : vector<16xf32>
        %parallel_loop3A_482 = arith.constant 320 : i32
        %parallel_loop3A_483 = arith.addi %parallel_loop3A_482, %parallel_loop3A_280 : i32
        %parallel_loop3A_484 = arith.index_cast %parallel_loop3A_483 : i32 to index
        %parallel_loop3A_485 = arith.constant 32 : index
        %parallel_loop3A_486 = tpu.vector_load %arg11[%parallel_loop3A_484, %parallel_loop3A_485] {strides = array<i32>} : memref<384x64xf32, #tpu.memory_space<vmem>>, vector<16xf32>,
        %parallel_loop3A_487 = arith.addf %parallel_loop3A_481, %parallel_loop3A_486 : vector<16xf32>
        %parallel_loop3A_488 = arith.constant 352 : i32
        %parallel_loop3A_489 = arith.addi %parallel_loop3A_488, %parallel_loop3A_280 : i32
        %parallel_loop3A_490 = arith.index_cast %parallel_loop3A_489 : i32 to index
        %parallel_loop3A_491 = arith.constant 32 : index
        %parallel_loop3A_492 = tpu.vector_load %arg11[%parallel_loop3A_490, %parallel_loop3A_491] {strides = array<i32>} : memref<384x64xf32, #tpu.memory_space<vmem>>, vector<16xf32>,
        %parallel_loop3A_493 = arith.addf %parallel_loop3A_487, %parallel_loop3A_492 : vector<16xf32>
        %parallel_loop3A_494 = arith.index_cast %parallel_loop3A_280 : i32 to index
        %parallel_loop3A_495 = arith.constant 32 : index
        %parallel_loop3A_496 = tpu.vector_load %arg12[%parallel_loop3A_494, %parallel_loop3A_495] {strides = array<i32>} : memref<32x64xf32, #tpu.memory_space<vmem>>, vector<16xf32>,
        tpu.vector_store %arg12[%parallel_loop3A_494, %parallel_loop3A_495], %parallel_loop3A_493 {strides = array<i32>} : memref<32x64xf32, #tpu.memory_space<vmem>>, vector<16xf32>,
        %parallel_loop3A_497 = arith.index_cast %parallel_loop3A_280 : i32 to index
        %parallel_loop3A_498 = arith.constant 48 : index
        %parallel_loop3A_499 = tpu.vector_load %arg11[%parallel_loop3A_497, %parallel_loop3A_498] {strides = array<i32>} : memref<384x64xf32, #tpu.memory_space<vmem>>, vector<16xf32>,
        %parallel_loop3A_500 = arith.constant 32 : i32
        %parallel_loop3A_501 = arith.addi %parallel_loop3A_500, %parallel_loop3A_280 : i32
        %parallel_loop3A_502 = arith.index_cast %parallel_loop3A_501 : i32 to index
        %parallel_loop3A_503 = arith.constant 48 : index
        %parallel_loop3A_504 = tpu.vector_load %arg11[%parallel_loop3A_502, %parallel_loop3A_503] {strides = array<i32>} : memref<384x64xf32, #tpu.memory_space<vmem>>, vector<16xf32>,
        %parallel_loop3A_505 = arith.addf %parallel_loop3A_499, %parallel_loop3A_504 : vector<16xf32>
        %parallel_loop3A_506 = arith.constant 64 : i32
        %parallel_loop3A_507 = arith.addi %parallel_loop3A_506, %parallel_loop3A_280 : i32
        %parallel_loop3A_508 = arith.index_cast %parallel_loop3A_507 : i32 to index
        %parallel_loop3A_509 = arith.constant 48 : index
        %parallel_loop3A_510 = tpu.vector_load %arg11[%parallel_loop3A_508, %parallel_loop3A_509] {strides = array<i32>} : memref<384x64xf32, #tpu.memory_space<vmem>>, vector<16xf32>,
        %parallel_loop3A_511 = arith.addf %parallel_loop3A_505, %parallel_loop3A_510 : vector<16xf32>
        %parallel_loop3A_512 = arith.constant 96 : i32
        %parallel_loop3A_513 = arith.addi %parallel_loop3A_512, %parallel_loop3A_280 : i32
        %parallel_loop3A_514 = arith.index_cast %parallel_loop3A_513 : i32 to index
        %parallel_loop3A_515 = arith.constant 48 : index
        %parallel_loop3A_516 = tpu.vector_load %arg11[%parallel_loop3A_514, %parallel_loop3A_515] {strides = array<i32>} : memref<384x64xf32, #tpu.memory_space<vmem>>, vector<16xf32>,
        %parallel_loop3A_517 = arith.addf %parallel_loop3A_511, %parallel_loop3A_516 : vector<16xf32>
        %parallel_loop3A_518 = arith.constant 128 : i32
        %parallel_loop3A_519 = arith.addi %parallel_loop3A_518, %parallel_loop3A_280 : i32
        %parallel_loop3A_520 = arith.index_cast %parallel_loop3A_519 : i32 to index
        %parallel_loop3A_521 = arith.constant 48 : index
        %parallel_loop3A_522 = tpu.vector_load %arg11[%parallel_loop3A_520, %parallel_loop3A_521] {strides = array<i32>} : memref<384x64xf32, #tpu.memory_space<vmem>>, vector<16xf32>,
        %parallel_loop3A_523 = arith.addf %parallel_loop3A_517, %parallel_loop3A_522 : vector<16xf32>
        %parallel_loop3A_524 = arith.constant 160 : i32
        %parallel_loop3A_525 = arith.addi %parallel_loop3A_524, %parallel_loop3A_280 : i32
        %parallel_loop3A_526 = arith.index_cast %parallel_loop3A_525 : i32 to index
        %parallel_loop3A_527 = arith.constant 48 : index
        %parallel_loop3A_528 = tpu.vector_load %arg11[%parallel_loop3A_526, %parallel_loop3A_527] {strides = array<i32>} : memref<384x64xf32, #tpu.memory_space<vmem>>, vector<16xf32>,
        %parallel_loop3A_529 = arith.addf %parallel_loop3A_523, %parallel_loop3A_528 : vector<16xf32>
        %parallel_loop3A_530 = arith.constant 192 : i32
        %parallel_loop3A_531 = arith.addi %parallel_loop3A_530, %parallel_loop3A_280 : i32
        %parallel_loop3A_532 = arith.index_cast %parallel_loop3A_531 : i32 to index
        %parallel_loop3A_533 = arith.constant 48 : index
        %parallel_loop3A_534 = tpu.vector_load %arg11[%parallel_loop3A_532, %parallel_loop3A_533] {strides = array<i32>} : memref<384x64xf32, #tpu.memory_space<vmem>>, vector<16xf32>,
        %parallel_loop3A_535 = arith.addf %parallel_loop3A_529, %parallel_loop3A_534 : vector<16xf32>
        %parallel_loop3A_536 = arith.constant 224 : i32
        %parallel_loop3A_537 = arith.addi %parallel_loop3A_536, %parallel_loop3A_280 : i32
        %parallel_loop3A_538 = arith.index_cast %parallel_loop3A_537 : i32 to index
        %parallel_loop3A_539 = arith.constant 48 : index
        %parallel_loop3A_540 = tpu.vector_load %arg11[%parallel_loop3A_538, %parallel_loop3A_539] {strides = array<i32>} : memref<384x64xf32, #tpu.memory_space<vmem>>, vector<16xf32>,
        %parallel_loop3A_541 = arith.addf %parallel_loop3A_535, %parallel_loop3A_540 : vector<16xf32>
        %parallel_loop3A_542 = arith.constant 256 : i32
        %parallel_loop3A_543 = arith.addi %parallel_loop3A_542, %parallel_loop3A_280 : i32
        %parallel_loop3A_544 = arith.index_cast %parallel_loop3A_543 : i32 to index
        %parallel_loop3A_545 = arith.constant 48 : index
        %parallel_loop3A_546 = tpu.vector_load %arg11[%parallel_loop3A_544, %parallel_loop3A_545] {strides = array<i32>} : memref<384x64xf32, #tpu.memory_space<vmem>>, vector<16xf32>,
        %parallel_loop3A_547 = arith.addf %parallel_loop3A_541, %parallel_loop3A_546 : vector<16xf32>
        %parallel_loop3A_548 = arith.constant 288 : i32
        %parallel_loop3A_549 = arith.addi %parallel_loop3A_548, %parallel_loop3A_280 : i32
        %parallel_loop3A_550 = arith.index_cast %parallel_loop3A_549 : i32 to index
        %parallel_loop3A_551 = arith.constant 48 : index
        %parallel_loop3A_552 = tpu.vector_load %arg11[%parallel_loop3A_550, %parallel_loop3A_551] {strides = array<i32>} : memref<384x64xf32, #tpu.memory_space<vmem>>, vector<16xf32>,
        %parallel_loop3A_553 = arith.addf %parallel_loop3A_547, %parallel_loop3A_552 : vector<16xf32>
        %parallel_loop3A_554 = arith.constant 320 : i32
        %parallel_loop3A_555 = arith.addi %parallel_loop3A_554, %parallel_loop3A_280 : i32
        %parallel_loop3A_556 = arith.index_cast %parallel_loop3A_555 : i32 to index
        %parallel_loop3A_557 = arith.constant 48 : index
        %parallel_loop3A_558 = tpu.vector_load %arg11[%parallel_loop3A_556, %parallel_loop3A_557] {strides = array<i32>} : memref<384x64xf32, #tpu.memory_space<vmem>>, vector<16xf32>,
        %parallel_loop3A_559 = arith.addf %parallel_loop3A_553, %parallel_loop3A_558 : vector<16xf32>
        %parallel_loop3A_560 = arith.constant 352 : i32
        %parallel_loop3A_561 = arith.addi %parallel_loop3A_560, %parallel_loop3A_280 : i32
        %parallel_loop3A_562 = arith.index_cast %parallel_loop3A_561 : i32 to index
        %parallel_loop3A_563 = arith.constant 48 : index
        %parallel_loop3A_564 = tpu.vector_load %arg11[%parallel_loop3A_562, %parallel_loop3A_563] {strides = array<i32>} : memref<384x64xf32, #tpu.memory_space<vmem>>, vector<16xf32>,
        %parallel_loop3A_565 = arith.addf %parallel_loop3A_559, %parallel_loop3A_564 : vector<16xf32>
        %parallel_loop3A_566 = arith.index_cast %parallel_loop3A_280 : i32 to index
        %parallel_loop3A_567 = arith.constant 48 : index
        %parallel_loop3A_568 = tpu.vector_load %arg12[%parallel_loop3A_566, %parallel_loop3A_567] {strides = array<i32>} : memref<32x64xf32, #tpu.memory_space<vmem>>, vector<16xf32>,
        tpu.vector_store %arg12[%parallel_loop3A_566, %parallel_loop3A_567], %parallel_loop3A_565 {strides = array<i32>} : memref<32x64xf32, #tpu.memory_space<vmem>>, vector<16xf32>,
      } {sc.loop_unroll_factor = 2 : i64, sc.parallel_access}
      %mul3A_277 = arith.constant 32 : i32
      %mul3A_278 = arith.muli %add3A_198, %mul3A_277 : i32
      %add3A_279 = arith.addi %mul3A_2, %mul3A_278 : i32
      "tpu.region"() ({
        %run_scoped3A = tpu.sem_alloc : memref<!tpu.dma_semaphore, #tpu.memory_space<semaphore_mem>>
        %dma_start3A_280 = arith.constant 0 : i32
        %dma_start3A_281 = tpu.memref_slice %arg5[%add3A_279, %dma_start3A_280] : memref<51200x64xf32, #tpu.memory_space<hbm>> -> memref<32x64xf32, #tpu.memory_space<hbm>>
        %dma_start3A_282 = arith.constant 0 : i32
        %dma_start3A_283 = tpu.memref_slice %arg5[%add3A_279, %dma_start3A_282] : memref<51200x64xf32, #tpu.memory_space<hbm>> -> memref<32x64xf32, #tpu.memory_space<hbm>>
        tpu.enqueue_dma source(%arg12 : memref<32x64xf32, #tpu.memory_space<vmem>>) target(%dma_start3A_283 : memref<32x64xf32, #tpu.memory_space<hbm>>) target_semaphore(%run_scoped3A : memref<!tpu.dma_semaphore, #tpu.memory_space<semaphore_mem>>)
        %dma_wait3A_284 = arith.constant 0 : i32
        %dma_wait3A_285 = tpu.memref_slice %arg5[%add3A_279, %dma_wait3A_284] : memref<51200x64xf32, #tpu.memory_space<hbm>> -> memref<32x64xf32, #tpu.memory_space<hbm>>
        %dma_wait3A_286 = arith.constant 0 : i32
        %dma_wait3A_287 = tpu.memref_slice %arg5[%add3A_279, %dma_wait3A_286] : memref<51200x64xf32, #tpu.memory_space<hbm>> -> memref<32x64xf32, #tpu.memory_space<hbm>>
        tpu.wait_dma2 semaphore(%run_scoped3A : memref<!tpu.dma_semaphore, #tpu.memory_space<semaphore_mem>>) src(%arg12 : memref<32x64xf32, #tpu.memory_space<vmem>>) dst(%dma_wait3A_287 : memref<32x64xf32, #tpu.memory_space<hbm>>)
        tpu.yield
      }) : () -> ()
    }
    %scan3A_144 = arith.constant 24 : i32
    %parallel_loop3A_145 = arith.constant 0 : i32
    %parallel_loop3A_146 = arith.constant 32 : i32
    %parallel_loop3A_147 = arith.constant 1 : i32
    scf.for %parallel_loop3A_194 = %parallel_loop3A_145 to %parallel_loop3A_146 step %parallel_loop3A_147  : i32 {
      %parallel_loop3A_195 = arith.constant 1568 : i32
      %parallel_loop3A_196 = arith.addi %parallel_loop3A_195, %parallel_loop3A_194 : i32
      %parallel_loop3A_197 = arith.index_cast %parallel_loop3A_196 : i32 to index
      %parallel_loop3A_198 = arith.constant 0 : index
      %parallel_loop3A_199 = tpu.vector_load %arg7[%parallel_loop3A_197, %parallel_loop3A_198] {strides = array<i32>} : memref<1600x16xi32, #tpu.memory_space<vmem>>, vector<16xi32>,
      %parallel_loop3A_200 = arith.constant 32 : i32
      %parallel_loop3A_201 = vector.broadcast %parallel_loop3A_200 : i32 to vector<16xi32>
      %parallel_loop3A_202 = arith.muli %iota3A, %parallel_loop3A_201 : vector<16xi32>
      %parallel_loop3A_203 = vector.broadcast %parallel_loop3A_194 : i32 to vector<16xi32>
      %parallel_loop3A_204 = arith.addi %parallel_loop3A_202, %parallel_loop3A_203 : vector<16xi32>
      %parallel_loop3A_205 = arith.constant 4095 : i32
      %parallel_loop3A_206 = vector.broadcast %parallel_loop3A_205 : i32 to vector<16xi32>
      %parallel_loop3A_207 = arith.andi %parallel_loop3A_199, %parallel_loop3A_206 : vector<16xi32>
      %parallel_loop3A_208 = arith.subi %parallel_loop3A_199, %parallel_loop3A_207 : vector<16xi32>
      %parallel_loop3A_209 = arith.constant 2047 : i32
      %parallel_loop3A_210 = vector.broadcast %parallel_loop3A_209 : i32 to vector<16xi32>
      %parallel_loop3A_211 = arith.andi %parallel_loop3A_207, %parallel_loop3A_210 : vector<16xi32>
      %parallel_loop3A_212 = arith.constant 2 : i32
      %parallel_loop3A_213 = vector.broadcast %parallel_loop3A_212 : i32 to vector<16xi32>
      %parallel_loop3A_214 = arith.muli %parallel_loop3A_213, %parallel_loop3A_211 : vector<16xi32>
      %parallel_loop3A_215 = arith.addi %parallel_loop3A_208, %parallel_loop3A_214 : vector<16xi32>
      %parallel_loop3A_216 = arith.constant 11 : i32
      %parallel_loop3A_217 = vector.broadcast %parallel_loop3A_216 : i32 to vector<16xi32>
      %parallel_loop3A_218 = arith.shrsi %parallel_loop3A_207, %parallel_loop3A_217 : vector<16xi32>
      %parallel_loop3A_219 = arith.addi %parallel_loop3A_215, %parallel_loop3A_218 : vector<16xi32>
      %parallel_loop3A_220 = arith.constant 384 : i32
      %parallel_loop3A_221 = arith.muli %add3A, %parallel_loop3A_220 : i32
      %parallel_loop3A_222 = vector.broadcast %parallel_loop3A_221 : i32 to vector<16xi32>
      %parallel_loop3A_223 = arith.addi %parallel_loop3A_222, %parallel_loop3A_204 : vector<16xi32>
      %parallel_loop3A_224 = arith.constant 8191 : i32
      %parallel_loop3A_225 = vector.broadcast %parallel_loop3A_224 : i32 to vector<16xi32>
      %parallel_loop3A_226 = arith.andi %parallel_loop3A_223, %parallel_loop3A_225 : vector<16xi32>
      %parallel_loop3A_227 = arith.constant 102400 : i32
      %parallel_loop3A_228 = vector.broadcast %parallel_loop3A_227 : i32 to vector<16xi32>
      %parallel_loop3A_229 = arith.addi %parallel_loop3A_228, %parallel_loop3A_226 : vector<16xi32>
      %parallel_loop3A_230 = arith.constant 0 : i32
      %parallel_loop3A_231 = vector.broadcast %parallel_loop3A_230 : i32 to vector<16xi32>
      %parallel_loop3A_232 = arith.cmpi eq, %parallel_loop3A_199, %parallel_loop3A_231 : vector<16xi32>
      %parallel_loop3A_233 = arith.select %parallel_loop3A_232, %parallel_loop3A_229, %parallel_loop3A_219 : vector<16xi1>, vector<16xi32>
      %parallel_loop3A_234 = arith.constant 12 : i32
      %parallel_loop3A_235 = vector.broadcast %parallel_loop3A_234 : i32 to vector<16xi32>
      %parallel_loop3A_236 = arith.cmpi slt, %iota3A, %parallel_loop3A_235 : vector<16xi32>
      tpu.vector_store_idx %arg9[%parallel_loop3A_204], %parallel_loop3A_233 masked %parallel_loop3A_236 : memref<384xi32, #tpu.memory_space<vmem>>[vector<16xi32>], vector<16xi32>, vector<16xi1>
    } {sc.loop_unroll_factor = 4 : i64, sc.parallel_access}
    %dma_start3A_148 = arith.constant 0 : i32
    %dma_start3A_149 = arith.constant 0 : i32
    %dma_start3A_150 = tpu.memref_slice %arg11[%dma_start3A_148, %dma_start3A_149] : memref<384x64xf32, #tpu.memory_space<vmem>> -> memref<128x64xf32, #tpu.memory_space<vmem>>
    %dma_start3A_151 = arith.constant 0 : i32
    %dma_start3A_152 = tpu.memref_slice %arg9[%dma_start3A_151] : memref<384xi32, #tpu.memory_space<vmem>> -> memref<128xi32, #tpu.memory_space<vmem>>
    %dma_start3A_153 = arith.constant 0 : i32
    %dma_start3A_154 = arith.constant 0 : i32
    %dma_start3A_155 = tpu.memref_slice %arg4[%dma_start3A_153, %dma_start3A_154] : memref<110592x64xf32, #tpu.memory_space<hbm>> -> memref<110592x64xf32, #tpu.memory_space<hbm>>
    tpu.enqueue_indirect_dma source(%dma_start3A_155 : memref<110592x64xf32, #tpu.memory_space<hbm>>) target(%dma_start3A_150 : memref<128x64xf32, #tpu.memory_space<vmem>>) offsets(%dma_start3A_152 : memref<128xi32, #tpu.memory_space<vmem>>) semaphore(%arg15 : memref<!tpu.dma_semaphore, #tpu.memory_space<semaphore_mem>>)
    %dma_start3A_156 = arith.constant 128 : i32
    %dma_start3A_157 = arith.constant 0 : i32
    %dma_start3A_158 = tpu.memref_slice %arg11[%dma_start3A_156, %dma_start3A_157] : memref<384x64xf32, #tpu.memory_space<vmem>> -> memref<128x64xf32, #tpu.memory_space<vmem>>
    %dma_start3A_159 = arith.constant 128 : i32
    %dma_start3A_160 = tpu.memref_slice %arg9[%dma_start3A_159] : memref<384xi32, #tpu.memory_space<vmem>> -> memref<128xi32, #tpu.memory_space<vmem>>
    %dma_start3A_161 = arith.constant 0 : i32
    %dma_start3A_162 = arith.constant 0 : i32
    %dma_start3A_163 = tpu.memref_slice %arg4[%dma_start3A_161, %dma_start3A_162] : memref<110592x64xf32, #tpu.memory_space<hbm>> -> memref<110592x64xf32, #tpu.memory_space<hbm>>
    tpu.enqueue_indirect_dma source(%dma_start3A_163 : memref<110592x64xf32, #tpu.memory_space<hbm>>) target(%dma_start3A_158 : memref<128x64xf32, #tpu.memory_space<vmem>>) offsets(%dma_start3A_160 : memref<128xi32, #tpu.memory_space<vmem>>) semaphore(%arg15 : memref<!tpu.dma_semaphore, #tpu.memory_space<semaphore_mem>>)
    %dma_start3A_164 = arith.constant 256 : i32
    %dma_start3A_165 = arith.constant 0 : i32
    %dma_start3A_166 = tpu.memref_slice %arg11[%dma_start3A_164, %dma_start3A_165] : memref<384x64xf32, #tpu.memory_space<vmem>> -> memref<128x64xf32, #tpu.memory_space<vmem>>
    %dma_start3A_167 = arith.constant 256 : i32
    %dma_start3A_168 = tpu.memref_slice %arg9[%dma_start3A_167] : memref<384xi32, #tpu.memory_space<vmem>> -> memref<128xi32, #tpu.memory_space<vmem>>
    %dma_start3A_169 = arith.constant 0 : i32
    %dma_start3A_170 = arith.constant 0 : i32
    %dma_start3A_171 = tpu.memref_slice %arg4[%dma_start3A_169, %dma_start3A_170] : memref<110592x64xf32, #tpu.memory_space<hbm>> -> memref<110592x64xf32, #tpu.memory_space<hbm>>
    tpu.enqueue_indirect_dma source(%dma_start3A_171 : memref<110592x64xf32, #tpu.memory_space<hbm>>) target(%dma_start3A_166 : memref<128x64xf32, #tpu.memory_space<vmem>>) offsets(%dma_start3A_168 : memref<128xi32, #tpu.memory_space<vmem>>) semaphore(%arg15 : memref<!tpu.dma_semaphore, #tpu.memory_space<semaphore_mem>>)
    %dma_wait3A_172 = arith.constant 0 : i32
    %dma_wait3A_173 = arith.constant 0 : i32
    %dma_wait3A_174 = tpu.memref_slice %arg4[%dma_wait3A_172, %dma_wait3A_173] : memref<110592x64xf32, #tpu.memory_space<hbm>> -> memref<384x64xf32, #tpu.memory_space<hbm>>
    %dma_wait3A_175 = arith.constant 0 : i32
    %dma_wait3A_176 = arith.constant 0 : i32
    %dma_wait3A_177 = tpu.memref_slice %arg4[%dma_wait3A_175, %dma_wait3A_176] : memref<110592x64xf32, #tpu.memory_space<hbm>> -> memref<384x64xf32, #tpu.memory_space<hbm>>
    tpu.wait_dma2 semaphore(%arg14 : memref<!tpu.dma_semaphore, #tpu.memory_space<semaphore_mem>>) src(%dma_wait3A_177 : memref<384x64xf32, #tpu.memory_space<hbm>>) dst(%arg10 : memref<384x64xf32, #tpu.memory_space<vmem>>)
    %parallel_loop3A_178 = arith.constant 0 : i32
    %parallel_loop3A_179 = arith.constant 32 : i32
    %parallel_loop3A_180 = arith.constant 1 : i32
    scf.for %parallel_loop3A_194 = %parallel_loop3A_178 to %parallel_loop3A_179 step %parallel_loop3A_180  : i32 {
      %parallel_loop3A_195 = arith.index_cast %parallel_loop3A_194 : i32 to index
      %parallel_loop3A_196 = arith.constant 0 : index
      %parallel_loop3A_197 = tpu.vector_load %arg10[%parallel_loop3A_195, %parallel_loop3A_196] {strides = array<i32>} : memref<384x64xf32, #tpu.memory_space<vmem>>, vector<16xf32>,
      %parallel_loop3A_198 = arith.constant 32 : i32
      %parallel_loop3A_199 = arith.addi %parallel_loop3A_198, %parallel_loop3A_194 : i32
      %parallel_loop3A_200 = arith.index_cast %parallel_loop3A_199 : i32 to index
      %parallel_loop3A_201 = arith.constant 0 : index
      %parallel_loop3A_202 = tpu.vector_load %arg10[%parallel_loop3A_200, %parallel_loop3A_201] {strides = array<i32>} : memref<384x64xf32, #tpu.memory_space<vmem>>, vector<16xf32>,
      %parallel_loop3A_203 = arith.addf %parallel_loop3A_197, %parallel_loop3A_202 : vector<16xf32>
      %parallel_loop3A_204 = arith.constant 64 : i32
      %parallel_loop3A_205 = arith.addi %parallel_loop3A_204, %parallel_loop3A_194 : i32
      %parallel_loop3A_206 = arith.index_cast %parallel_loop3A_205 : i32 to index
      %parallel_loop3A_207 = arith.constant 0 : index
      %parallel_loop3A_208 = tpu.vector_load %arg10[%parallel_loop3A_206, %parallel_loop3A_207] {strides = array<i32>} : memref<384x64xf32, #tpu.memory_space<vmem>>, vector<16xf32>,
      %parallel_loop3A_209 = arith.addf %parallel_loop3A_203, %parallel_loop3A_208 : vector<16xf32>
      %parallel_loop3A_210 = arith.constant 96 : i32
      %parallel_loop3A_211 = arith.addi %parallel_loop3A_210, %parallel_loop3A_194 : i32
      %parallel_loop3A_212 = arith.index_cast %parallel_loop3A_211 : i32 to index
      %parallel_loop3A_213 = arith.constant 0 : index
      %parallel_loop3A_214 = tpu.vector_load %arg10[%parallel_loop3A_212, %parallel_loop3A_213] {strides = array<i32>} : memref<384x64xf32, #tpu.memory_space<vmem>>, vector<16xf32>,
      %parallel_loop3A_215 = arith.addf %parallel_loop3A_209, %parallel_loop3A_214 : vector<16xf32>
      %parallel_loop3A_216 = arith.constant 128 : i32
      %parallel_loop3A_217 = arith.addi %parallel_loop3A_216, %parallel_loop3A_194 : i32
      %parallel_loop3A_218 = arith.index_cast %parallel_loop3A_217 : i32 to index
      %parallel_loop3A_219 = arith.constant 0 : index
      %parallel_loop3A_220 = tpu.vector_load %arg10[%parallel_loop3A_218, %parallel_loop3A_219] {strides = array<i32>} : memref<384x64xf32, #tpu.memory_space<vmem>>, vector<16xf32>,
      %parallel_loop3A_221 = arith.addf %parallel_loop3A_215, %parallel_loop3A_220 : vector<16xf32>
      %parallel_loop3A_222 = arith.constant 160 : i32
      %parallel_loop3A_223 = arith.addi %parallel_loop3A_222, %parallel_loop3A_194 : i32
      %parallel_loop3A_224 = arith.index_cast %parallel_loop3A_223 : i32 to index
      %parallel_loop3A_225 = arith.constant 0 : index
      %parallel_loop3A_226 = tpu.vector_load %arg10[%parallel_loop3A_224, %parallel_loop3A_225] {strides = array<i32>} : memref<384x64xf32, #tpu.memory_space<vmem>>, vector<16xf32>,
      %parallel_loop3A_227 = arith.addf %parallel_loop3A_221, %parallel_loop3A_226 : vector<16xf32>
      %parallel_loop3A_228 = arith.constant 192 : i32
      %parallel_loop3A_229 = arith.addi %parallel_loop3A_228, %parallel_loop3A_194 : i32
      %parallel_loop3A_230 = arith.index_cast %parallel_loop3A_229 : i32 to index
      %parallel_loop3A_231 = arith.constant 0 : index
      %parallel_loop3A_232 = tpu.vector_load %arg10[%parallel_loop3A_230, %parallel_loop3A_231] {strides = array<i32>} : memref<384x64xf32, #tpu.memory_space<vmem>>, vector<16xf32>,
      %parallel_loop3A_233 = arith.addf %parallel_loop3A_227, %parallel_loop3A_232 : vector<16xf32>
      %parallel_loop3A_234 = arith.constant 224 : i32
      %parallel_loop3A_235 = arith.addi %parallel_loop3A_234, %parallel_loop3A_194 : i32
      %parallel_loop3A_236 = arith.index_cast %parallel_loop3A_235 : i32 to index
      %parallel_loop3A_237 = arith.constant 0 : index
      %parallel_loop3A_238 = tpu.vector_load %arg10[%parallel_loop3A_236, %parallel_loop3A_237] {strides = array<i32>} : memref<384x64xf32, #tpu.memory_space<vmem>>, vector<16xf32>,
      %parallel_loop3A_239 = arith.addf %parallel_loop3A_233, %parallel_loop3A_238 : vector<16xf32>
      %parallel_loop3A_240 = arith.constant 256 : i32
      %parallel_loop3A_241 = arith.addi %parallel_loop3A_240, %parallel_loop3A_194 : i32
      %parallel_loop3A_242 = arith.index_cast %parallel_loop3A_241 : i32 to index
      %parallel_loop3A_243 = arith.constant 0 : index
      %parallel_loop3A_244 = tpu.vector_load %arg10[%parallel_loop3A_242, %parallel_loop3A_243] {strides = array<i32>} : memref<384x64xf32, #tpu.memory_space<vmem>>, vector<16xf32>,
      %parallel_loop3A_245 = arith.addf %parallel_loop3A_239, %parallel_loop3A_244 : vector<16xf32>
      %parallel_loop3A_246 = arith.constant 288 : i32
      %parallel_loop3A_247 = arith.addi %parallel_loop3A_246, %parallel_loop3A_194 : i32
      %parallel_loop3A_248 = arith.index_cast %parallel_loop3A_247 : i32 to index
      %parallel_loop3A_249 = arith.constant 0 : index
      %parallel_loop3A_250 = tpu.vector_load %arg10[%parallel_loop3A_248, %parallel_loop3A_249] {strides = array<i32>} : memref<384x64xf32, #tpu.memory_space<vmem>>, vector<16xf32>,
      %parallel_loop3A_251 = arith.addf %parallel_loop3A_245, %parallel_loop3A_250 : vector<16xf32>
      %parallel_loop3A_252 = arith.constant 320 : i32
      %parallel_loop3A_253 = arith.addi %parallel_loop3A_252, %parallel_loop3A_194 : i32
      %parallel_loop3A_254 = arith.index_cast %parallel_loop3A_253 : i32 to index
      %parallel_loop3A_255 = arith.constant 0 : index
      %parallel_loop3A_256 = tpu.vector_load %arg10[%parallel_loop3A_254, %parallel_loop3A_255] {strides = array<i32>} : memref<384x64xf32, #tpu.memory_space<vmem>>, vector<16xf32>,
      %parallel_loop3A_257 = arith.addf %parallel_loop3A_251, %parallel_loop3A_256 : vector<16xf32>
      %parallel_loop3A_258 = arith.constant 352 : i32
      %parallel_loop3A_259 = arith.addi %parallel_loop3A_258, %parallel_loop3A_194 : i32
      %parallel_loop3A_260 = arith.index_cast %parallel_loop3A_259 : i32 to index
      %parallel_loop3A_261 = arith.constant 0 : index
      %parallel_loop3A_262 = tpu.vector_load %arg10[%parallel_loop3A_260, %parallel_loop3A_261] {strides = array<i32>} : memref<384x64xf32, #tpu.memory_space<vmem>>, vector<16xf32>,
      %parallel_loop3A_263 = arith.addf %parallel_loop3A_257, %parallel_loop3A_262 : vector<16xf32>
      %parallel_loop3A_264 = arith.index_cast %parallel_loop3A_194 : i32 to index
      %parallel_loop3A_265 = arith.constant 0 : index
      %parallel_loop3A_266 = tpu.vector_load %arg12[%parallel_loop3A_264, %parallel_loop3A_265] {strides = array<i32>} : memref<32x64xf32, #tpu.memory_space<vmem>>, vector<16xf32>,
      tpu.vector_store %arg12[%parallel_loop3A_264, %parallel_loop3A_265], %parallel_loop3A_263 {strides = array<i32>} : memref<32x64xf32, #tpu.memory_space<vmem>>, vector<16xf32>,
      %parallel_loop3A_267 = arith.index_cast %parallel_loop3A_194 : i32 to index
      %parallel_loop3A_268 = arith.constant 16 : index
      %parallel_loop3A_269 = tpu.vector_load %arg10[%parallel_loop3A_267, %parallel_loop3A_268] {strides = array<i32>} : memref<384x64xf32, #tpu.memory_space<vmem>>, vector<16xf32>,
      %parallel_loop3A_270 = arith.constant 32 : i32
      %parallel_loop3A_271 = arith.addi %parallel_loop3A_270, %parallel_loop3A_194 : i32
      %parallel_loop3A_272 = arith.index_cast %parallel_loop3A_271 : i32 to index
      %parallel_loop3A_273 = arith.constant 16 : index
      %parallel_loop3A_274 = tpu.vector_load %arg10[%parallel_loop3A_272, %parallel_loop3A_273] {strides = array<i32>} : memref<384x64xf32, #tpu.memory_space<vmem>>, vector<16xf32>,
      %parallel_loop3A_275 = arith.addf %parallel_loop3A_269, %parallel_loop3A_274 : vector<16xf32>
      %parallel_loop3A_276 = arith.constant 64 : i32
      %parallel_loop3A_277 = arith.addi %parallel_loop3A_276, %parallel_loop3A_194 : i32
      %parallel_loop3A_278 = arith.index_cast %parallel_loop3A_277 : i32 to index
      %parallel_loop3A_279 = arith.constant 16 : index
      %parallel_loop3A_280 = tpu.vector_load %arg10[%parallel_loop3A_278, %parallel_loop3A_279] {strides = array<i32>} : memref<384x64xf32, #tpu.memory_space<vmem>>, vector<16xf32>,
      %parallel_loop3A_281 = arith.addf %parallel_loop3A_275, %parallel_loop3A_280 : vector<16xf32>
      %parallel_loop3A_282 = arith.constant 96 : i32
      %parallel_loop3A_283 = arith.addi %parallel_loop3A_282, %parallel_loop3A_194 : i32
      %parallel_loop3A_284 = arith.index_cast %parallel_loop3A_283 : i32 to index
      %parallel_loop3A_285 = arith.constant 16 : index
      %parallel_loop3A_286 = tpu.vector_load %arg10[%parallel_loop3A_284, %parallel_loop3A_285] {strides = array<i32>} : memref<384x64xf32, #tpu.memory_space<vmem>>, vector<16xf32>,
      %parallel_loop3A_287 = arith.addf %parallel_loop3A_281, %parallel_loop3A_286 : vector<16xf32>
      %parallel_loop3A_288 = arith.constant 128 : i32
      %parallel_loop3A_289 = arith.addi %parallel_loop3A_288, %parallel_loop3A_194 : i32
      %parallel_loop3A_290 = arith.index_cast %parallel_loop3A_289 : i32 to index
      %parallel_loop3A_291 = arith.constant 16 : index
      %parallel_loop3A_292 = tpu.vector_load %arg10[%parallel_loop3A_290, %parallel_loop3A_291] {strides = array<i32>} : memref<384x64xf32, #tpu.memory_space<vmem>>, vector<16xf32>,
      %parallel_loop3A_293 = arith.addf %parallel_loop3A_287, %parallel_loop3A_292 : vector<16xf32>
      %parallel_loop3A_294 = arith.constant 160 : i32
      %parallel_loop3A_295 = arith.addi %parallel_loop3A_294, %parallel_loop3A_194 : i32
      %parallel_loop3A_296 = arith.index_cast %parallel_loop3A_295 : i32 to index
      %parallel_loop3A_297 = arith.constant 16 : index
      %parallel_loop3A_298 = tpu.vector_load %arg10[%parallel_loop3A_296, %parallel_loop3A_297] {strides = array<i32>} : memref<384x64xf32, #tpu.memory_space<vmem>>, vector<16xf32>,
      %parallel_loop3A_299 = arith.addf %parallel_loop3A_293, %parallel_loop3A_298 : vector<16xf32>
      %parallel_loop3A_300 = arith.constant 192 : i32
      %parallel_loop3A_301 = arith.addi %parallel_loop3A_300, %parallel_loop3A_194 : i32
      %parallel_loop3A_302 = arith.index_cast %parallel_loop3A_301 : i32 to index
      %parallel_loop3A_303 = arith.constant 16 : index
      %parallel_loop3A_304 = tpu.vector_load %arg10[%parallel_loop3A_302, %parallel_loop3A_303] {strides = array<i32>} : memref<384x64xf32, #tpu.memory_space<vmem>>, vector<16xf32>,
      %parallel_loop3A_305 = arith.addf %parallel_loop3A_299, %parallel_loop3A_304 : vector<16xf32>
      %parallel_loop3A_306 = arith.constant 224 : i32
      %parallel_loop3A_307 = arith.addi %parallel_loop3A_306, %parallel_loop3A_194 : i32
      %parallel_loop3A_308 = arith.index_cast %parallel_loop3A_307 : i32 to index
      %parallel_loop3A_309 = arith.constant 16 : index
      %parallel_loop3A_310 = tpu.vector_load %arg10[%parallel_loop3A_308, %parallel_loop3A_309] {strides = array<i32>} : memref<384x64xf32, #tpu.memory_space<vmem>>, vector<16xf32>,
      %parallel_loop3A_311 = arith.addf %parallel_loop3A_305, %parallel_loop3A_310 : vector<16xf32>
      %parallel_loop3A_312 = arith.constant 256 : i32
      %parallel_loop3A_313 = arith.addi %parallel_loop3A_312, %parallel_loop3A_194 : i32
      %parallel_loop3A_314 = arith.index_cast %parallel_loop3A_313 : i32 to index
      %parallel_loop3A_315 = arith.constant 16 : index
      %parallel_loop3A_316 = tpu.vector_load %arg10[%parallel_loop3A_314, %parallel_loop3A_315] {strides = array<i32>} : memref<384x64xf32, #tpu.memory_space<vmem>>, vector<16xf32>,
      %parallel_loop3A_317 = arith.addf %parallel_loop3A_311, %parallel_loop3A_316 : vector<16xf32>
      %parallel_loop3A_318 = arith.constant 288 : i32
      %parallel_loop3A_319 = arith.addi %parallel_loop3A_318, %parallel_loop3A_194 : i32
      %parallel_loop3A_320 = arith.index_cast %parallel_loop3A_319 : i32 to index
      %parallel_loop3A_321 = arith.constant 16 : index
      %parallel_loop3A_322 = tpu.vector_load %arg10[%parallel_loop3A_320, %parallel_loop3A_321] {strides = array<i32>} : memref<384x64xf32, #tpu.memory_space<vmem>>, vector<16xf32>,
      %parallel_loop3A_323 = arith.addf %parallel_loop3A_317, %parallel_loop3A_322 : vector<16xf32>
      %parallel_loop3A_324 = arith.constant 320 : i32
      %parallel_loop3A_325 = arith.addi %parallel_loop3A_324, %parallel_loop3A_194 : i32
      %parallel_loop3A_326 = arith.index_cast %parallel_loop3A_325 : i32 to index
      %parallel_loop3A_327 = arith.constant 16 : index
      %parallel_loop3A_328 = tpu.vector_load %arg10[%parallel_loop3A_326, %parallel_loop3A_327] {strides = array<i32>} : memref<384x64xf32, #tpu.memory_space<vmem>>, vector<16xf32>,
      %parallel_loop3A_329 = arith.addf %parallel_loop3A_323, %parallel_loop3A_328 : vector<16xf32>
      %parallel_loop3A_330 = arith.constant 352 : i32
      %parallel_loop3A_331 = arith.addi %parallel_loop3A_330, %parallel_loop3A_194 : i32
      %parallel_loop3A_332 = arith.index_cast %parallel_loop3A_331 : i32 to index
      %parallel_loop3A_333 = arith.constant 16 : index
      %parallel_loop3A_334 = tpu.vector_load %arg10[%parallel_loop3A_332, %parallel_loop3A_333] {strides = array<i32>} : memref<384x64xf32, #tpu.memory_space<vmem>>, vector<16xf32>,
      %parallel_loop3A_335 = arith.addf %parallel_loop3A_329, %parallel_loop3A_334 : vector<16xf32>
      %parallel_loop3A_336 = arith.index_cast %parallel_loop3A_194 : i32 to index
      %parallel_loop3A_337 = arith.constant 16 : index
      %parallel_loop3A_338 = tpu.vector_load %arg12[%parallel_loop3A_336, %parallel_loop3A_337] {strides = array<i32>} : memref<32x64xf32, #tpu.memory_space<vmem>>, vector<16xf32>,
      tpu.vector_store %arg12[%parallel_loop3A_336, %parallel_loop3A_337], %parallel_loop3A_335 {strides = array<i32>} : memref<32x64xf32, #tpu.memory_space<vmem>>, vector<16xf32>,
      %parallel_loop3A_339 = arith.index_cast %parallel_loop3A_194 : i32 to index
      %parallel_loop3A_340 = arith.constant 32 : index
      %parallel_loop3A_341 = tpu.vector_load %arg10[%parallel_loop3A_339, %parallel_loop3A_340] {strides = array<i32>} : memref<384x64xf32, #tpu.memory_space<vmem>>, vector<16xf32>,
      %parallel_loop3A_342 = arith.constant 32 : i32
      %parallel_loop3A_343 = arith.addi %parallel_loop3A_342, %parallel_loop3A_194 : i32
      %parallel_loop3A_344 = arith.index_cast %parallel_loop3A_343 : i32 to index
      %parallel_loop3A_345 = arith.constant 32 : index
      %parallel_loop3A_346 = tpu.vector_load %arg10[%parallel_loop3A_344, %parallel_loop3A_345] {strides = array<i32>} : memref<384x64xf32, #tpu.memory_space<vmem>>, vector<16xf32>,
      %parallel_loop3A_347 = arith.addf %parallel_loop3A_341, %parallel_loop3A_346 : vector<16xf32>
      %parallel_loop3A_348 = arith.constant 64 : i32
      %parallel_loop3A_349 = arith.addi %parallel_loop3A_348, %parallel_loop3A_194 : i32
      %parallel_loop3A_350 = arith.index_cast %parallel_loop3A_349 : i32 to index
      %parallel_loop3A_351 = arith.constant 32 : index
      %parallel_loop3A_352 = tpu.vector_load %arg10[%parallel_loop3A_350, %parallel_loop3A_351] {strides = array<i32>} : memref<384x64xf32, #tpu.memory_space<vmem>>, vector<16xf32>,
      %parallel_loop3A_353 = arith.addf %parallel_loop3A_347, %parallel_loop3A_352 : vector<16xf32>
      %parallel_loop3A_354 = arith.constant 96 : i32
      %parallel_loop3A_355 = arith.addi %parallel_loop3A_354, %parallel_loop3A_194 : i32
      %parallel_loop3A_356 = arith.index_cast %parallel_loop3A_355 : i32 to index
      %parallel_loop3A_357 = arith.constant 32 : index
      %parallel_loop3A_358 = tpu.vector_load %arg10[%parallel_loop3A_356, %parallel_loop3A_357] {strides = array<i32>} : memref<384x64xf32, #tpu.memory_space<vmem>>, vector<16xf32>,
      %parallel_loop3A_359 = arith.addf %parallel_loop3A_353, %parallel_loop3A_358 : vector<16xf32>
      %parallel_loop3A_360 = arith.constant 128 : i32
      %parallel_loop3A_361 = arith.addi %parallel_loop3A_360, %parallel_loop3A_194 : i32
      %parallel_loop3A_362 = arith.index_cast %parallel_loop3A_361 : i32 to index
      %parallel_loop3A_363 = arith.constant 32 : index
      %parallel_loop3A_364 = tpu.vector_load %arg10[%parallel_loop3A_362, %parallel_loop3A_363] {strides = array<i32>} : memref<384x64xf32, #tpu.memory_space<vmem>>, vector<16xf32>,
      %parallel_loop3A_365 = arith.addf %parallel_loop3A_359, %parallel_loop3A_364 : vector<16xf32>
      %parallel_loop3A_366 = arith.constant 160 : i32
      %parallel_loop3A_367 = arith.addi %parallel_loop3A_366, %parallel_loop3A_194 : i32
      %parallel_loop3A_368 = arith.index_cast %parallel_loop3A_367 : i32 to index
      %parallel_loop3A_369 = arith.constant 32 : index
      %parallel_loop3A_370 = tpu.vector_load %arg10[%parallel_loop3A_368, %parallel_loop3A_369] {strides = array<i32>} : memref<384x64xf32, #tpu.memory_space<vmem>>, vector<16xf32>,
      %parallel_loop3A_371 = arith.addf %parallel_loop3A_365, %parallel_loop3A_370 : vector<16xf32>
      %parallel_loop3A_372 = arith.constant 192 : i32
      %parallel_loop3A_373 = arith.addi %parallel_loop3A_372, %parallel_loop3A_194 : i32
      %parallel_loop3A_374 = arith.index_cast %parallel_loop3A_373 : i32 to index
      %parallel_loop3A_375 = arith.constant 32 : index
      %parallel_loop3A_376 = tpu.vector_load %arg10[%parallel_loop3A_374, %parallel_loop3A_375] {strides = array<i32>} : memref<384x64xf32, #tpu.memory_space<vmem>>, vector<16xf32>,
      %parallel_loop3A_377 = arith.addf %parallel_loop3A_371, %parallel_loop3A_376 : vector<16xf32>
      %parallel_loop3A_378 = arith.constant 224 : i32
      %parallel_loop3A_379 = arith.addi %parallel_loop3A_378, %parallel_loop3A_194 : i32
      %parallel_loop3A_380 = arith.index_cast %parallel_loop3A_379 : i32 to index
      %parallel_loop3A_381 = arith.constant 32 : index
      %parallel_loop3A_382 = tpu.vector_load %arg10[%parallel_loop3A_380, %parallel_loop3A_381] {strides = array<i32>} : memref<384x64xf32, #tpu.memory_space<vmem>>, vector<16xf32>,
      %parallel_loop3A_383 = arith.addf %parallel_loop3A_377, %parallel_loop3A_382 : vector<16xf32>
      %parallel_loop3A_384 = arith.constant 256 : i32
      %parallel_loop3A_385 = arith.addi %parallel_loop3A_384, %parallel_loop3A_194 : i32
      %parallel_loop3A_386 = arith.index_cast %parallel_loop3A_385 : i32 to index
      %parallel_loop3A_387 = arith.constant 32 : index
      %parallel_loop3A_388 = tpu.vector_load %arg10[%parallel_loop3A_386, %parallel_loop3A_387] {strides = array<i32>} : memref<384x64xf32, #tpu.memory_space<vmem>>, vector<16xf32>,
      %parallel_loop3A_389 = arith.addf %parallel_loop3A_383, %parallel_loop3A_388 : vector<16xf32>
      %parallel_loop3A_390 = arith.constant 288 : i32
      %parallel_loop3A_391 = arith.addi %parallel_loop3A_390, %parallel_loop3A_194 : i32
      %parallel_loop3A_392 = arith.index_cast %parallel_loop3A_391 : i32 to index
      %parallel_loop3A_393 = arith.constant 32 : index
      %parallel_loop3A_394 = tpu.vector_load %arg10[%parallel_loop3A_392, %parallel_loop3A_393] {strides = array<i32>} : memref<384x64xf32, #tpu.memory_space<vmem>>, vector<16xf32>,
      %parallel_loop3A_395 = arith.addf %parallel_loop3A_389, %parallel_loop3A_394 : vector<16xf32>
      %parallel_loop3A_396 = arith.constant 320 : i32
      %parallel_loop3A_397 = arith.addi %parallel_loop3A_396, %parallel_loop3A_194 : i32
      %parallel_loop3A_398 = arith.index_cast %parallel_loop3A_397 : i32 to index
      %parallel_loop3A_399 = arith.constant 32 : index
      %parallel_loop3A_400 = tpu.vector_load %arg10[%parallel_loop3A_398, %parallel_loop3A_399] {strides = array<i32>} : memref<384x64xf32, #tpu.memory_space<vmem>>, vector<16xf32>,
      %parallel_loop3A_401 = arith.addf %parallel_loop3A_395, %parallel_loop3A_400 : vector<16xf32>
      %parallel_loop3A_402 = arith.constant 352 : i32
      %parallel_loop3A_403 = arith.addi %parallel_loop3A_402, %parallel_loop3A_194 : i32
      %parallel_loop3A_404 = arith.index_cast %parallel_loop3A_403 : i32 to index
      %parallel_loop3A_405 = arith.constant 32 : index
      %parallel_loop3A_406 = tpu.vector_load %arg10[%parallel_loop3A_404, %parallel_loop3A_405] {strides = array<i32>} : memref<384x64xf32, #tpu.memory_space<vmem>>, vector<16xf32>,
      %parallel_loop3A_407 = arith.addf %parallel_loop3A_401, %parallel_loop3A_406 : vector<16xf32>
      %parallel_loop3A_408 = arith.index_cast %parallel_loop3A_194 : i32 to index
      %parallel_loop3A_409 = arith.constant 32 : index
      %parallel_loop3A_410 = tpu.vector_load %arg12[%parallel_loop3A_408, %parallel_loop3A_409] {strides = array<i32>} : memref<32x64xf32, #tpu.memory_space<vmem>>, vector<16xf32>,
      tpu.vector_store %arg12[%parallel_loop3A_408, %parallel_loop3A_409], %parallel_loop3A_407 {strides = array<i32>} : memref<32x64xf32, #tpu.memory_space<vmem>>, vector<16xf32>,
      %parallel_loop3A_411 = arith.index_cast %parallel_loop3A_194 : i32 to index
      %parallel_loop3A_412 = arith.constant 48 : index
      %parallel_loop3A_413 = tpu.vector_load %arg10[%parallel_loop3A_411, %parallel_loop3A_412] {strides = array<i32>} : memref<384x64xf32, #tpu.memory_space<vmem>>, vector<16xf32>,
      %parallel_loop3A_414 = arith.constant 32 : i32
      %parallel_loop3A_415 = arith.addi %parallel_loop3A_414, %parallel_loop3A_194 : i32
      %parallel_loop3A_416 = arith.index_cast %parallel_loop3A_415 : i32 to index
      %parallel_loop3A_417 = arith.constant 48 : index
      %parallel_loop3A_418 = tpu.vector_load %arg10[%parallel_loop3A_416, %parallel_loop3A_417] {strides = array<i32>} : memref<384x64xf32, #tpu.memory_space<vmem>>, vector<16xf32>,
      %parallel_loop3A_419 = arith.addf %parallel_loop3A_413, %parallel_loop3A_418 : vector<16xf32>
      %parallel_loop3A_420 = arith.constant 64 : i32
      %parallel_loop3A_421 = arith.addi %parallel_loop3A_420, %parallel_loop3A_194 : i32
      %parallel_loop3A_422 = arith.index_cast %parallel_loop3A_421 : i32 to index
      %parallel_loop3A_423 = arith.constant 48 : index
      %parallel_loop3A_424 = tpu.vector_load %arg10[%parallel_loop3A_422, %parallel_loop3A_423] {strides = array<i32>} : memref<384x64xf32, #tpu.memory_space<vmem>>, vector<16xf32>,
      %parallel_loop3A_425 = arith.addf %parallel_loop3A_419, %parallel_loop3A_424 : vector<16xf32>
      %parallel_loop3A_426 = arith.constant 96 : i32
      %parallel_loop3A_427 = arith.addi %parallel_loop3A_426, %parallel_loop3A_194 : i32
      %parallel_loop3A_428 = arith.index_cast %parallel_loop3A_427 : i32 to index
      %parallel_loop3A_429 = arith.constant 48 : index
      %parallel_loop3A_430 = tpu.vector_load %arg10[%parallel_loop3A_428, %parallel_loop3A_429] {strides = array<i32>} : memref<384x64xf32, #tpu.memory_space<vmem>>, vector<16xf32>,
      %parallel_loop3A_431 = arith.addf %parallel_loop3A_425, %parallel_loop3A_430 : vector<16xf32>
      %parallel_loop3A_432 = arith.constant 128 : i32
      %parallel_loop3A_433 = arith.addi %parallel_loop3A_432, %parallel_loop3A_194 : i32
      %parallel_loop3A_434 = arith.index_cast %parallel_loop3A_433 : i32 to index
      %parallel_loop3A_435 = arith.constant 48 : index
      %parallel_loop3A_436 = tpu.vector_load %arg10[%parallel_loop3A_434, %parallel_loop3A_435] {strides = array<i32>} : memref<384x64xf32, #tpu.memory_space<vmem>>, vector<16xf32>,
      %parallel_loop3A_437 = arith.addf %parallel_loop3A_431, %parallel_loop3A_436 : vector<16xf32>
      %parallel_loop3A_438 = arith.constant 160 : i32
      %parallel_loop3A_439 = arith.addi %parallel_loop3A_438, %parallel_loop3A_194 : i32
      %parallel_loop3A_440 = arith.index_cast %parallel_loop3A_439 : i32 to index
      %parallel_loop3A_441 = arith.constant 48 : index
      %parallel_loop3A_442 = tpu.vector_load %arg10[%parallel_loop3A_440, %parallel_loop3A_441] {strides = array<i32>} : memref<384x64xf32, #tpu.memory_space<vmem>>, vector<16xf32>,
      %parallel_loop3A_443 = arith.addf %parallel_loop3A_437, %parallel_loop3A_442 : vector<16xf32>
      %parallel_loop3A_444 = arith.constant 192 : i32
      %parallel_loop3A_445 = arith.addi %parallel_loop3A_444, %parallel_loop3A_194 : i32
      %parallel_loop3A_446 = arith.index_cast %parallel_loop3A_445 : i32 to index
      %parallel_loop3A_447 = arith.constant 48 : index
      %parallel_loop3A_448 = tpu.vector_load %arg10[%parallel_loop3A_446, %parallel_loop3A_447] {strides = array<i32>} : memref<384x64xf32, #tpu.memory_space<vmem>>, vector<16xf32>,
      %parallel_loop3A_449 = arith.addf %parallel_loop3A_443, %parallel_loop3A_448 : vector<16xf32>
      %parallel_loop3A_450 = arith.constant 224 : i32
      %parallel_loop3A_451 = arith.addi %parallel_loop3A_450, %parallel_loop3A_194 : i32
      %parallel_loop3A_452 = arith.index_cast %parallel_loop3A_451 : i32 to index
      %parallel_loop3A_453 = arith.constant 48 : index
      %parallel_loop3A_454 = tpu.vector_load %arg10[%parallel_loop3A_452, %parallel_loop3A_453] {strides = array<i32>} : memref<384x64xf32, #tpu.memory_space<vmem>>, vector<16xf32>,
      %parallel_loop3A_455 = arith.addf %parallel_loop3A_449, %parallel_loop3A_454 : vector<16xf32>
      %parallel_loop3A_456 = arith.constant 256 : i32
      %parallel_loop3A_457 = arith.addi %parallel_loop3A_456, %parallel_loop3A_194 : i32
      %parallel_loop3A_458 = arith.index_cast %parallel_loop3A_457 : i32 to index
      %parallel_loop3A_459 = arith.constant 48 : index
      %parallel_loop3A_460 = tpu.vector_load %arg10[%parallel_loop3A_458, %parallel_loop3A_459] {strides = array<i32>} : memref<384x64xf32, #tpu.memory_space<vmem>>, vector<16xf32>,
      %parallel_loop3A_461 = arith.addf %parallel_loop3A_455, %parallel_loop3A_460 : vector<16xf32>
      %parallel_loop3A_462 = arith.constant 288 : i32
      %parallel_loop3A_463 = arith.addi %parallel_loop3A_462, %parallel_loop3A_194 : i32
      %parallel_loop3A_464 = arith.index_cast %parallel_loop3A_463 : i32 to index
      %parallel_loop3A_465 = arith.constant 48 : index
      %parallel_loop3A_466 = tpu.vector_load %arg10[%parallel_loop3A_464, %parallel_loop3A_465] {strides = array<i32>} : memref<384x64xf32, #tpu.memory_space<vmem>>, vector<16xf32>,
      %parallel_loop3A_467 = arith.addf %parallel_loop3A_461, %parallel_loop3A_466 : vector<16xf32>
      %parallel_loop3A_468 = arith.constant 320 : i32
      %parallel_loop3A_469 = arith.addi %parallel_loop3A_468, %parallel_loop3A_194 : i32
      %parallel_loop3A_470 = arith.index_cast %parallel_loop3A_469 : i32 to index
      %parallel_loop3A_471 = arith.constant 48 : index
      %parallel_loop3A_472 = tpu.vector_load %arg10[%parallel_loop3A_470, %parallel_loop3A_471] {strides = array<i32>} : memref<384x64xf32, #tpu.memory_space<vmem>>, vector<16xf32>,
      %parallel_loop3A_473 = arith.addf %parallel_loop3A_467, %parallel_loop3A_472 : vector<16xf32>
      %parallel_loop3A_474 = arith.constant 352 : i32
      %parallel_loop3A_475 = arith.addi %parallel_loop3A_474, %parallel_loop3A_194 : i32
      %parallel_loop3A_476 = arith.index_cast %parallel_loop3A_475 : i32 to index
      %parallel_loop3A_477 = arith.constant 48 : index
      %parallel_loop3A_478 = tpu.vector_load %arg10[%parallel_loop3A_476, %parallel_loop3A_477] {strides = array<i32>} : memref<384x64xf32, #tpu.memory_space<vmem>>, vector<16xf32>,
      %parallel_loop3A_479 = arith.addf %parallel_loop3A_473, %parallel_loop3A_478 : vector<16xf32>
      %parallel_loop3A_480 = arith.index_cast %parallel_loop3A_194 : i32 to index
      %parallel_loop3A_481 = arith.constant 48 : index
      %parallel_loop3A_482 = tpu.vector_load %arg12[%parallel_loop3A_480, %parallel_loop3A_481] {strides = array<i32>} : memref<32x64xf32, #tpu.memory_space<vmem>>, vector<16xf32>,
      tpu.vector_store %arg12[%parallel_loop3A_480, %parallel_loop3A_481], %parallel_loop3A_479 {strides = array<i32>} : memref<32x64xf32, #tpu.memory_space<vmem>>, vector<16xf32>,
    } {sc.loop_unroll_factor = 2 : i64, sc.parallel_access}
    %add3A_181 = arith.constant 1536 : i32
    %add3A_182 = arith.addi %mul3A_2, %add3A_181 : i32
    "tpu.region"() ({
      %run_scoped3A = tpu.sem_alloc : memref<!tpu.dma_semaphore, #tpu.memory_space<semaphore_mem>>
      %dma_start3A_194 = arith.constant 0 : i32
      %dma_start3A_195 = tpu.memref_slice %arg5[%add3A_182, %dma_start3A_194] : memref<51200x64xf32, #tpu.memory_space<hbm>> -> memref<32x64xf32, #tpu.memory_space<hbm>>
      %dma_start3A_196 = arith.constant 0 : i32
      %dma_start3A_197 = tpu.memref_slice %arg5[%add3A_182, %dma_start3A_196] : memref<51200x64xf32, #tpu.memory_space<hbm>> -> memref<32x64xf32, #tpu.memory_space<hbm>>
      tpu.enqueue_dma source(%arg12 : memref<32x64xf32, #tpu.memory_space<vmem>>) target(%dma_start3A_197 : memref<32x64xf32, #tpu.memory_space<hbm>>) target_semaphore(%run_scoped3A : memref<!tpu.dma_semaphore, #tpu.memory_space<semaphore_mem>>)
      %dma_wait3A_198 = arith.constant 0 : i32
      %dma_wait3A_199 = tpu.memref_slice %arg5[%add3A_182, %dma_wait3A_198] : memref<51200x64xf32, #tpu.memory_space<hbm>> -> memref<32x64xf32, #tpu.memory_space<hbm>>
      %dma_wait3A_200 = arith.constant 0 : i32
      %dma_wait3A_201 = tpu.memref_slice %arg5[%add3A_182, %dma_wait3A_200] : memref<51200x64xf32, #tpu.memory_space<hbm>> -> memref<32x64xf32, #tpu.memory_space<hbm>>
      tpu.wait_dma2 semaphore(%run_scoped3A : memref<!tpu.dma_semaphore, #tpu.memory_space<semaphore_mem>>) src(%arg12 : memref<32x64xf32, #tpu.memory_space<vmem>>) dst(%dma_wait3A_201 : memref<32x64xf32, #tpu.memory_space<hbm>>)
      tpu.yield
    }) : () -> ()
    %dma_wait3A_183 = arith.constant 0 : i32
    %dma_wait3A_184 = arith.constant 0 : i32
    %dma_wait3A_185 = tpu.memref_slice %arg4[%dma_wait3A_183, %dma_wait3A_184] : memref<110592x64xf32, #tpu.memory_space<hbm>> -> memref<384x64xf32, #tpu.memory_space<hbm>>
    %dma_wait3A_186 = arith.constant 0 : i32
    %dma_wait3A_187 = arith.constant 0 : i32
    %dma_wait3A_188 = tpu.memref_slice %arg4[%dma_wait3A_186, %dma_wait3A_187] : memref<110592x64xf32, #tpu.memory_space<hbm>> -> memref<384x64xf32, #tpu.memory_space<hbm>>
    tpu.wait_dma2 semaphore(%arg15 : memref<!tpu.dma_semaphore, #tpu.memory_space<semaphore_mem>>) src(%dma_wait3A_188 : memref<384x64xf32, #tpu.memory_space<hbm>>) dst(%arg11 : memref<384x64xf32, #tpu.memory_space<vmem>>)
    %parallel_loop3A_189 = arith.constant 0 : i32
    %parallel_loop3A_190 = arith.constant 32 : i32
    %parallel_loop3A_191 = arith.constant 1 : i32
    scf.for %parallel_loop3A_194 = %parallel_loop3A_189 to %parallel_loop3A_190 step %parallel_loop3A_191  : i32 {
      %parallel_loop3A_195 = arith.index_cast %parallel_loop3A_194 : i32 to index
      %parallel_loop3A_196 = arith.constant 0 : index
      %parallel_loop3A_197 = tpu.vector_load %arg11[%parallel_loop3A_195, %parallel_loop3A_196] {strides = array<i32>} : memref<384x64xf32, #tpu.memory_space<vmem>>, vector<16xf32>,
      %parallel_loop3A_198 = arith.constant 32 : i32
      %parallel_loop3A_199 = arith.addi %parallel_loop3A_198, %parallel_loop3A_194 : i32
      %parallel_loop3A_200 = arith.index_cast %parallel_loop3A_199 : i32 to index
      %parallel_loop3A_201 = arith.constant 0 : index
      %parallel_loop3A_202 = tpu.vector_load %arg11[%parallel_loop3A_200, %parallel_loop3A_201] {strides = array<i32>} : memref<384x64xf32, #tpu.memory_space<vmem>>, vector<16xf32>,
      %parallel_loop3A_203 = arith.addf %parallel_loop3A_197, %parallel_loop3A_202 : vector<16xf32>
      %parallel_loop3A_204 = arith.constant 64 : i32
      %parallel_loop3A_205 = arith.addi %parallel_loop3A_204, %parallel_loop3A_194 : i32
      %parallel_loop3A_206 = arith.index_cast %parallel_loop3A_205 : i32 to index
      %parallel_loop3A_207 = arith.constant 0 : index
      %parallel_loop3A_208 = tpu.vector_load %arg11[%parallel_loop3A_206, %parallel_loop3A_207] {strides = array<i32>} : memref<384x64xf32, #tpu.memory_space<vmem>>, vector<16xf32>,
      %parallel_loop3A_209 = arith.addf %parallel_loop3A_203, %parallel_loop3A_208 : vector<16xf32>
      %parallel_loop3A_210 = arith.constant 96 : i32
      %parallel_loop3A_211 = arith.addi %parallel_loop3A_210, %parallel_loop3A_194 : i32
      %parallel_loop3A_212 = arith.index_cast %parallel_loop3A_211 : i32 to index
      %parallel_loop3A_213 = arith.constant 0 : index
      %parallel_loop3A_214 = tpu.vector_load %arg11[%parallel_loop3A_212, %parallel_loop3A_213] {strides = array<i32>} : memref<384x64xf32, #tpu.memory_space<vmem>>, vector<16xf32>,
      %parallel_loop3A_215 = arith.addf %parallel_loop3A_209, %parallel_loop3A_214 : vector<16xf32>
      %parallel_loop3A_216 = arith.constant 128 : i32
      %parallel_loop3A_217 = arith.addi %parallel_loop3A_216, %parallel_loop3A_194 : i32
      %parallel_loop3A_218 = arith.index_cast %parallel_loop3A_217 : i32 to index
      %parallel_loop3A_219 = arith.constant 0 : index
      %parallel_loop3A_220 = tpu.vector_load %arg11[%parallel_loop3A_218, %parallel_loop3A_219] {strides = array<i32>} : memref<384x64xf32, #tpu.memory_space<vmem>>, vector<16xf32>,
      %parallel_loop3A_221 = arith.addf %parallel_loop3A_215, %parallel_loop3A_220 : vector<16xf32>
      %parallel_loop3A_222 = arith.constant 160 : i32
      %parallel_loop3A_223 = arith.addi %parallel_loop3A_222, %parallel_loop3A_194 : i32
      %parallel_loop3A_224 = arith.index_cast %parallel_loop3A_223 : i32 to index
      %parallel_loop3A_225 = arith.constant 0 : index
      %parallel_loop3A_226 = tpu.vector_load %arg11[%parallel_loop3A_224, %parallel_loop3A_225] {strides = array<i32>} : memref<384x64xf32, #tpu.memory_space<vmem>>, vector<16xf32>,
      %parallel_loop3A_227 = arith.addf %parallel_loop3A_221, %parallel_loop3A_226 : vector<16xf32>
      %parallel_loop3A_228 = arith.constant 192 : i32
      %parallel_loop3A_229 = arith.addi %parallel_loop3A_228, %parallel_loop3A_194 : i32
      %parallel_loop3A_230 = arith.index_cast %parallel_loop3A_229 : i32 to index
      %parallel_loop3A_231 = arith.constant 0 : index
      %parallel_loop3A_232 = tpu.vector_load %arg11[%parallel_loop3A_230, %parallel_loop3A_231] {strides = array<i32>} : memref<384x64xf32, #tpu.memory_space<vmem>>, vector<16xf32>,
      %parallel_loop3A_233 = arith.addf %parallel_loop3A_227, %parallel_loop3A_232 : vector<16xf32>
      %parallel_loop3A_234 = arith.constant 224 : i32
      %parallel_loop3A_235 = arith.addi %parallel_loop3A_234, %parallel_loop3A_194 : i32
      %parallel_loop3A_236 = arith.index_cast %parallel_loop3A_235 : i32 to index
      %parallel_loop3A_237 = arith.constant 0 : index
      %parallel_loop3A_238 = tpu.vector_load %arg11[%parallel_loop3A_236, %parallel_loop3A_237] {strides = array<i32>} : memref<384x64xf32, #tpu.memory_space<vmem>>, vector<16xf32>,
      %parallel_loop3A_239 = arith.addf %parallel_loop3A_233, %parallel_loop3A_238 : vector<16xf32>
      %parallel_loop3A_240 = arith.constant 256 : i32
      %parallel_loop3A_241 = arith.addi %parallel_loop3A_240, %parallel_loop3A_194 : i32
      %parallel_loop3A_242 = arith.index_cast %parallel_loop3A_241 : i32 to index
      %parallel_loop3A_243 = arith.constant 0 : index
      %parallel_loop3A_244 = tpu.vector_load %arg11[%parallel_loop3A_242, %parallel_loop3A_243] {strides = array<i32>} : memref<384x64xf32, #tpu.memory_space<vmem>>, vector<16xf32>,
      %parallel_loop3A_245 = arith.addf %parallel_loop3A_239, %parallel_loop3A_244 : vector<16xf32>
      %parallel_loop3A_246 = arith.constant 288 : i32
      %parallel_loop3A_247 = arith.addi %parallel_loop3A_246, %parallel_loop3A_194 : i32
      %parallel_loop3A_248 = arith.index_cast %parallel_loop3A_247 : i32 to index
      %parallel_loop3A_249 = arith.constant 0 : index
      %parallel_loop3A_250 = tpu.vector_load %arg11[%parallel_loop3A_248, %parallel_loop3A_249] {strides = array<i32>} : memref<384x64xf32, #tpu.memory_space<vmem>>, vector<16xf32>,
      %parallel_loop3A_251 = arith.addf %parallel_loop3A_245, %parallel_loop3A_250 : vector<16xf32>
      %parallel_loop3A_252 = arith.constant 320 : i32
      %parallel_loop3A_253 = arith.addi %parallel_loop3A_252, %parallel_loop3A_194 : i32
      %parallel_loop3A_254 = arith.index_cast %parallel_loop3A_253 : i32 to index
      %parallel_loop3A_255 = arith.constant 0 : index
      %parallel_loop3A_256 = tpu.vector_load %arg11[%parallel_loop3A_254, %parallel_loop3A_255] {strides = array<i32>} : memref<384x64xf32, #tpu.memory_space<vmem>>, vector<16xf32>,
      %parallel_loop3A_257 = arith.addf %parallel_loop3A_251, %parallel_loop3A_256 : vector<16xf32>
      %parallel_loop3A_258 = arith.constant 352 : i32
      %parallel_loop3A_259 = arith.addi %parallel_loop3A_258, %parallel_loop3A_194 : i32
      %parallel_loop3A_260 = arith.index_cast %parallel_loop3A_259 : i32 to index
      %parallel_loop3A_261 = arith.constant 0 : index
      %parallel_loop3A_262 = tpu.vector_load %arg11[%parallel_loop3A_260, %parallel_loop3A_261] {strides = array<i32>} : memref<384x64xf32, #tpu.memory_space<vmem>>, vector<16xf32>,
      %parallel_loop3A_263 = arith.addf %parallel_loop3A_257, %parallel_loop3A_262 : vector<16xf32>
      %parallel_loop3A_264 = arith.index_cast %parallel_loop3A_194 : i32 to index
      %parallel_loop3A_265 = arith.constant 0 : index
      %parallel_loop3A_266 = tpu.vector_load %arg12[%parallel_loop3A_264, %parallel_loop3A_265] {strides = array<i32>} : memref<32x64xf32, #tpu.memory_space<vmem>>, vector<16xf32>,
      tpu.vector_store %arg12[%parallel_loop3A_264, %parallel_loop3A_265], %parallel_loop3A_263 {strides = array<i32>} : memref<32x64xf32, #tpu.memory_space<vmem>>, vector<16xf32>,
      %parallel_loop3A_267 = arith.index_cast %parallel_loop3A_194 : i32 to index
      %parallel_loop3A_268 = arith.constant 16 : index
      %parallel_loop3A_269 = tpu.vector_load %arg11[%parallel_loop3A_267, %parallel_loop3A_268] {strides = array<i32>} : memref<384x64xf32, #tpu.memory_space<vmem>>, vector<16xf32>,
      %parallel_loop3A_270 = arith.constant 32 : i32
      %parallel_loop3A_271 = arith.addi %parallel_loop3A_270, %parallel_loop3A_194 : i32
      %parallel_loop3A_272 = arith.index_cast %parallel_loop3A_271 : i32 to index
      %parallel_loop3A_273 = arith.constant 16 : index
      %parallel_loop3A_274 = tpu.vector_load %arg11[%parallel_loop3A_272, %parallel_loop3A_273] {strides = array<i32>} : memref<384x64xf32, #tpu.memory_space<vmem>>, vector<16xf32>,
      %parallel_loop3A_275 = arith.addf %parallel_loop3A_269, %parallel_loop3A_274 : vector<16xf32>
      %parallel_loop3A_276 = arith.constant 64 : i32
      %parallel_loop3A_277 = arith.addi %parallel_loop3A_276, %parallel_loop3A_194 : i32
      %parallel_loop3A_278 = arith.index_cast %parallel_loop3A_277 : i32 to index
      %parallel_loop3A_279 = arith.constant 16 : index
      %parallel_loop3A_280 = tpu.vector_load %arg11[%parallel_loop3A_278, %parallel_loop3A_279] {strides = array<i32>} : memref<384x64xf32, #tpu.memory_space<vmem>>, vector<16xf32>,
      %parallel_loop3A_281 = arith.addf %parallel_loop3A_275, %parallel_loop3A_280 : vector<16xf32>
      %parallel_loop3A_282 = arith.constant 96 : i32
      %parallel_loop3A_283 = arith.addi %parallel_loop3A_282, %parallel_loop3A_194 : i32
      %parallel_loop3A_284 = arith.index_cast %parallel_loop3A_283 : i32 to index
      %parallel_loop3A_285 = arith.constant 16 : index
      %parallel_loop3A_286 = tpu.vector_load %arg11[%parallel_loop3A_284, %parallel_loop3A_285] {strides = array<i32>} : memref<384x64xf32, #tpu.memory_space<vmem>>, vector<16xf32>,
      %parallel_loop3A_287 = arith.addf %parallel_loop3A_281, %parallel_loop3A_286 : vector<16xf32>
      %parallel_loop3A_288 = arith.constant 128 : i32
      %parallel_loop3A_289 = arith.addi %parallel_loop3A_288, %parallel_loop3A_194 : i32
      %parallel_loop3A_290 = arith.index_cast %parallel_loop3A_289 : i32 to index
      %parallel_loop3A_291 = arith.constant 16 : index
      %parallel_loop3A_292 = tpu.vector_load %arg11[%parallel_loop3A_290, %parallel_loop3A_291] {strides = array<i32>} : memref<384x64xf32, #tpu.memory_space<vmem>>, vector<16xf32>,
      %parallel_loop3A_293 = arith.addf %parallel_loop3A_287, %parallel_loop3A_292 : vector<16xf32>
      %parallel_loop3A_294 = arith.constant 160 : i32
      %parallel_loop3A_295 = arith.addi %parallel_loop3A_294, %parallel_loop3A_194 : i32
      %parallel_loop3A_296 = arith.index_cast %parallel_loop3A_295 : i32 to index
      %parallel_loop3A_297 = arith.constant 16 : index
      %parallel_loop3A_298 = tpu.vector_load %arg11[%parallel_loop3A_296, %parallel_loop3A_297] {strides = array<i32>} : memref<384x64xf32, #tpu.memory_space<vmem>>, vector<16xf32>,
      %parallel_loop3A_299 = arith.addf %parallel_loop3A_293, %parallel_loop3A_298 : vector<16xf32>
      %parallel_loop3A_300 = arith.constant 192 : i32
      %parallel_loop3A_301 = arith.addi %parallel_loop3A_300, %parallel_loop3A_194 : i32
      %parallel_loop3A_302 = arith.index_cast %parallel_loop3A_301 : i32 to index
      %parallel_loop3A_303 = arith.constant 16 : index
      %parallel_loop3A_304 = tpu.vector_load %arg11[%parallel_loop3A_302, %parallel_loop3A_303] {strides = array<i32>} : memref<384x64xf32, #tpu.memory_space<vmem>>, vector<16xf32>,
      %parallel_loop3A_305 = arith.addf %parallel_loop3A_299, %parallel_loop3A_304 : vector<16xf32>
      %parallel_loop3A_306 = arith.constant 224 : i32
      %parallel_loop3A_307 = arith.addi %parallel_loop3A_306, %parallel_loop3A_194 : i32
      %parallel_loop3A_308 = arith.index_cast %parallel_loop3A_307 : i32 to index
      %parallel_loop3A_309 = arith.constant 16 : index
      %parallel_loop3A_310 = tpu.vector_load %arg11[%parallel_loop3A_308, %parallel_loop3A_309] {strides = array<i32>} : memref<384x64xf32, #tpu.memory_space<vmem>>, vector<16xf32>,
      %parallel_loop3A_311 = arith.addf %parallel_loop3A_305, %parallel_loop3A_310 : vector<16xf32>
      %parallel_loop3A_312 = arith.constant 256 : i32
      %parallel_loop3A_313 = arith.addi %parallel_loop3A_312, %parallel_loop3A_194 : i32
      %parallel_loop3A_314 = arith.index_cast %parallel_loop3A_313 : i32 to index
      %parallel_loop3A_315 = arith.constant 16 : index
      %parallel_loop3A_316 = tpu.vector_load %arg11[%parallel_loop3A_314, %parallel_loop3A_315] {strides = array<i32>} : memref<384x64xf32, #tpu.memory_space<vmem>>, vector<16xf32>,
      %parallel_loop3A_317 = arith.addf %parallel_loop3A_311, %parallel_loop3A_316 : vector<16xf32>
      %parallel_loop3A_318 = arith.constant 288 : i32
      %parallel_loop3A_319 = arith.addi %parallel_loop3A_318, %parallel_loop3A_194 : i32
      %parallel_loop3A_320 = arith.index_cast %parallel_loop3A_319 : i32 to index
      %parallel_loop3A_321 = arith.constant 16 : index
      %parallel_loop3A_322 = tpu.vector_load %arg11[%parallel_loop3A_320, %parallel_loop3A_321] {strides = array<i32>} : memref<384x64xf32, #tpu.memory_space<vmem>>, vector<16xf32>,
      %parallel_loop3A_323 = arith.addf %parallel_loop3A_317, %parallel_loop3A_322 : vector<16xf32>
      %parallel_loop3A_324 = arith.constant 320 : i32
      %parallel_loop3A_325 = arith.addi %parallel_loop3A_324, %parallel_loop3A_194 : i32
      %parallel_loop3A_326 = arith.index_cast %parallel_loop3A_325 : i32 to index
      %parallel_loop3A_327 = arith.constant 16 : index
      %parallel_loop3A_328 = tpu.vector_load %arg11[%parallel_loop3A_326, %parallel_loop3A_327] {strides = array<i32>} : memref<384x64xf32, #tpu.memory_space<vmem>>, vector<16xf32>,
      %parallel_loop3A_329 = arith.addf %parallel_loop3A_323, %parallel_loop3A_328 : vector<16xf32>
      %parallel_loop3A_330 = arith.constant 352 : i32
      %parallel_loop3A_331 = arith.addi %parallel_loop3A_330, %parallel_loop3A_194 : i32
      %parallel_loop3A_332 = arith.index_cast %parallel_loop3A_331 : i32 to index
      %parallel_loop3A_333 = arith.constant 16 : index
      %parallel_loop3A_334 = tpu.vector_load %arg11[%parallel_loop3A_332, %parallel_loop3A_333] {strides = array<i32>} : memref<384x64xf32, #tpu.memory_space<vmem>>, vector<16xf32>,
      %parallel_loop3A_335 = arith.addf %parallel_loop3A_329, %parallel_loop3A_334 : vector<16xf32>
      %parallel_loop3A_336 = arith.index_cast %parallel_loop3A_194 : i32 to index
      %parallel_loop3A_337 = arith.constant 16 : index
      %parallel_loop3A_338 = tpu.vector_load %arg12[%parallel_loop3A_336, %parallel_loop3A_337] {strides = array<i32>} : memref<32x64xf32, #tpu.memory_space<vmem>>, vector<16xf32>,
      tpu.vector_store %arg12[%parallel_loop3A_336, %parallel_loop3A_337], %parallel_loop3A_335 {strides = array<i32>} : memref<32x64xf32, #tpu.memory_space<vmem>>, vector<16xf32>,
      %parallel_loop3A_339 = arith.index_cast %parallel_loop3A_194 : i32 to index
      %parallel_loop3A_340 = arith.constant 32 : index
      %parallel_loop3A_341 = tpu.vector_load %arg11[%parallel_loop3A_339, %parallel_loop3A_340] {strides = array<i32>} : memref<384x64xf32, #tpu.memory_space<vmem>>, vector<16xf32>,
      %parallel_loop3A_342 = arith.constant 32 : i32
      %parallel_loop3A_343 = arith.addi %parallel_loop3A_342, %parallel_loop3A_194 : i32
      %parallel_loop3A_344 = arith.index_cast %parallel_loop3A_343 : i32 to index
      %parallel_loop3A_345 = arith.constant 32 : index
      %parallel_loop3A_346 = tpu.vector_load %arg11[%parallel_loop3A_344, %parallel_loop3A_345] {strides = array<i32>} : memref<384x64xf32, #tpu.memory_space<vmem>>, vector<16xf32>,
      %parallel_loop3A_347 = arith.addf %parallel_loop3A_341, %parallel_loop3A_346 : vector<16xf32>
      %parallel_loop3A_348 = arith.constant 64 : i32
      %parallel_loop3A_349 = arith.addi %parallel_loop3A_348, %parallel_loop3A_194 : i32
      %parallel_loop3A_350 = arith.index_cast %parallel_loop3A_349 : i32 to index
      %parallel_loop3A_351 = arith.constant 32 : index
      %parallel_loop3A_352 = tpu.vector_load %arg11[%parallel_loop3A_350, %parallel_loop3A_351] {strides = array<i32>} : memref<384x64xf32, #tpu.memory_space<vmem>>, vector<16xf32>,
      %parallel_loop3A_353 = arith.addf %parallel_loop3A_347, %parallel_loop3A_352 : vector<16xf32>
      %parallel_loop3A_354 = arith.constant 96 : i32
      %parallel_loop3A_355 = arith.addi %parallel_loop3A_354, %parallel_loop3A_194 : i32
      %parallel_loop3A_356 = arith.index_cast %parallel_loop3A_355 : i32 to index
      %parallel_loop3A_357 = arith.constant 32 : index
      %parallel_loop3A_358 = tpu.vector_load %arg11[%parallel_loop3A_356, %parallel_loop3A_357] {strides = array<i32>} : memref<384x64xf32, #tpu.memory_space<vmem>>, vector<16xf32>,
      %parallel_loop3A_359 = arith.addf %parallel_loop3A_353, %parallel_loop3A_358 : vector<16xf32>
      %parallel_loop3A_360 = arith.constant 128 : i32
      %parallel_loop3A_361 = arith.addi %parallel_loop3A_360, %parallel_loop3A_194 : i32
      %parallel_loop3A_362 = arith.index_cast %parallel_loop3A_361 : i32 to index
      %parallel_loop3A_363 = arith.constant 32 : index
      %parallel_loop3A_364 = tpu.vector_load %arg11[%parallel_loop3A_362, %parallel_loop3A_363] {strides = array<i32>} : memref<384x64xf32, #tpu.memory_space<vmem>>, vector<16xf32>,
      %parallel_loop3A_365 = arith.addf %parallel_loop3A_359, %parallel_loop3A_364 : vector<16xf32>
      %parallel_loop3A_366 = arith.constant 160 : i32
      %parallel_loop3A_367 = arith.addi %parallel_loop3A_366, %parallel_loop3A_194 : i32
      %parallel_loop3A_368 = arith.index_cast %parallel_loop3A_367 : i32 to index
      %parallel_loop3A_369 = arith.constant 32 : index
      %parallel_loop3A_370 = tpu.vector_load %arg11[%parallel_loop3A_368, %parallel_loop3A_369] {strides = array<i32>} : memref<384x64xf32, #tpu.memory_space<vmem>>, vector<16xf32>,
      %parallel_loop3A_371 = arith.addf %parallel_loop3A_365, %parallel_loop3A_370 : vector<16xf32>
      %parallel_loop3A_372 = arith.constant 192 : i32
      %parallel_loop3A_373 = arith.addi %parallel_loop3A_372, %parallel_loop3A_194 : i32
      %parallel_loop3A_374 = arith.index_cast %parallel_loop3A_373 : i32 to index
      %parallel_loop3A_375 = arith.constant 32 : index
      %parallel_loop3A_376 = tpu.vector_load %arg11[%parallel_loop3A_374, %parallel_loop3A_375] {strides = array<i32>} : memref<384x64xf32, #tpu.memory_space<vmem>>, vector<16xf32>,
      %parallel_loop3A_377 = arith.addf %parallel_loop3A_371, %parallel_loop3A_376 : vector<16xf32>
      %parallel_loop3A_378 = arith.constant 224 : i32
      %parallel_loop3A_379 = arith.addi %parallel_loop3A_378, %parallel_loop3A_194 : i32
      %parallel_loop3A_380 = arith.index_cast %parallel_loop3A_379 : i32 to index
      %parallel_loop3A_381 = arith.constant 32 : index
      %parallel_loop3A_382 = tpu.vector_load %arg11[%parallel_loop3A_380, %parallel_loop3A_381] {strides = array<i32>} : memref<384x64xf32, #tpu.memory_space<vmem>>, vector<16xf32>,
      %parallel_loop3A_383 = arith.addf %parallel_loop3A_377, %parallel_loop3A_382 : vector<16xf32>
      %parallel_loop3A_384 = arith.constant 256 : i32
      %parallel_loop3A_385 = arith.addi %parallel_loop3A_384, %parallel_loop3A_194 : i32
      %parallel_loop3A_386 = arith.index_cast %parallel_loop3A_385 : i32 to index
      %parallel_loop3A_387 = arith.constant 32 : index
      %parallel_loop3A_388 = tpu.vector_load %arg11[%parallel_loop3A_386, %parallel_loop3A_387] {strides = array<i32>} : memref<384x64xf32, #tpu.memory_space<vmem>>, vector<16xf32>,
      %parallel_loop3A_389 = arith.addf %parallel_loop3A_383, %parallel_loop3A_388 : vector<16xf32>
      %parallel_loop3A_390 = arith.constant 288 : i32
      %parallel_loop3A_391 = arith.addi %parallel_loop3A_390, %parallel_loop3A_194 : i32
      %parallel_loop3A_392 = arith.index_cast %parallel_loop3A_391 : i32 to index
      %parallel_loop3A_393 = arith.constant 32 : index
      %parallel_loop3A_394 = tpu.vector_load %arg11[%parallel_loop3A_392, %parallel_loop3A_393] {strides = array<i32>} : memref<384x64xf32, #tpu.memory_space<vmem>>, vector<16xf32>,
      %parallel_loop3A_395 = arith.addf %parallel_loop3A_389, %parallel_loop3A_394 : vector<16xf32>
      %parallel_loop3A_396 = arith.constant 320 : i32
      %parallel_loop3A_397 = arith.addi %parallel_loop3A_396, %parallel_loop3A_194 : i32
      %parallel_loop3A_398 = arith.index_cast %parallel_loop3A_397 : i32 to index
      %parallel_loop3A_399 = arith.constant 32 : index
      %parallel_loop3A_400 = tpu.vector_load %arg11[%parallel_loop3A_398, %parallel_loop3A_399] {strides = array<i32>} : memref<384x64xf32, #tpu.memory_space<vmem>>, vector<16xf32>,
      %parallel_loop3A_401 = arith.addf %parallel_loop3A_395, %parallel_loop3A_400 : vector<16xf32>
      %parallel_loop3A_402 = arith.constant 352 : i32
      %parallel_loop3A_403 = arith.addi %parallel_loop3A_402, %parallel_loop3A_194 : i32
      %parallel_loop3A_404 = arith.index_cast %parallel_loop3A_403 : i32 to index
      %parallel_loop3A_405 = arith.constant 32 : index
      %parallel_loop3A_406 = tpu.vector_load %arg11[%parallel_loop3A_404, %parallel_loop3A_405] {strides = array<i32>} : memref<384x64xf32, #tpu.memory_space<vmem>>, vector<16xf32>,
      %parallel_loop3A_407 = arith.addf %parallel_loop3A_401, %parallel_loop3A_406 : vector<16xf32>
      %parallel_loop3A_408 = arith.index_cast %parallel_loop3A_194 : i32 to index
      %parallel_loop3A_409 = arith.constant 32 : index
      %parallel_loop3A_410 = tpu.vector_load %arg12[%parallel_loop3A_408, %parallel_loop3A_409] {strides = array<i32>} : memref<32x64xf32, #tpu.memory_space<vmem>>, vector<16xf32>,
      tpu.vector_store %arg12[%parallel_loop3A_408, %parallel_loop3A_409], %parallel_loop3A_407 {strides = array<i32>} : memref<32x64xf32, #tpu.memory_space<vmem>>, vector<16xf32>,
      %parallel_loop3A_411 = arith.index_cast %parallel_loop3A_194 : i32 to index
      %parallel_loop3A_412 = arith.constant 48 : index
      %parallel_loop3A_413 = tpu.vector_load %arg11[%parallel_loop3A_411, %parallel_loop3A_412] {strides = array<i32>} : memref<384x64xf32, #tpu.memory_space<vmem>>, vector<16xf32>,
      %parallel_loop3A_414 = arith.constant 32 : i32
      %parallel_loop3A_415 = arith.addi %parallel_loop3A_414, %parallel_loop3A_194 : i32
      %parallel_loop3A_416 = arith.index_cast %parallel_loop3A_415 : i32 to index
      %parallel_loop3A_417 = arith.constant 48 : index
      %parallel_loop3A_418 = tpu.vector_load %arg11[%parallel_loop3A_416, %parallel_loop3A_417] {strides = array<i32>} : memref<384x64xf32, #tpu.memory_space<vmem>>, vector<16xf32>,
      %parallel_loop3A_419 = arith.addf %parallel_loop3A_413, %parallel_loop3A_418 : vector<16xf32>
      %parallel_loop3A_420 = arith.constant 64 : i32
      %parallel_loop3A_421 = arith.addi %parallel_loop3A_420, %parallel_loop3A_194 : i32
      %parallel_loop3A_422 = arith.index_cast %parallel_loop3A_421 : i32 to index
      %parallel_loop3A_423 = arith.constant 48 : index
      %parallel_loop3A_424 = tpu.vector_load %arg11[%parallel_loop3A_422, %parallel_loop3A_423] {strides = array<i32>} : memref<384x64xf32, #tpu.memory_space<vmem>>, vector<16xf32>,
      %parallel_loop3A_425 = arith.addf %parallel_loop3A_419, %parallel_loop3A_424 : vector<16xf32>
      %parallel_loop3A_426 = arith.constant 96 : i32
      %parallel_loop3A_427 = arith.addi %parallel_loop3A_426, %parallel_loop3A_194 : i32
      %parallel_loop3A_428 = arith.index_cast %parallel_loop3A_427 : i32 to index
      %parallel_loop3A_429 = arith.constant 48 : index
      %parallel_loop3A_430 = tpu.vector_load %arg11[%parallel_loop3A_428, %parallel_loop3A_429] {strides = array<i32>} : memref<384x64xf32, #tpu.memory_space<vmem>>, vector<16xf32>,
      %parallel_loop3A_431 = arith.addf %parallel_loop3A_425, %parallel_loop3A_430 : vector<16xf32>
      %parallel_loop3A_432 = arith.constant 128 : i32
      %parallel_loop3A_433 = arith.addi %parallel_loop3A_432, %parallel_loop3A_194 : i32
      %parallel_loop3A_434 = arith.index_cast %parallel_loop3A_433 : i32 to index
      %parallel_loop3A_435 = arith.constant 48 : index
      %parallel_loop3A_436 = tpu.vector_load %arg11[%parallel_loop3A_434, %parallel_loop3A_435] {strides = array<i32>} : memref<384x64xf32, #tpu.memory_space<vmem>>, vector<16xf32>,
      %parallel_loop3A_437 = arith.addf %parallel_loop3A_431, %parallel_loop3A_436 : vector<16xf32>
      %parallel_loop3A_438 = arith.constant 160 : i32
      %parallel_loop3A_439 = arith.addi %parallel_loop3A_438, %parallel_loop3A_194 : i32
      %parallel_loop3A_440 = arith.index_cast %parallel_loop3A_439 : i32 to index
      %parallel_loop3A_441 = arith.constant 48 : index
      %parallel_loop3A_442 = tpu.vector_load %arg11[%parallel_loop3A_440, %parallel_loop3A_441] {strides = array<i32>} : memref<384x64xf32, #tpu.memory_space<vmem>>, vector<16xf32>,
      %parallel_loop3A_443 = arith.addf %parallel_loop3A_437, %parallel_loop3A_442 : vector<16xf32>
      %parallel_loop3A_444 = arith.constant 192 : i32
      %parallel_loop3A_445 = arith.addi %parallel_loop3A_444, %parallel_loop3A_194 : i32
      %parallel_loop3A_446 = arith.index_cast %parallel_loop3A_445 : i32 to index
      %parallel_loop3A_447 = arith.constant 48 : index
      %parallel_loop3A_448 = tpu.vector_load %arg11[%parallel_loop3A_446, %parallel_loop3A_447] {strides = array<i32>} : memref<384x64xf32, #tpu.memory_space<vmem>>, vector<16xf32>,
      %parallel_loop3A_449 = arith.addf %parallel_loop3A_443, %parallel_loop3A_448 : vector<16xf32>
      %parallel_loop3A_450 = arith.constant 224 : i32
      %parallel_loop3A_451 = arith.addi %parallel_loop3A_450, %parallel_loop3A_194 : i32
      %parallel_loop3A_452 = arith.index_cast %parallel_loop3A_451 : i32 to index
      %parallel_loop3A_453 = arith.constant 48 : index
      %parallel_loop3A_454 = tpu.vector_load %arg11[%parallel_loop3A_452, %parallel_loop3A_453] {strides = array<i32>} : memref<384x64xf32, #tpu.memory_space<vmem>>, vector<16xf32>,
      %parallel_loop3A_455 = arith.addf %parallel_loop3A_449, %parallel_loop3A_454 : vector<16xf32>
      %parallel_loop3A_456 = arith.constant 256 : i32
      %parallel_loop3A_457 = arith.addi %parallel_loop3A_456, %parallel_loop3A_194 : i32
      %parallel_loop3A_458 = arith.index_cast %parallel_loop3A_457 : i32 to index
      %parallel_loop3A_459 = arith.constant 48 : index
      %parallel_loop3A_460 = tpu.vector_load %arg11[%parallel_loop3A_458, %parallel_loop3A_459] {strides = array<i32>} : memref<384x64xf32, #tpu.memory_space<vmem>>, vector<16xf32>,
      %parallel_loop3A_461 = arith.addf %parallel_loop3A_455, %parallel_loop3A_460 : vector<16xf32>
      %parallel_loop3A_462 = arith.constant 288 : i32
      %parallel_loop3A_463 = arith.addi %parallel_loop3A_462, %parallel_loop3A_194 : i32
      %parallel_loop3A_464 = arith.index_cast %parallel_loop3A_463 : i32 to index
      %parallel_loop3A_465 = arith.constant 48 : index
      %parallel_loop3A_466 = tpu.vector_load %arg11[%parallel_loop3A_464, %parallel_loop3A_465] {strides = array<i32>} : memref<384x64xf32, #tpu.memory_space<vmem>>, vector<16xf32>,
      %parallel_loop3A_467 = arith.addf %parallel_loop3A_461, %parallel_loop3A_466 : vector<16xf32>
      %parallel_loop3A_468 = arith.constant 320 : i32
      %parallel_loop3A_469 = arith.addi %parallel_loop3A_468, %parallel_loop3A_194 : i32
      %parallel_loop3A_470 = arith.index_cast %parallel_loop3A_469 : i32 to index
      %parallel_loop3A_471 = arith.constant 48 : index
      %parallel_loop3A_472 = tpu.vector_load %arg11[%parallel_loop3A_470, %parallel_loop3A_471] {strides = array<i32>} : memref<384x64xf32, #tpu.memory_space<vmem>>, vector<16xf32>,
      %parallel_loop3A_473 = arith.addf %parallel_loop3A_467, %parallel_loop3A_472 : vector<16xf32>
      %parallel_loop3A_474 = arith.constant 352 : i32
      %parallel_loop3A_475 = arith.addi %parallel_loop3A_474, %parallel_loop3A_194 : i32
      %parallel_loop3A_476 = arith.index_cast %parallel_loop3A_475 : i32 to index
      %parallel_loop3A_477 = arith.constant 48 : index
      %parallel_loop3A_478 = tpu.vector_load %arg11[%parallel_loop3A_476, %parallel_loop3A_477] {strides = array<i32>} : memref<384x64xf32, #tpu.memory_space<vmem>>, vector<16xf32>,
      %parallel_loop3A_479 = arith.addf %parallel_loop3A_473, %parallel_loop3A_478 : vector<16xf32>
      %parallel_loop3A_480 = arith.index_cast %parallel_loop3A_194 : i32 to index
      %parallel_loop3A_481 = arith.constant 48 : index
      %parallel_loop3A_482 = tpu.vector_load %arg12[%parallel_loop3A_480, %parallel_loop3A_481] {strides = array<i32>} : memref<32x64xf32, #tpu.memory_space<vmem>>, vector<16xf32>,
      tpu.vector_store %arg12[%parallel_loop3A_480, %parallel_loop3A_481], %parallel_loop3A_479 {strides = array<i32>} : memref<32x64xf32, #tpu.memory_space<vmem>>, vector<16xf32>,
    } {sc.loop_unroll_factor = 2 : i64, sc.parallel_access}
    %add3A_192 = arith.constant 1568 : i32
    %add3A_193 = arith.addi %mul3A_2, %add3A_192 : i32
    "tpu.region"() ({
      %run_scoped3A = tpu.sem_alloc : memref<!tpu.dma_semaphore, #tpu.memory_space<semaphore_mem>>
      %dma_start3A_194 = arith.constant 0 : i32
      %dma_start3A_195 = tpu.memref_slice %arg5[%add3A_193, %dma_start3A_194] : memref<51200x64xf32, #tpu.memory_space<hbm>> -> memref<32x64xf32, #tpu.memory_space<hbm>>
      %dma_start3A_196 = arith.constant 0 : i32
      %dma_start3A_197 = tpu.memref_slice %arg5[%add3A_193, %dma_start3A_196] : memref<51200x64xf32, #tpu.memory_space<hbm>> -> memref<32x64xf32, #tpu.memory_space<hbm>>
      tpu.enqueue_dma source(%arg12 : memref<32x64xf32, #tpu.memory_space<vmem>>) target(%dma_start3A_197 : memref<32x64xf32, #tpu.memory_space<hbm>>) target_semaphore(%run_scoped3A : memref<!tpu.dma_semaphore, #tpu.memory_space<semaphore_mem>>)
      %dma_wait3A_198 = arith.constant 0 : i32
      %dma_wait3A_199 = tpu.memref_slice %arg5[%add3A_193, %dma_wait3A_198] : memref<51200x64xf32, #tpu.memory_space<hbm>> -> memref<32x64xf32, #tpu.memory_space<hbm>>
      %dma_wait3A_200 = arith.constant 0 : i32
      %dma_wait3A_201 = tpu.memref_slice %arg5[%add3A_193, %dma_wait3A_200] : memref<51200x64xf32, #tpu.memory_space<hbm>> -> memref<32x64xf32, #tpu.memory_space<hbm>>
      tpu.wait_dma2 semaphore(%run_scoped3A : memref<!tpu.dma_semaphore, #tpu.memory_space<semaphore_mem>>) src(%arg12 : memref<32x64xf32, #tpu.memory_space<vmem>>) dst(%dma_wait3A_201 : memref<32x64xf32, #tpu.memory_space<hbm>>)
      tpu.yield
    }) : () -> ()
    return
  }
}

module attributes {stable_mosaic.version = 14 : i64} {
  func.func @_prep_body(%arg0: i32, %arg1: memref<4096x64xf32, #tpu.memory_space<vmem>>, %arg2: memref<4096x12xi32, #tpu.memory_space<vmem>>, %arg3: memref<2048x128xf32, #tpu.memory_space<vmem>>, %arg4: memref<512x128xi32, #tpu.memory_space<vmem>>) attributes {dimension_semantics = [#tpu.dimension_semantics<arbitrary>], iteration_bounds = array<i64: 27>, scalar_prefetch = 0 : i64, scratch_operands = 0 : i64, tpu.core_type = #tpu.core_type<tc>, window_params = [{transform_indices = @transform_0, window_bounds = array<i64: 4096, 64>}, {transform_indices = @transform_1, window_bounds = array<i64: 4096, 12>}, {transform_indices = @transform_2, window_bounds = array<i64: 2048, 128>}, {transform_indices = @transform_3, window_bounds = array<i64: 512, 128>}]} {
    %get3A = arith.constant 0 : index
    %get3A_0 = arith.constant 0 : index
    %get3A_1 = vector.load %arg1[%get3A, %get3A_0] : memref<4096x64xf32, #tpu.memory_space<vmem>>, vector<4096x64xf32>
    %mul3A = arith.mulf %get3A_1, %get3A_1 : vector<4096x64xf32>
    %reduce_sum3A = arith.constant dense<0.000000e+00> : vector<4096xf32>
    %reduce_sum3A_2 = vector.multi_reduction <add>, %mul3A, %reduce_sum3A [1] : vector<4096x64xf32> to vector<4096xf32>
    %broadcast_in_dim3A = vector.shape_cast %reduce_sum3A_2 : vector<4096xf32> to vector<4096x1xf32>
    %gt3A = arith.constant 1.000000e+00 : f32
    %gt3A_3 = vector.broadcast %gt3A : f32 to vector<4096x1xf32>
    %gt3A_4 = arith.cmpf ogt, %broadcast_in_dim3A, %gt3A_3 : vector<4096x1xf32>
    %rsqrt3A = math.rsqrt %broadcast_in_dim3A : vector<4096x1xf32>
    %jit3A = arith.constant 1.000000e+00 : f32
    %broadcast_in_dim3A_5 = vector.broadcast %jit3A : f32 to vector<4096x1xf32>
    %select_n3A = arith.select %gt3A_4, %rsqrt3A, %broadcast_in_dim3A_5 : vector<4096x1xi1>, vector<4096x1xf32>
    %lt3A = arith.constant 25 : i32
    %lt3A_6 = arith.cmpi slt, %arg0, %lt3A : i32
    %mul3A_7 = vector.broadcast %select_n3A : vector<4096x1xf32> to vector<4096x64xf32>
    %mul3A_8 = arith.mulf %get3A_1, %mul3A_7 : vector<4096x64xf32>
    %jit3A_9 = arith.constant 0.000000e+00 : f32
    %broadcast_in_dim3A_10 = vector.broadcast %jit3A_9 : f32 to vector<4096x64xf32>
    %select_n3A_11 = arith.select %lt3A_6, %mul3A_8, %broadcast_in_dim3A_10 : vector<4096x64xf32>
    %slice3A = vector.extract_strided_slice %select_n3A_11 {offsets = [0, 0], sizes = [2048, 64], strides = [1, 1]} : vector<4096x64xf32> to vector<2048x64xf32>
    %slice3A_12 = vector.extract_strided_slice %select_n3A_11 {offsets = [2048, 0], sizes = [2048, 64], strides = [1, 1]} : vector<4096x64xf32> to vector<2048x64xf32>
    %concatenate3A = tpu.concatenate %slice3A, %slice3A_12 in 1 : vector<2048x64xf32>, vector<2048x64xf32> -> vector<2048x128xf32>
    %swap3A = arith.constant 0 : index
    %swap3A_13 = arith.constant 0 : index
    %swap3A_14 = vector.load %arg3[%swap3A, %swap3A_13] : memref<2048x128xf32, #tpu.memory_space<vmem>>, vector<2048x128xf32>
    tpu.vector_store %arg3[%swap3A, %swap3A_13], %concatenate3A {strides = array<i32>} : memref<2048x128xf32, #tpu.memory_space<vmem>>, vector<2048x128xf32>,
    %get3A_15 = arith.constant 0 : index
    %get3A_16 = arith.constant 0 : index
    %get3A_17 = vector.load %arg2[%get3A_15, %get3A_16] : memref<4096x12xi32, #tpu.memory_space<vmem>>, vector<4096x12xi32>
    %jit3A_18 = arith.constant 0 : i32
    %pad3A = vector.broadcast %jit3A_18 : i32 to vector<4096x4xi32>
    %pad3A_19 = tpu.concatenate %get3A_17, %pad3A in 1 : vector<4096x12xi32>, vector<4096x4xi32> -> vector<4096x16xi32>
    %slice3A_20 = vector.extract_strided_slice %pad3A_19 {offsets = [0, 0], sizes = [512, 16], strides = [1, 1]} : vector<4096x16xi32> to vector<512x16xi32>
    %slice3A_21 = vector.extract_strided_slice %pad3A_19 {offsets = [512, 0], sizes = [512, 16], strides = [1, 1]} : vector<4096x16xi32> to vector<512x16xi32>
    %slice3A_22 = vector.extract_strided_slice %pad3A_19 {offsets = [1024, 0], sizes = [512, 16], strides = [1, 1]} : vector<4096x16xi32> to vector<512x16xi32>
    %slice3A_23 = vector.extract_strided_slice %pad3A_19 {offsets = [1536, 0], sizes = [512, 16], strides = [1, 1]} : vector<4096x16xi32> to vector<512x16xi32>
    %slice3A_24 = vector.extract_strided_slice %pad3A_19 {offsets = [2048, 0], sizes = [512, 16], strides = [1, 1]} : vector<4096x16xi32> to vector<512x16xi32>
    %slice3A_25 = vector.extract_strided_slice %pad3A_19 {offsets = [2560, 0], sizes = [512, 16], strides = [1, 1]} : vector<4096x16xi32> to vector<512x16xi32>
    %slice3A_26 = vector.extract_strided_slice %pad3A_19 {offsets = [3072, 0], sizes = [512, 16], strides = [1, 1]} : vector<4096x16xi32> to vector<512x16xi32>
    %slice3A_27 = vector.extract_strided_slice %pad3A_19 {offsets = [3584, 0], sizes = [512, 16], strides = [1, 1]} : vector<4096x16xi32> to vector<512x16xi32>
    %concatenate3A_28 = tpu.concatenate %slice3A_20, %slice3A_21, %slice3A_22, %slice3A_23, %slice3A_24, %slice3A_25, %slice3A_26, %slice3A_27 in 1 : vector<512x16xi32>, vector<512x16xi32>, vector<512x16xi32>, vector<512x16xi32>, vector<512x16xi32>, vector<512x16xi32>, vector<512x16xi32>, vector<512x16xi32> -> vector<512x128xi32>
    %swap3A_29 = arith.constant 0 : index
    %swap3A_30 = arith.constant 0 : index
    %swap3A_31 = vector.load %arg4[%swap3A_29, %swap3A_30] : memref<512x128xi32, #tpu.memory_space<vmem>>, vector<512x128xi32>
    tpu.vector_store %arg4[%swap3A_29, %swap3A_30], %concatenate3A_28 {strides = array<i32>} : memref<512x128xi32, #tpu.memory_space<vmem>>, vector<512x128xi32>,
    return
  }
  func.func @transform_0(%arg0: i32) -> (i32, i32) {
    %min3A = arith.constant 24 : i32
    %min3A_0 = arith.minsi %arg0, %min3A : i32
    %c0_i32 = arith.constant 0 : i32
    %c0_i32_1 = arith.constant 0 : i32
    return %min3A_0, %c0_i32 : i32, i32
  }
  func.func @transform_1(%arg0: i32) -> (i32, i32) {
    %min3A = arith.constant 24 : i32
    %min3A_0 = arith.minsi %arg0, %min3A : i32
    %c0_i32 = arith.constant 0 : i32
    %c0_i32_1 = arith.constant 0 : i32
    return %min3A_0, %c0_i32 : i32, i32
  }
  func.func @transform_2(%arg0: i32) -> (i32, i32) {
    %c0_i32 = arith.constant 0 : i32
    %c0_i32_0 = arith.constant 0 : i32
    return %arg0, %c0_i32 : i32, i32
  }
  func.func @transform_3(%arg0: i32) -> (i32, i32) {
    %min3A = arith.constant 24 : i32
    %min3A_0 = arith.minsi %arg0, %min3A : i32
    %c0_i32 = arith.constant 0 : i32
    %c0_i32_1 = arith.constant 0 : i32
    return %min3A_0, %c0_i32 : i32, i32
  }
}

</mosaic_0001>

<sc_bundles>
// kernel: kernel.4.cloned.1.call-start
scs
__scs_entry_jumppad:
0x0: {  	(pc) =	sbr.rel $0x88, $3  }
0x1: {  	(tag) =	ssettag $0x0;
	lr =	simm.s32 $0x1  }
0x2: {  	[smem:$0x3F9E] =	sst lr;
	_ =	strace $0xD0000000  }
0x3: {  	_ = 	snop  }
0x4: {  	_ = 	snop  }
0x5: {  	_ = 	snop  }
0x6: {  	_ = 	snop  }
0x7: {  	_ = 	snop  }
__scs_overlays_trampoline_lowered:
0x8: {  	[smem:$0x3FAD] =	sst s0  }
0x9: {  	[smem:$0x3FAE] =	sst s1  }
0xa: {  	[smem:$0x3FAF] =	sst s2  }
0xb: {  	[smem:$0x3FB0] =	sst s3  }
0xc: {  	[smem:$0x3FB1] =	sst s4  }
0xd: {  	[smem:$0x3FB2] =	sst s5  }
0xe: {  	[smem:$0x3FB3] =	sst s6  }
0xf: {  	[smem:$0x3FB4] =	sst s7  }
0x10: {  	[smem:$0x3FB5] =	sst s8  }
0x11: {  	[smem:$0x3FB6] =	sst s9;
	s0 =	simm.s32 @!p0 $0x0  }
0x12: {  	s1 =	sld [smem:$0x3F9C];
	s0 =	simm.s32 @p0 $0x1  }
0x13: {  	[smem:$0x3FB7] =	sst s0;
	s0 =	simm.s32 @!p1 $0x0  }
0x14: {  	s2 =	sld [smem:$0x3F9B];
	s0 =	simm.s32 @p1 $0x1  }
0x15: {  	[smem:$0x3FB8] =	sst s0;
	s0 =	simm.s32 @!p2 $0x0  }
0x16: {  	s3 =	sld [smem:$0x3FDB];
	s0 =	simm.s32 @p2 $0x1  }
0x17: {  	s4 =	simm.s32 $0x1BF5;
	[smem:$0x3FBA] =	sst s0  }
0x18: {  	s0 =	sld [smem:$0x3F9D];
	_ =	swait.ge [sflag:s4], $0x0  }
0x19: {  	s7 =	sld [smem:$0x3F9E]  }
0x1a: {  	s8 =	sadd.s32 $0xFFFFE003, lr  }
0x1b: {  	s9 =	sadd.s32 $0xFFFFFEF7, lr;
	s5 =	simm.s32 $0xFFFFFFFF;
	p2 =	slt.u32 s8, $0xFFFFF086  }
0x1c: {  	p1 =	slt.u32 s9, $0xF7A;
	s5 =	simm.s32 @!p2 $0x0  }
0x1d: {  	s5 =	simm.s32 @p1 $0x1;
	p0 =	seq.s32 s7, s2  }
0x1e: {  	s7 =	smul.u32 @!p0 $0xF7A, s2;
	p2 =	seq.s32 @!p0 s5, $0x0  }
0x1f: {  	s9 =	smul.u32 $0xF7A, s1;
	s8 =	simm.s32 @!p0 $0x1BF5;
	p2 =	por !p2, p0  }
0x20: {  	[sflag:s8] =	ssyncset.s32 @!p0 $0xFFFFF086;
	s6 =	sadd.s32 @!p0 s3, s7;
	s7 =	simm.s32 @!p0 $0x108  }
0x21: {  	s3 =	sadd.s32 s3, s9;
	s6 =	sadd.s32 @!p0 $0x88, s6;
	s7 =	simm.s32 @p2 $0x1082  }
0x22: {  	[simem:s7], [sflag:s8] =	dma.local @!p0 [hbm:s6], $0xF7A  }
0x23: {  	s9 =	sor.u32 $0xD0000000, s2;
	s6 =	simm.s32 $0x108;
	_ =	swait.ge @!p0 [sflag:s8], $0x0  }
0x24: {  	s3 =	sadd.s32 $0x88, s3;
	s6 =	simm.s32 @!p1 $0x1082;
	[sflag:s4] =	ssyncset.s32 $0xFFFFF086  }
0x25: {  	[simem:s6], [sflag:s4] =	dma.local [hbm:s3], $0xF7A  }
0x26: {  	[smem:$0x3F9E] =	sst s1;
	(tag) =	ssettag s2;
	_ =	strace s9  }
0x27: {  	s1 =	sld [smem:$0x3FAE]  }
0x28: {  	s2 =	sld [smem:$0x3FAF]  }
0x29: {  	s4 =	sld [smem:$0x3FB1]  }
0x2a: {  	p0 =	seq.s32 s5, $0x0;
	s5 =	sld [smem:$0x3FB2]  }
0x2b: {  	s6 =	sld [smem:$0x3FB3]  }
0x2c: {  	s7 =	sld [smem:$0x3FB4]  }
0x2d: {  	s3 =	simm.s32 $0x108;
	s8 =	sld [smem:$0x3FB5]  }
0x2e: {  	s3 =	simm.s32 @!p0 $0x1082;
	s9 =	sld [smem:$0x3FB6]  }
0x2f: {  	lr =	sadd.s32 s0, s3;
	s0 =	sld [smem:$0x3FAD]  }
0x30: {  	s3 =	sld [smem:$0x3FB0]  }
0x31: {  	[smem:$0x3FB9] =	sst s10  }
0x32: {  	s10 =	sld [smem:$0x3FB7];
	_ =	sdelay $0x3  }
0x33: {  	p0 =	seq.s32 s10, $0x1;
	s10 =	sld [smem:$0x3FB9];
	_ =	sdelay $0x3  }
0x34: {  	[smem:$0x3FB9] =	sst s10  }
0x35: {  	s10 =	sld [smem:$0x3FB8];
	_ =	sdelay $0x3  }
0x36: {  	p1 =	seq.s32 s10, $0x1;
	s10 =	sld [smem:$0x3FB9];
	_ =	sdelay $0x3  }
0x37: {  	[smem:$0x3FB9] =	sst s10  }
0x38: {  	s10 =	sld [smem:$0x3FBA]  }
0x39: {  	_ = 	snop;
	(pc) =	sbr.ind lr, $3  }
0x3a: {  	_ = 	snop  }
0x3b: {  	_ = 	snop  }
0x3c: {  	p2 =	seq.s32 s10, $0x1;
	s10 =	sld [smem:$0x3FB9]  }
0x3d: {  	_ =	shalt  }
0x3e: {  	_ =	shalt  }
0x3f: {  	_ =	shalt  }
0x40: {  	_ =	shalt  }
0x41: {  	_ =	shalt  }
0x42: {  	_ =	shalt  }
0x43: {  	_ =	shalt  }
0x44: {  	_ =	shalt  }
0x45: {  	_ =	shalt  }
0x46: {  	_ =	shalt  }
0x47: {  	_ =	shalt  }
0x48: {  	_ =	shalt  }
0x49: {  	_ =	shalt  }
0x4a: {  	_ =	shalt  }
0x4b: {  	_ =	shalt  }
0x4c: {  	_ =	shalt  }
0x4d: {  	_ =	shalt  }
0x4e: {  	_ =	shalt  }
0x4f: {  	_ =	shalt  }
0x50: {  	_ =	shalt  }
0x51: {  	_ =	shalt  }
0x52: {  	_ =	shalt  }
0x53: {  	_ =	shalt  }
0x54: {  	_ =	shalt  }
0x55: {  	_ =	shalt  }
0x56: {  	_ =	shalt  }
0x57: {  	_ =	shalt  }
0x58: {  	_ =	shalt  }
0x59: {  	_ =	shalt  }
0x5a: {  	_ =	shalt  }
0x5b: {  	_ =	shalt  }
0x5c: {  	_ =	shalt  }
0x5d: {  	_ =	shalt  }
0x5e: {  	_ =	shalt  }
0x5f: {  	_ =	shalt  }
0x60: {  	_ =	shalt  }
0x61: {  	_ =	shalt  }
0x62: {  	_ =	shalt  }
0x63: {  	_ =	shalt  }
0x64: {  	_ =	shalt  }
0x65: {  	_ =	shalt  }
0x66: {  	_ =	shalt  }
0x67: {  	_ =	shalt  }
0x68: {  	_ =	shalt  }
0x69: {  	_ =	shalt  }
0x6a: {  	_ =	shalt  }
0x6b: {  	_ =	shalt  }
0x6c: {  	_ =	shalt  }
0x6d: {  	_ =	shalt  }
0x6e: {  	_ =	shalt  }
0x6f: {  	_ =	shalt  }
0x70: {  	_ =	shalt  }
0x71: {  	_ =	shalt  }
0x72: {  	_ =	shalt  }
0x73: {  	_ =	shalt  }
0x74: {  	_ =	shalt  }
0x75: {  	_ =	shalt  }
0x76: {  	_ =	shalt  }
0x77: {  	_ =	shalt  }
0x78: {  	_ =	shalt  }
0x79: {  	_ =	shalt  }
0x7a: {  	_ =	shalt  }
0x7b: {  	_ =	shalt  }
0x7c: {  	_ =	shalt  }
0x7d: {  	_ =	shalt  }
0x7e: {  	_ =	shalt  }
0x7f: {  	_ =	shalt  }
0x80: {  	_ =	shalt  }
0x81: {  	_ =	shalt  }
0x82: {  	_ =	shalt  }
0x83: {  	_ =	shalt  }
0x84: {  	_ =	shalt  }
0x85: {  	_ =	shalt  }
0x86: {  	_ =	shalt  }
0x87: {  	_ =	shalt  }
.Lfunc_end0:
.L_simem_size_0:
called_computation_lowered:
.L_overlay_start_0:
0x88: {  	s2 =	sld [smem:$0x3FD9]  }
0x89: {  	s3 =	sld [smem:$0x3FFE];
	_ =	sdelay $0x1  }
0x8a: {  	s1 =	srdreg.scid  }
0x8b: {  	s0 =	sand.u32 $0x1, s1  }
0x8c: {  	s17 =	sshll.u32 s0, $0xA;
	s2 =	sadd.s32 s3, s2  }
0x8d: {  	s2 =	sadd.s32 s2, s17  }
0x8e: {  	[smem:$0x3FC5] =	sst s2  }
0x8f: {  	_ = 	snop  }
0x90: {  	s2 =	sld [smem:$0x3FD0];
	(tm) =	ssettm $0x1  }
0x91: {  	s18 =	sld [smem:$0x3FFB];
	_ =	sdelay $0x3  }
0x92: {  	_ =	strace s18  }
0x93: {  	s3 =	sld [smem:$0x3FFC];
	_ =	sdelay $0x3  }
0x94: {  	_ =	strace s3  }
0x95: {  	s3 =	sld [smem:$0x3FFD];
	_ =	sdelay $0x3  }
0x96: {  	_ =	strace s3  }
0x97: {  	_ =	strace $0x8FFFFFFF  }
0x98: {  	s19 =	sld [smem:$0x3FDB];
	_ =	sdelay $0x1  }
0x99: {  	s4 =	simm.s32 $_scs_section_size  }
0x9a: {  	s5 =	simm.s32 $_size__tile_overlayer_lowered;
	s6 =	simm.s32 $_tile_overlayer_lowered  }
0x9b: {  	s22 =	simm.s32 $0x1BFF;
	s21 =	sshll.u32 s6, $0x1;
	s3 =	sadd.s32 s4, s19  }
0x9c: {  	s7 =	simm.s32 $0x0;
	s20 =	sshll.u32 s5, $0x1;
	s5 =	sadd.s32 s21, s3  }
0x9d: {  	[timem:s7], [sflag:s22] =	dma.local [hbm:s5], s20  }
0x9e: {  	_ =	swait.ge [sflag:s22], s20  }
0x9f: {  	s4 =	ssub.s32 $0x0, s20;
	[sflag:s22] =	ssyncset.done $0x0  }
0xa0: {  	[sflag:s22] =	ssyncadd.s32 s4;
	_ =	sdelay $0x1  }
0xa1: {  	s23 =	simm.s32 $0x1B8B  }
0xa2: {  	_ =	swait.ge [sflag:s23], $0x1  }
0xa3: {  	[sflag:s23] =	ssyncset.done $0x0  }
0xa4: {  	s25 =	simm.s32 $0x1B8E;
	s24 =	sld [smem:$0x3FFE];
	[sflag:s23] =	ssyncadd.s32 $0xFFFFFFFF  }
0xa5: {  	s26 =	simm.s32 $execute0_lowered;
	[smem:$0x3FD2] =	sst s25  }
0xa6: {  	s5 =	sshll.u32 s26, $0x1;
	_ =	strace $0x80000046;
	[dreg:$0x1] =	wrdreg $0xFFFFFFFF  }
0xa7: {  	s28 =	simm.s32 $_size_execute0_lowered;
	s3 =	sadd.s32 s3, s5;
	[dreg:$0x0] =	wrdreg $0x0  }
0xa8: {  	s5 =	sshll.u32 s28, $0x1;
	[dreg:$0x2] =	wrdreg s3  }
0xa9: {  	[dreg:$0x3] =	wrdreg s5  }
0xaa: {  	[dreg:$0x4] =	wrdreg $0xC0  }
0xab: {  	_ =	task [dreg:s7], $0x5FFFF  }
0xac: {  	[dreg:$0x1] =	wrdreg $0xFFFFFFFF  }
0xad: {  	[dreg:$0x0] =	wrdreg $0x60  }
0xae: {  	[dreg:$0x2] =	wrdreg s24  }
0xaf: {  	[dreg:$0x3] =	wrdreg s2  }
0xb0: {  	[dreg:$0x4] =	wrdreg $0x9  }
0xb1: {  	_ =	task.clear_ibuf [dreg:s7], $0x5FFFF;
	_ =	strace $0x90000046  }
0xb2: {  	s29 =	simm.s32 $0x9;
	_ =	strace $0x80000048  }
0xb3: {  	_ =	swait.ge [sflag:s29], $0x1  }
0xb4: {  	[sflag:s29] =	ssyncadd.s32 $0xFFFFFFFF  }
0xb5: {  	_ =	strace $0x90000048  }
0xb6: {  	_ =	sfence  }
0xb7: {  	s30 =	sld [smem:$0x0];
	_ =	sdelay $0x2  }
0xb8: {  	s31 =	sshll.u32 s1, $0xD;
	s1 =	sshrl.u32 s1, $0x2  }
0xb9: {  	s3 =	sand.u32 $0x4000, s31;
	s1 =	sadd.s32 s1, s30  }
0xba: {  	s0 =	sor.u32 s3, s0;
	s1 =	sshll.u32 s1, $0x11  }
0xbb: {  	s0 =	sor.u32 s1, s0  }
0xbc: {  	s0 =	sadd.s32 $0x8F2B, s0  }
0xbd: {  	[sflag:s0] =	ssyncadd.remote.s32 $0x1  }
0xbe: {  	_ =	sfence.sel $0xFFFF  }
0xbf: {  	[dreg:$0x0] =	wrdreg $0xFFFFFFFF;
	(pc) =	sbr.abs _section_cstart, $3  }
0xc0: {  	[dreg:$0x1] =	wrdreg $0xFFFFFFFF  }
0xc1: {  	_ =	task.clear_ibuf [dreg:s7], $0x2FFFF;
	_ =	strace $0x9FFFFFFF  }
0xc2: {  	(tm) =	ssettm $0x7FFFFFFF  }
0xc3: {  	_ =	shalt  }
tec
execute0_lowered:
.L_overlay_start_1:
0x0: {  	(tag) =	ssettag $0x1  }
0x1: {  	s0 =	rddreg [dreg:$0x0]  }
0x2: {  	s1 =	srdreg.scid;
	s3 =	stileid.u32  }
0x3: {  	s2 =	rddreg [dreg:$0x1];
	s9 =	simm.s32 $0x0;
	s11 =	simm.s32 $0x4  }
0x4: {  	s12 =	simm.s32 $0x80;
	s19 =	simm.s32 $0x6A40;
	s20 =	simm.s32 $0x6D40  }
0x5: {  	s21 =	simm.s32 $0x6AC0;
	s22 =	simm.s32 $0x8D40;
	s28 =	simm.s32 $0x6C40  }
0x6: {  	s29 =	simm.s32 $0xED40;
	s30 =	simm.s32 $0x6CC0;
	s31 =	simm.s32 $0x10D40  }
0x7: {  	s13 =	simm.s32 $0x3;
	s1 =	sand.u32 $0x1, s1;
	s3 =	sshll.u32 s3, $0x1  }
0x8: {  	s15 =	simm.s32 $0x0;
	[smem:$0x7FF] =	sst s9;
	s3 =	sor.u32 s1, s3  }
0x9: {  	s6 =	sadd.s32 $0x30FA00, s0;
	s1 =	ssub.s32 $0x2, s1;
	s5 =	smul.u32 $0xC8, s3  }
0xa: {  	_ =	strace $0x80000047;
	s4 =	smul.u32 $0x19000, s3;
	s23 =	sshrl.u32 s1, $0x1  }
0xb: {  	s3 =	smul.u32 $0x180, s3;
	s7 =	sadd.s32 s5, s0;
	s5 =	sadd.s32 $0xC00, s0  }
0xc: {  	s8 =	sshrl.u32 s4, $0x3;
	s0 =	ssub.s32 s1, s23;
	s23 =	simm.s32 $0x6B40  }
0xd: {  	s24 =	sadd.s32 $0x30E000, s7;
	s25 =	sadd.s32 s2, s8;
	s0 =	smax.u32 s0, $0x1  }
0xe: {  	s7 =	simm.s32 $0x0;
	[dreg:$0x3] =	wrdreg s24;
	s26 =	sadd.s32 $0x3000, s25  }
0xf: {  	v1 =	vlaneseq.u32;
	s1 =	sadd.s32 $0x3100, s25;
	[dreg:$0x6] =	wrdreg s0;
	s24 =	simm.s32 $0xAD40  }
0x10: {  	v1 =	vmul.u32 $0x20, v1;
	s25 =	simm.s32 $0x6BC0;
	s0 =	simm.s32 $0x12D40;
	[dreg:$0x4] =	wrdreg s26  }
0x11: {  	v0 =	vmov s3;
	[dreg:$0x5] =	wrdreg s1;
	s26 =	simm.s32 $0xCD40;
	s1 =	simm.s32 $0x2  }
.LBB2_1:
0x12: {  	[dreg:$0x7] =	wrdreg s7  }
0x13: {  	s3 =	rddreg [dreg:$0x3]  }
0x14: {  	[tilespmem:s9], [sflag:$0x4] =	stream.linear.gather [hbm4b:s3+s9], $0x640, $0x38;
	[tilespmem:$0x13540] =	vst v63  }
0x15: {  	_ =	swait.ge [sflag:s11], $0x640  }
0x16: {  	[sflag:s11] =	ssyncset.done $0x0  }
0x17: {  	s3 =	simm.s32 $0x20;
	[sflag:s11] =	ssyncadd.s32 $0xFFFFF9C0  }
0x18: {  	v5 =	vld [tilespmem:s3+$0x10]  }
0x19: {  	v2 =	vld [tilespmem:s3+$0xFFFFFFF0]  }
0x1a: {  	v3 =	vld [tilespmem:s3+$0x0]  }
0x1b: {  	v4 =	vld [tilespmem:s3+$0xFFFFFFE0];
	_ =	sdelay $0x1  }
0x1c: {  	v6 =	vshll.u32 v5, $0x3  }
0x1d: {  	v7 =	vand.u32 $0xFFFFF000, v5;
	v5 =	vshrl.u32 v5, $0x9;
	v6 =	vand.u32 $0xFF8, v6  }
0x1e: {  	v8 =	vshll.u32 v2, $0x3;
	v5 =	vand.u32 $0x7, v5;
	v6 =	vor.u32 v7, v6  }
0x1f: {  	v9 =	vshll.u32 v3, $0x3;
	v7 =	vshll.u32 v4, $0x3;
	v10 =	vor.u32 v5, v6  }
0x20: {  	s7 =	simm.s32 $0x0;
	s8 =	simm.s32 $0x60;
	v7 =	vand.u32 $0xFF8, v7;
	v6 =	vand.u32 $0xFF8, v8;
	v5 =	vand.u32 $0xFF8, v9;
	[tilespmem:s3+$0x10] =	vst v10  }
.LBB2_2:
0x21: {  	v8 =	vld [tilespmem:s8+$0x10];
	s7 =	sadd.s32 $0x4, s7;
	v9 =	vand.u32 $0xFFFFF000, v4;
	v10 =	vshrl.u32 v4, $0x9;
	v4 =	vand.u32 $0xFFFFF000, v2  }
0x22: {  	v11 =	vshrl.u32 v2, $0x9;
	v12 =	vand.u32 $0xFFFFF000, v3;
	v13 =	vshrl.u32 v3, $0x9;
	p0 =	slt.u32 s7, $0x60;
	v2 =	vld [tilespmem:s8+$0xFFFFFFF0]  }
0x23: {  	v7 =	vor.u32 v9, v7;
	v6 =	vor.u32 v4, v6;
	v5 =	vor.u32 v12, v5;
	v3 =	vld [tilespmem:s8+$0x0]  }
0x24: {  	v9 =	vand.u32 $0x7, v10;
	v10 =	vand.u32 $0x7, v11;
	v11 =	vand.u32 $0x7, v13;
	v4 =	vld [tilespmem:s8+$0xFFFFFFE0]  }
0x25: {  	v7 =	vor.u32 v9, v7;
	v6 =	vor.u32 v10, v6;
	v5 =	vor.u32 v11, v5  }
.Ltmp0:
0x26: {  	v9 =	vshll.u32 v8, $0x3;
	[tilespmem:s3+$0xFFFFFFE0] =	vst v7;
	(pc) =	sbr.rel @p0 .LBB2_2-.Ltmp0, $4  }
0x27: {  	v7 =	vand.u32 $0xFFFFF000, v8;
	v8 =	vshrl.u32 v8, $0x9;
	v9 =	vand.u32 $0xFF8, v9;
	[tilespmem:s3+$0xFFFFFFF0] =	vst v6  }
0x28: {  	v6 =	vshll.u32 v2, $0x3;
	v8 =	vand.u32 $0x7, v8;
	v7 =	vor.u32 v7, v9;
	[tilespmem:s3+$0x0] =	vst v5;
	s3 =	smov.u32 s8  }
0x29: {  	v9 =	vshll.u32 v3, $0x3;
	v5 =	vshll.u32 v4, $0x3;
	v8 =	vor.u32 v8, v7  }
0x2a: {  	v6 =	vand.u32 $0xFF8, v6;
	s8 =	sadd.s32 $0x40, s8;
	v7 =	vand.u32 $0xFF8, v5;
	v5 =	vand.u32 $0xFF8, v9;
	[tilespmem:s3+$0x10] =	vst v8  }
0x2b: {  	v8 =	vand.u32 $0xFFFFF000, v4;
	v4 =	vshrl.u32 v4, $0x9  }
0x2c: {  	v9 =	vand.u32 $0xFFFFF000, v2;
	v2 =	vshrl.u32 v2, $0x9;
	v10 =	vand.u32 $0xFFFFF000, v3  }
0x2d: {  	v3 =	vshrl.u32 v3, $0x9;
	v7 =	vor.u32 v8, v7;
	v4 =	vand.u32 $0x7, v4  }
0x2e: {  	v6 =	vor.u32 v9, v6;
	v2 =	vand.u32 $0x7, v2;
	v4 =	vor.u32 v4, v7  }
0x2f: {  	v5 =	vor.u32 v10, v5;
	v3 =	vand.u32 $0x7, v3;
	v2 =	vor.u32 v2, v6;
	[tilespmem:s3+$0xFFFFFFE0] =	vst v4  }
0x30: {  	v3 =	vor.u32 v3, v5;
	[tilespmem:s3+$0xFFFFFFF0] =	vst v2  }
0x31: {  	s7 =	simm.s32 $0x640;
	[tilespmem:s3+$0x0] =	vst v3;
	s3 =	simm.s32 $0x0  }
0x32: {  	[tilespmem:s7], [sflag:$0x1] =	stream.indirect.gather [hbm4b:s5+s12], $0x10, s3, s12, $0xb8;
	[tilespmem:$0x13540] =	vst v63  }
0x33: {  	s14 =	simm.s32 $0xE40  }
0x34: {  	[tilespmem:s14], [sflag:$0x1] =	stream.indirect.gather [hbm4b:s5+s12], $0x10, s12, s12, $0xb8;
	[tilespmem:$0x13540] =	vst v63  }
0x35: {  	s16 =	simm.s32 $0x100;
	s8 =	simm.s32 $0x1640  }
0x36: {  	[tilespmem:s8], [sflag:$0x1] =	stream.indirect.gather [hbm4b:s5+s12], $0x10, s16, s12, $0xb8;
	[tilespmem:$0x13540] =	vst v63  }
0x37: {  	s17 =	simm.s32 $0x180;
	s18 =	simm.s32 $0x1E40  }
0x38: {  	[tilespmem:s18], [sflag:$0x1] =	stream.indirect.gather [hbm4b:s5+s12], $0x10, s17, s12, $0xb8;
	[tilespmem:$0x13540] =	vst v63  }
0x39: {  	s9 =	simm.s32 $0x200;
	s10 =	simm.s32 $0x2640  }
0x3a: {  	[tilespmem:s10], [sflag:$0x1] =	stream.indirect.gather [hbm4b:s5+s12], $0x10, s9, s12, $0xb8;
	[tilespmem:$0x13540] =	vst v63  }
0x3b: {  	s14 =	simm.s32 $0x280;
	s16 =	simm.s32 $0x2E40  }
0x3c: {  	[tilespmem:s16], [sflag:$0x1] =	stream.indirect.gather [hbm4b:s5+s12], $0x10, s14, s12, $0xb8;
	[tilespmem:$0x13540] =	vst v63  }
0x3d: {  	s17 =	simm.s32 $0x300;
	s18 =	simm.s32 $0x3640  }
0x3e: {  	[tilespmem:s18], [sflag:$0x1] =	stream.indirect.gather [hbm4b:s5+s12], $0x10, s17, s12, $0xb8;
	[tilespmem:$0x13540] =	vst v63  }
0x3f: {  	s9 =	simm.s32 $0x380;
	s10 =	simm.s32 $0x3E40  }
0x40: {  	[tilespmem:s10], [sflag:$0x1] =	stream.indirect.gather [hbm4b:s5+s12], $0x10, s9, s12, $0xb8;
	[tilespmem:$0x13540] =	vst v63  }
0x41: {  	s14 =	simm.s32 $0x400;
	s16 =	simm.s32 $0x4640  }
0x42: {  	[tilespmem:s16], [sflag:$0x1] =	stream.indirect.gather [hbm4b:s5+s12], $0x10, s14, s12, $0xb8;
	[tilespmem:$0x13540] =	vst v63  }
0x43: {  	s17 =	simm.s32 $0x480;
	s18 =	simm.s32 $0x4E40  }
0x44: {  	[tilespmem:s18], [sflag:$0x1] =	stream.indirect.gather [hbm4b:s5+s12], $0x10, s17, s12, $0xb8;
	[tilespmem:$0x13540] =	vst v63  }
0x45: {  	s9 =	simm.s32 $0x500;
	s10 =	simm.s32 $0x5640  }
0x46: {  	[tilespmem:s10], [sflag:$0x1] =	stream.indirect.gather [hbm4b:s5+s12], $0x10, s9, s12, $0xb8;
	[tilespmem:$0x13540] =	vst v63  }
0x47: {  	s14 =	simm.s32 $0x580;
	s16 =	simm.s32 $0x5E40;
	s17 =	simm.s32 $0x40  }
0x48: {  	[tilespmem:s16], [sflag:$0x1] =	stream.indirect.gather [hbm4b:s5+s12], $0x10, s14, s12, $0xb8;
	[tilespmem:$0x13540] =	vst v63  }
0x49: {  	s18 =	simm.s32 $0x600;
	s9 =	simm.s32 $0x6640;
	s10 =	simm.s32 $0x1  }
0x4a: {  	[tilespmem:s9], [sflag:$0x1] =	stream.indirect.gather [hbm4b:s5+s17], $0x10, s18, s17, $0xb8;
	[tilespmem:$0x13540] =	vst v63  }
0x4b: {  	_ =	swait.ge [sflag:s10], $0x6400  }
0x4c: {  	[sflag:s10] =	ssyncset.done $0x0  }
0x4d: {  	v7 =	vor.u32 s3, v1;
	s14 =	simm.s32 $0x660;
	[sflag:s10] =	ssyncadd.s32 $0xFFFF9C00  }
0x4e: {  	v3 =	vadd.s32 v0, v7;
	v4 =	vld [tilespmem:s14+$0x10]  }
0x4f: {  	v5 =	vand.u32 $0x1FFC, v3;
	s16 =	simm.s32 $0x1;
	v8 =	vld [tilespmem:s14+$0xFFFFFFF0]  }
0x50: {  	v5 =	vadd.s32 $0x19000, v5;
	v2 =	vor.u32 s16, v1;
	s17 =	simm.s32 $0x2;
	s18 =	simm.s32 $0x3;
	v53 =	vld [tilespmem:s14+$0xFFFFFFE0]  }
0x51: {  	v6 =	vadd.s32 v0, v2;
	v3 =	vor.u32 s17, v1;
	v11 =	vor.u32 s18, v1;
	v14 =	vld [tilespmem:s14+$0x0]  }
0x52: {  	v6 =	vand.u32 $0x1FFD, v6;
	v54 =	vadd.s32 v0, v3;
	v13 =	vadd.s32 v0, v11  }
0x53: {  	v6 =	vadd.s32 $0x19000, v6;
	v10 =	vand.u32 $0x1FFE, v54;
	v13 =	vand.u32 $0x1FFF, v13  }
0x54: {  	v10 =	vadd.s32 $0x19000, v10;
	v13 =	vadd.s32 $0x19000, v13;
	v12 =	vshll.u32 v4, $0x1  }
0x55: {  	v15 =	vand.u32 $0xFFFFF000, v4;
	v16 =	vshrl.u32 v4, $0xB;
	vm0 =	veq.s32 v4, $0x0  }
0x56: {  	v4 =	vshll.u32 v53, $0x1;
	v56 =	vshll.u32 v8, $0x1;
	v58 =	vshll.u32 v14, $0x1  }
0x57: {  	v59 =	vand.u32 $0xFFFFF000, v53;
	v17 =	vshrl.u32 v53, $0xB;
	v18 =	vand.u32 $0xFFFFF000, v8  }
0x58: {  	v60 =	vshrl.u32 v8, $0xB;
	v61 =	vand.u32 $0xFFFFF000, v14;
	v62 =	vshrl.u32 v14, $0xB  }
0x59: {  	vm14 =	veq.s32 v53, $0x0;
	vm1 =	veq.s32 v8, $0x0;
	v12 =	vand.u32 $0xFFE, v12  }
0x5a: {  	v55 =	vand.u32 $0x1, v16;
	v4 =	vand.u32 $0xFFE, v4;
	v57 =	vand.u32 $0xFFE, v56  }
0x5b: {  	v17 =	vand.u32 $0x1, v17;
	v16 =	vand.u32 $0x1, v60;
	v63 =	vand.u32 $0x1, v62  }
0x5c: {  	v12 =	vor.u32 v15, v12;
	v15 =	vand.u32 $0xFFE, v58;
	v4 =	vor.u32 v59, v4  }
0x5d: {  	v12 =	vor.u32 v55, v12;
	v15 =	vor.u32 v61, v15;
	v4 =	vor.u32 v17, v4  }
0x5e: {  	v12 =	vsel vm0, v13, v12;
	v13 =	vor.u32 v18, v57;
	v8 =	vor.u32 v63, v15  }
0x5f: {  	s7 =	simm.s32 $0x4;
	s3 =	simm.s32 $0x6A0;
	vm15 =	veq.s32 v14, $0x0;
	v9 =	vsel vm14, v5, v4;
	v13 =	vor.u32 v16, v13;
	[tilespmem:v11+s19+$0x0] =	vst.idx.msk $0xfff, v12  }
0x60: {  	s8 =	simm.s32 $0x8;
	s9 =	simm.s32 $0x5;
	v4 =	vor.u32 s7, v1;
	v5 =	vld [tilespmem:s3+$0x10];
	[tilespmem:v7+s19+$0x0] =	vst.idx.msk $0xfff, v9;
	v7 =	vsel vm15, v10, v8;
	v6 =	vsel vm1, v6, v13  }
.LBB2_4:
0x61: {  	p0 =	slt.u32 s8, $0x1C;
	v8 =	vadd.s32 v0, v4;
	v9 =	vld [tilespmem:s3+$0xFFFFFFF0];
	s10 =	sadd.s32 $0x2, s7;
	[tilespmem:v2+s19+$0x0] =	vst.idx.msk $0xfff, v6;
	v2 =	vor.u32 s9, v1  }
0x62: {  	v6 =	vand.u32 $0x1FFC, v8;
	v8 =	vadd.s32 v0, v2;
	v10 =	vld [tilespmem:s3+$0x0];
	[tilespmem:v3+s19+$0x0] =	vst.idx.msk $0xfff, v7;
	v3 =	vor.u32 s10, v1  }
0x63: {  	s9 =	sadd.s32 $0x3, s7;
	s7 =	smov.u32 s8;
	v7 =	vld [tilespmem:s3+$0xFFFFFFE0];
	v6 =	vadd.s32 $0x19000, v6;
	v8 =	vand.u32 $0x1FFD, v8;
	v11 =	vadd.s32 v0, v3  }
0x64: {  	v12 =	vor.u32 s9, v1;
	v8 =	vadd.s32 $0x19000, v8;
	v11 =	vand.u32 $0x1FFE, v11  }
0x65: {  	v14 =	vadd.s32 v0, v12;
	v11 =	vadd.s32 $0x19000, v11;
	v13 =	vshll.u32 v5, $0x1  }
0x66: {  	v15 =	vand.u32 $0xFFFFF000, v5;
	v16 =	vshrl.u32 v5, $0xB;
	v13 =	vand.u32 $0xFFE, v13  }
0x67: {  	v14 =	vand.u32 $0x1FFF, v14;
	v13 =	vor.u32 v15, v13;
	v15 =	vand.u32 $0x1, v16  }
0x68: {  	v14 =	vadd.s32 $0x19000, v14;
	vm0 =	veq.s32 v5, $0x0;
	v13 =	vor.u32 v15, v13  }
0x69: {  	v5 =	vshll.u32 v7, $0x1;
	v15 =	vshll.u32 v9, $0x1;
	v13 =	vsel vm0, v14, v13  }
0x6a: {  	v5 =	vand.u32 $0xFFE, v5;
	v14 =	vand.u32 $0xFFE, v15;
	v15 =	vshll.u32 v10, $0x1;
	[tilespmem:v12+s19+$0x0] =	vst.idx.msk $0xfff, v13  }
0x6b: {  	v12 =	vand.u32 $0xFFFFF000, v7;
	v13 =	vshrl.u32 v7, $0xB;
	v15 =	vand.u32 $0xFFE, v15  }
0x6c: {  	v17 =	vshrl.u32 v9, $0xB;
	v16 =	vand.u32 $0xFFFFF000, v9;
	v18 =	vand.u32 $0xFFFFF000, v10  }
0x6d: {  	v5 =	vor.u32 v12, v5;
	v12 =	vor.u32 v16, v14;
	v14 =	vshrl.u32 v10, $0xB  }
.Ltmp1:
0x6e: {  	v13 =	vand.u32 $0x1, v13;
	v16 =	vand.u32 $0x1, v17;
	v15 =	vor.u32 v18, v15;
	(pc) =	sbr.rel @p0 .LBB2_4-.Ltmp1, $4  }
0x6f: {  	v5 =	vor.u32 v13, v5;
	v12 =	vor.u32 v16, v12;
	v13 =	vand.u32 $0x1, v14  }
0x70: {  	vm1 =	veq.s32 v9, $0x0;
	vm0 =	veq.s32 v7, $0x0;
	v7 =	vor.u32 v13, v15  }
0x71: {  	s3 =	sadd.s32 $0x40, s3;
	v9 =	vsel vm0, v6, v5;
	v6 =	vsel vm1, v8, v12;
	vm0 =	veq.s32 v10, $0x0  }
0x72: {  	s8 =	sadd.s32 $0x4, s8;
	s9 =	sadd.s32 $0x1, s7;
	v7 =	vsel vm0, v11, v7;
	v5 =	vld [tilespmem:s3+$0x10];
	[tilespmem:v4+s19+$0x0] =	vst.idx.msk $0xfff, v9;
	v4 =	vor.u32 s7, v1  }
0x73: {  	v8 =	vadd.s32 v0, v4;
	v9 =	vor.u32 s9, v1;
	s8 =	sadd.s32 $0x2, s7  }
0x74: {  	v12 =	vld [tilespmem:s3+$0xFFFFFFF0];
	s18 =	sadd.s32 $0x3, s7;
	v8 =	vand.u32 $0x1FFC, v8;
	v10 =	vadd.s32 v0, v9;
	v11 =	vor.u32 s8, v1  }
0x75: {  	v14 =	vld [tilespmem:s3+$0xFFFFFFE0];
	v15 =	vor.u32 s18, v1;
	v8 =	vadd.s32 $0x19000, v8;
	v13 =	vadd.s32 v0, v11  }
0x76: {  	v16 =	vld [tilespmem:s3+$0x0];
	v10 =	vand.u32 $0x1FFD, v10;
	v18 =	vadd.s32 v0, v15;
	v13 =	vand.u32 $0x1FFE, v13  }
0x77: {  	v10 =	vadd.s32 $0x19000, v10;
	v18 =	vand.u32 $0x1FFF, v18;
	v13 =	vadd.s32 $0x19000, v13  }
0x78: {  	v17 =	vshll.u32 v5, $0x1;
	v19 =	vand.u32 $0xFFFFF000, v5;
	v20 =	vshrl.u32 v5, $0xB  }
0x79: {  	v18 =	vadd.s32 $0x19000, v18;
	vm0 =	veq.s32 v5, $0x0;
	v17 =	vand.u32 $0xFFE, v17  }
0x7a: {  	v53 =	vand.u32 $0x1, v20;
	v54 =	vshll.u32 v14, $0x1;
	v55 =	vshll.u32 v12, $0x1  }
0x7b: {  	v57 =	vshll.u32 v16, $0x1;
	v58 =	vand.u32 $0xFFFFF000, v14;
	v21 =	vand.u32 $0xFFFFF000, v12  }
0x7c: {  	v59 =	vand.u32 $0xFFFFF000, v16;
	v60 =	vshrl.u32 v14, $0xB;
	v61 =	vshrl.u32 v12, $0xB  }
0x7d: {  	[tilespmem:v2+s19+$0x0] =	vst.idx.msk $0xfff, v6;
	v2 =	vshrl.u32 v16, $0xB;
	vm14 =	veq.s32 v14, $0x0;
	vm15 =	veq.s32 v16, $0x0  }
0x7e: {  	v17 =	vor.u32 v19, v17;
	v5 =	vand.u32 $0xFFE, v54;
	v56 =	vand.u32 $0xFFE, v55  }
0x7f: {  	[tilespmem:v3+s19+$0x0] =	vst.idx.msk $0xfff, v7;
	v19 =	vand.u32 $0xFFE, v57;
	v62 =	vand.u32 $0x1, v60;
	v2 =	vand.u32 $0x1, v2  }
0x80: {  	v17 =	vor.u32 v53, v17;
	v5 =	vor.u32 v58, v5;
	v19 =	vor.u32 v59, v19  }
0x81: {  	v17 =	vsel vm0, v18, v17;
	v18 =	vor.u32 v21, v56;
	v3 =	vor.u32 v62, v5  }
0x82: {  	v20 =	vand.u32 $0x1, v61;
	v2 =	vor.u32 v2, v19;
	[tilespmem:v15+s19+$0x0] =	vst.idx.msk $0xfff, v17;
	v3 =	vsel vm14, v8, v3  }
0x83: {  	vm1 =	veq.s32 v12, $0x0;
	v63 =	vor.u32 v20, v18;
	v2 =	vsel vm15, v13, v2;
	[tilespmem:v4+s19+$0x0] =	vst.idx.msk $0xfff, v3  }
0x84: {  	v5 =	vsel vm1, v10, v63;
	[tilespmem:v11+s19+$0x0] =	vst.idx.msk $0xfff, v2  }
0x85: {  	[tilespmem:v9+s19+$0x0] =	vst.idx.msk $0xfff, v5  }
0x86: {  	[tilespmem:s20], [sflag:$0x2] =	stream.indirect.gather [hbm4b:s6+s12], $0x40, s19, s12, $0xb8;
	[tilespmem:$0x13540] =	vst v63  }
0x87: {  	_ = 	snop  }
0x88: {  	[tilespmem:s22], [sflag:$0x2] =	stream.indirect.gather [hbm4b:s6+s12], $0x40, s21, s12, $0xb8;
	[tilespmem:$0x13540] =	vst v63  }
0x89: {  	s16 =	simm.s32 $0x870;
	s17 =	simm.s32 $0xA70;
	s3 =	simm.s32 $0x0  }
0x8a: {  	[tilespmem:s24], [sflag:$0x2] =	stream.indirect.gather [hbm4b:s6+s12], $0x40, s23, s12, $0xb8;
	[tilespmem:$0x13540] =	vst v63  }
.LBB2_6:
0x8b: {  	v7 =	vor.u32 s15, v1;
	v4 =	vld [tilespmem:s16+$0x0]  }
0x8c: {  	s7 =	simm.s32 $0x1;
	v8 =	vld [tilespmem:s16+$0xFFFFFFE0];
	s18 =	simm.s32 $0x3;
	v3 =	vadd.s32 v0, v7  }
0x8d: {  	s14 =	simm.s32 $0x2;
	v9 =	vld [tilespmem:s16+$0xFFFFFFD0];
	v2 =	vor.u32 s7, v1;
	v11 =	vor.u32 s18, v1;
	v5 =	vand.u32 $0x1FFC, v3  }
0x8e: {  	v14 =	vld [tilespmem:s16+$0xFFFFFFF0];
	v6 =	vadd.s32 v0, v2;
	v3 =	vor.u32 s14, v1;
	v13 =	vadd.s32 v0, v11  }
0x8f: {  	v5 =	vadd.s32 $0x19000, v5;
	v6 =	vand.u32 $0x1FFD, v6;
	v10 =	vadd.s32 v0, v3  }
0x90: {  	v13 =	vand.u32 $0x1FFF, v13;
	v6 =	vadd.s32 $0x19000, v6;
	v10 =	vand.u32 $0x1FFE, v10  }
0x91: {  	v13 =	vadd.s32 $0x19000, v13;
	v12 =	vshll.u32 v4, $0x1;
	v15 =	vand.u32 $0xFFFFF000, v4  }
0x92: {  	v16 =	vshrl.u32 v4, $0xB;
	v10 =	vadd.s32 $0x19000, v10;
	vm0 =	veq.s32 v4, $0x0  }
0x93: {  	v4 =	vshll.u32 v9, $0x1;
	v56 =	vshll.u32 v8, $0x1;
	v58 =	vshll.u32 v14, $0x1  }
0x94: {  	v59 =	vand.u32 $0xFFFFF000, v9;
	v17 =	vshrl.u32 v9, $0xB;
	v18 =	vand.u32 $0xFFFFF000, v8  }
0x95: {  	v60 =	vshrl.u32 v8, $0xB;
	v61 =	vand.u32 $0xFFFFF000, v14;
	v62 =	vshrl.u32 v14, $0xB  }
0x96: {  	vm14 =	veq.s32 v9, $0x0;
	vm1 =	veq.s32 v8, $0x0;
	v12 =	vand.u32 $0xFFE, v12  }
0x97: {  	v55 =	vand.u32 $0x1, v16;
	v4 =	vand.u32 $0xFFE, v4;
	v57 =	vand.u32 $0xFFE, v56  }
0x98: {  	v17 =	vand.u32 $0x1, v17;
	v16 =	vand.u32 $0x1, v60;
	v63 =	vand.u32 $0x1, v62  }
0x99: {  	v12 =	vor.u32 v15, v12;
	v15 =	vand.u32 $0xFFE, v58;
	v4 =	vor.u32 v59, v4  }
0x9a: {  	v12 =	vor.u32 v55, v12;
	v15 =	vor.u32 v61, v15;
	v4 =	vor.u32 v17, v4  }
0x9b: {  	v12 =	vsel vm0, v13, v12;
	v13 =	vor.u32 v18, v57;
	v8 =	vor.u32 v63, v15  }
0x9c: {  	s9 =	simm.s32 $0x4;
	s8 =	sadd.s32 $0x40, s16;
	vm15 =	veq.s32 v14, $0x0;
	v9 =	vsel vm14, v5, v4;
	v13 =	vor.u32 v16, v13;
	[tilespmem:v11+s25+$0x0] =	vst.idx.msk $0xfff, v12  }
0x9d: {  	s10 =	simm.s32 $0x8;
	s7 =	sshllo.u32 s3, $0x1;
	s18 =	simm.s32 $0x5;
	v4 =	vor.u32 s9, v1;
	v5 =	vld [tilespmem:s8+$0x0];
	[tilespmem:v7+s25+$0x0] =	vst.idx.msk $0xfff, v9;
	v7 =	vsel vm15, v10, v8;
	v6 =	vsel vm1, v6, v13  }
.LBB2_7:
0x9e: {  	p0 =	slt.u32 s10, $0x1C;
	v8 =	vadd.s32 v0, v4;
	v9 =	vld [tilespmem:s8+$0xFFFFFFE0];
	s14 =	sadd.s32 $0x2, s9;
	[tilespmem:v2+s25+$0x0] =	vst.idx.msk $0xfff, v6;
	v2 =	vor.u32 s18, v1  }
0x9f: {  	v6 =	vand.u32 $0x1FFC, v8;
	v8 =	vadd.s32 v0, v2;
	v10 =	vld [tilespmem:s8+$0xFFFFFFF0];
	[tilespmem:v3+s25+$0x0] =	vst.idx.msk $0xfff, v7;
	v3 =	vor.u32 s14, v1  }
0xa0: {  	s14 =	sadd.s32 $0x3, s9;
	s9 =	smov.u32 s10;
	v7 =	vld [tilespmem:s8+$0xFFFFFFD0];
	v6 =	vadd.s32 $0x19000, v6;
	v8 =	vand.u32 $0x1FFD, v8;
	v11 =	vadd.s32 v0, v3  }
0xa1: {  	v12 =	vor.u32 s14, v1;
	v8 =	vadd.s32 $0x19000, v8;
	v11 =	vand.u32 $0x1FFE, v11  }
0xa2: {  	v14 =	vadd.s32 v0, v12;
	v11 =	vadd.s32 $0x19000, v11;
	v13 =	vshll.u32 v5, $0x1  }
0xa3: {  	v15 =	vand.u32 $0xFFFFF000, v5;
	v16 =	vshrl.u32 v5, $0xB;
	v13 =	vand.u32 $0xFFE, v13  }
0xa4: {  	v14 =	vand.u32 $0x1FFF, v14;
	v13 =	vor.u32 v15, v13;
	v15 =	vand.u32 $0x1, v16  }
0xa5: {  	vm0 =	veq.s32 v5, $0x0;
	v14 =	vadd.s32 $0x19000, v14;
	v13 =	vor.u32 v15, v13  }
0xa6: {  	v5 =	vshll.u32 v7, $0x1;
	v15 =	vshll.u32 v9, $0x1;
	v13 =	vsel vm0, v14, v13  }
0xa7: {  	v5 =	vand.u32 $0xFFE, v5;
	v14 =	vand.u32 $0xFFE, v15;
	v15 =	vshll.u32 v10, $0x1;
	[tilespmem:v12+s25+$0x0] =	vst.idx.msk $0xfff, v13  }
0xa8: {  	v12 =	vand.u32 $0xFFFFF000, v7;
	v13 =	vshrl.u32 v7, $0xB;
	v15 =	vand.u32 $0xFFE, v15  }
0xa9: {  	v17 =	vshrl.u32 v9, $0xB;
	v16 =	vand.u32 $0xFFFFF000, v9;
	v18 =	vand.u32 $0xFFFFF000, v10  }
0xaa: {  	v5 =	vor.u32 v12, v5;
	v12 =	vor.u32 v16, v14;
	v14 =	vshrl.u32 v10, $0xB  }
.Ltmp2:
0xab: {  	v13 =	vand.u32 $0x1, v13;
	v16 =	vand.u32 $0x1, v17;
	v15 =	vor.u32 v18, v15;
	(pc) =	sbr.rel @p0 .LBB2_7-.Ltmp2, $4  }
0xac: {  	v5 =	vor.u32 v13, v5;
	v12 =	vor.u32 v16, v12;
	v13 =	vand.u32 $0x1, v14  }
0xad: {  	vm1 =	veq.s32 v9, $0x0;
	vm0 =	veq.s32 v7, $0x0;
	v7 =	vor.u32 v13, v15  }
0xae: {  	s8 =	sadd.s32 $0x40, s8;
	v9 =	vsel vm0, v6, v5;
	v6 =	vsel vm1, v8, v12;
	vm0 =	veq.s32 v10, $0x0  }
0xaf: {  	s10 =	sadd.s32 $0x4, s10;
	s18 =	sadd.s32 $0x1, s9;
	v7 =	vsel vm0, v11, v7;
	v5 =	vld [tilespmem:s8+$0x0];
	[tilespmem:v4+s25+$0x0] =	vst.idx.msk $0xfff, v9;
	v4 =	vor.u32 s9, v1  }
0xb0: {  	v8 =	vadd.s32 v0, v4;
	v9 =	vor.u32 s18, v1;
	s10 =	sadd.s32 $0x2, s9  }
0xb1: {  	v12 =	vld [tilespmem:s8+$0xFFFFFFE0];
	s18 =	sadd.s32 $0x3, s9;
	v8 =	vand.u32 $0x1FFC, v8;
	v10 =	vadd.s32 v0, v9;
	v11 =	vor.u32 s10, v1  }
0xb2: {  	v14 =	vld [tilespmem:s8+$0xFFFFFFD0];
	v15 =	vor.u32 s18, v1;
	v8 =	vadd.s32 $0x19000, v8;
	v13 =	vadd.s32 v0, v11  }
0xb3: {  	v16 =	vld [tilespmem:s8+$0xFFFFFFF0];
	v10 =	vand.u32 $0x1FFD, v10;
	v18 =	vadd.s32 v0, v15;
	v13 =	vand.u32 $0x1FFE, v13  }
0xb4: {  	v10 =	vadd.s32 $0x19000, v10;
	v18 =	vand.u32 $0x1FFF, v18;
	v13 =	vadd.s32 $0x19000, v13  }
0xb5: {  	v17 =	vshll.u32 v5, $0x1;
	v19 =	vand.u32 $0xFFFFF000, v5;
	v20 =	vshrl.u32 v5, $0xB  }
0xb6: {  	v18 =	vadd.s32 $0x19000, v18;
	vm0 =	veq.s32 v5, $0x0;
	v17 =	vand.u32 $0xFFE, v17  }
0xb7: {  	v56 =	vand.u32 $0x1, v20;
	v5 =	vshll.u32 v14, $0x1;
	v57 =	vshll.u32 v12, $0x1  }
0xb8: {  	v59 =	vshll.u32 v16, $0x1;
	v60 =	vand.u32 $0xFFFFF000, v14;
	v21 =	vshrl.u32 v14, $0xB  }
0xb9: {  	v22 =	vand.u32 $0xFFFFF000, v12;
	v23 =	vshrl.u32 v12, $0xB;
	v24 =	vand.u32 $0xFFFFF000, v16  }
0xba: {  	v61 =	vshrl.u32 v16, $0xB;
	vm14 =	veq.s32 v14, $0x0;
	vm1 =	veq.s32 v12, $0x0  }
0xbb: {  	[tilespmem:v2+s25+$0x0] =	vst.idx.msk $0xfff, v6;
	v17 =	vor.u32 v19, v17;
	v5 =	vand.u32 $0xFFE, v5;
	v58 =	vand.u32 $0xFFE, v57  }
0xbc: {  	[tilespmem:v3+s25+$0x0] =	vst.idx.msk $0xfff, v7;
	v19 =	vand.u32 $0xFFE, v59;
	v2 =	vand.u32 $0x1, v21;
	v6 =	vand.u32 $0x1, v23  }
0xbd: {  	v17 =	vor.u32 v56, v17;
	v5 =	vor.u32 v60, v5;
	v19 =	vor.u32 v24, v19  }
0xbe: {  	v17 =	vsel vm0, v18, v17;
	v18 =	vor.u32 v22, v58;
	v2 =	vor.u32 v2, v5  }
0xbf: {  	v5 =	vand.u32 $0x1, v61;
	v3 =	vor.u32 v6, v18;
	[tilespmem:v15+s25+$0x0] =	vst.idx.msk $0xfff, v17;
	v2 =	vsel vm14, v8, v2  }
0xc0: {  	vm15 =	veq.s32 v16, $0x0;
	v5 =	vor.u32 v5, v19;
	v3 =	vsel vm1, v10, v3;
	[tilespmem:v4+s25+$0x0] =	vst.idx.msk $0xfff, v2  }
0xc1: {  	v2 =	vsel vm15, v13, v5;
	[tilespmem:v9+s25+$0x0] =	vst.idx.msk $0xfff, v3  }
0xc2: {  	[tilespmem:v11+s25+$0x0] =	vst.idx.msk $0xfff, v2  }
0xc3: {  	[tilespmem:s26], [sflag:$0x3] =	stream.indirect.gather [hbm4b:s6+s12], $0x40, s25, s12, $0xb8;
	[tilespmem:$0x13540] =	vst v63  }
0xc4: {  	_ = 	snop  }
0xc5: {  	[tilespmem:s29], [sflag:$0x3] =	stream.indirect.gather [hbm4b:s6+s12], $0x40, s28, s12, $0xb8;
	[tilespmem:$0x13540] =	vst v63  }
0xc6: {  	_ = 	snop  }
0xc7: {  	[tilespmem:s31], [sflag:$0x3] =	stream.indirect.gather [hbm4b:s6+s12], $0x40, s30, s12, $0xb8;
	[tilespmem:$0x13540] =	vst v63  }
0xc8: {  	_ =	swait.ge [sflag:s1], $0x6000  }
0xc9: {  	[sflag:s1] =	ssyncset.done $0x0  }
0xca: {  	s8 =	simm.s32 $0x0;
	[sflag:s1] =	ssyncadd.s32 $0xFFFFA000  }
0xcb: {  	v2 =	vld [tilespmem:s8+$0x6DB0]  }
0xcc: {  	v3 =	vld [tilespmem:s8+$0x75B0]  }
0xcd: {  	v4 =	vld [tilespmem:s8+$0x6D40]  }
0xce: {  	v5 =	vld [tilespmem:s8+$0x7DB0]  }
0xcf: {  	v6 =	vld [tilespmem:s8+$0x7540]  }
0xd0: {  	v7 =	vld [tilespmem:s8+$0x85B0]  }
0xd1: {  	v8 =	vld [tilespmem:s8+$0x6D50]  }
0xd2: {  	v9 =	vld [tilespmem:s8+$0x7550]  }
0xd3: {  	v10 =	vld [tilespmem:s8+$0x6D60]  }
0xd4: {  	v11 =	vld [tilespmem:s8+$0x7560]  }
0xd5: {  	v12 =	vld [tilespmem:s8+$0x6D70]  }
0xd6: {  	v13 =	vld [tilespmem:s8+$0x7570]  }
0xd7: {  	v14 =	vld [tilespmem:s8+$0x6D80]  }
0xd8: {  	v15 =	vld [tilespmem:s8+$0x7580]  }
0xd9: {  	v62 =	vld [tilespmem:s8+$0x6D90]  }
0xda: {  	v63 =	vld [tilespmem:s8+$0x6DA0]  }
0xdb: {  	v52 =	vld [tilespmem:s8+$0x7D40]  }
0xdc: {  	v53 =	vld [tilespmem:s8+$0x7D60]  }
0xdd: {  	v54 =	vld [tilespmem:s8+$0x7D80]  }
0xde: {  	v55 =	vld [tilespmem:s8+$0x7D90]  }
0xdf: {  	v56 =	vld [tilespmem:s8+$0x7DA0]  }
0xe0: {  	v57 =	vld [tilespmem:s8+$0x8540]  }
0xe1: {  	v58 =	vld [tilespmem:s8+$0x8550]  }
0xe2: {  	v25 =	vld [tilespmem:s8+$0x8560]  }
0xe3: {  	v26 =	vld [tilespmem:s8+$0x8570]  }
0xe4: {  	v27 =	vld [tilespmem:s8+$0x8580]  }
0xe5: {  	v28 =	vld [tilespmem:s8+$0x8590]  }
0xe6: {  	v29 =	vld [tilespmem:s8+$0x85A0]  }
0xe7: {  	v30 =	vld [tilespmem:s8+$0x8D40]  }
0xe8: {  	v31 =	vld [tilespmem:s8+$0x8D50]  }
0xe9: {  	v32 =	vld [tilespmem:s8+$0x8D60]  }
0xea: {  	v33 =	vld [tilespmem:s8+$0x8D70]  }
0xeb: {  	v34 =	vld [tilespmem:s8+$0x8D80]  }
0xec: {  	v35 =	vld [tilespmem:s8+$0x8D90]  }
0xed: {  	v36 =	vld [tilespmem:s8+$0x8DA0]  }
0xee: {  	v37 =	vld [tilespmem:s8+$0x9540]  }
0xef: {  	v38 =	vld [tilespmem:s8+$0x9550]  }
0xf0: {  	v39 =	vld [tilespmem:s8+$0x9560]  }
0xf1: {  	v40 =	vld [tilespmem:s8+$0x9570]  }
0xf2: {  	v41 =	vld [tilespmem:s8+$0x9580]  }
0xf3: {  	v42 =	vld [tilespmem:s8+$0x9590]  }
0xf4: {  	v43 =	vld [tilespmem:s8+$0x95A0]  }
0xf5: {  	v44 =	vld [tilespmem:s8+$0x9D40]  }
0xf6: {  	v45 =	vld [tilespmem:s8+$0x9D50]  }
0xf7: {  	v46 =	vld [tilespmem:s8+$0x9D60]  }
0xf8: {  	v47 =	vld [tilespmem:s8+$0x9D70]  }
0xf9: {  	v48 =	vld [tilespmem:s8+$0x9D80]  }
0xfa: {  	v59 =	vld [tilespmem:s8+$0xA590]  }
0xfb: {  	v60 =	vld [tilespmem:s8+$0xA5A0];
	v2 =	vadd.f32 v3, v2  }
0xfc: {  	v3 =	vld [tilespmem:s8+$0x8DB0]  }
0xfd: {  	v61 =	vld [tilespmem:s8+$0xAD40];
	v2 =	vadd.f32 v5, v2  }
0xfe: {  	v5 =	vld [tilespmem:s8+$0x95B0]  }
0xff: {  	v49 =	vld [tilespmem:s8+$0xAD70];
	v4 =	vadd.f32 v6, v4;
	v2 =	vadd.f32 v7, v2  }
0x100: {  	v7 =	vld [tilespmem:s8+$0x9DB0]  }
0x101: {  	v50 =	vld [tilespmem:s8+$0xAD80];
	v4 =	vadd.f32 v52, v4;
	v2 =	vadd.f32 v3, v2  }
0x102: {  	v8 =	vadd.f32 v9, v8;
	v3 =	vld [tilespmem:s8+$0xA5B0]  }
0x103: {  	v51 =	vld [tilespmem:s8+$0xAD90];
	v4 =	vadd.f32 v57, v4;
	v2 =	vadd.f32 v5, v2  }
0x104: {  	v9 =	vadd.f32 v11, v10;
	v11 =	vadd.f32 v13, v12;
	v5 =	vld [tilespmem:s8+$0xADB0]  }
0x105: {  	v13 =	vld [tilespmem:s8+$0xA540];
	v4 =	vadd.f32 v30, v4;
	v2 =	vadd.f32 v7, v2  }
0x106: {  	v7 =	vld [tilespmem:s8+$0xB5B0]  }
0x107: {  	v6 =	vld [tilespmem:s8+$0x9D90];
	v4 =	vadd.f32 v37, v4;
	v2 =	vadd.f32 v3, v2  }
0x108: {  	v12 =	vadd.f32 v15, v14;
	v9 =	vadd.f32 v53, v9;
	v3 =	vld [tilespmem:s8+$0xBDB0]  }
0x109: {  	v53 =	vld [tilespmem:s8+$0xB540];
	v4 =	vadd.f32 v44, v4;
	v2 =	vadd.f32 v5, v2  }
0x10a: {  	v12 =	vadd.f32 v54, v12;
	v9 =	vadd.f32 v25, v9;
	v5 =	vld [tilespmem:s8+$0xC5B0]  }
0x10b: {  	v4 =	vadd.f32 v13, v4;
	v13 =	vld [tilespmem:s8+$0xBD40];
	v2 =	vadd.f32 v7, v2  }
0x10c: {  	v12 =	vadd.f32 v27, v12;
	v9 =	vadd.f32 v32, v9;
	v7 =	vld [tilespmem:s8+$0x7590]  }
0x10d: {  	v4 =	vadd.f32 v61, v4;
	v61 =	vld [tilespmem:s8+$0xC540];
	v2 =	vadd.f32 v3, v2  }
0x10e: {  	v12 =	vadd.f32 v34, v12;
	v3 =	vld [tilespmem:s8+$0x75A0]  }
0x10f: {  	v9 =	vadd.f32 v39, v9;
	v2 =	vadd.f32 v5, v2;
	v5 =	vld [tilespmem:s8+$0x7D50]  }
0x110: {  	v10 =	vld [tilespmem:s8+$0x9DA0];
	v12 =	vadd.f32 v41, v12;
	v4 =	vadd.f32 v53, v4  }
0x111: {  	v9 =	vadd.f32 v46, v9;
	v7 =	vadd.f32 v7, v62;
	[tilespmem:s8+$0x12DB0] =	vst v2;
	v2 =	vld [tilespmem:s8+$0x7D70]  }
0x112: {  	v14 =	vld [tilespmem:s8+$0xA550];
	v12 =	vadd.f32 v48, v12;
	v13 =	vadd.f32 v13, v4  }
0x113: {  	v15 =	vld [tilespmem:s8+$0xA580];
	v3 =	vadd.f32 v3, v63;
	v7 =	vadd.f32 v55, v7  }
0x114: {  	v52 =	vld [tilespmem:s8+$0xADA0];
	v13 =	vadd.f32 v61, v13;
	v5 =	vadd.f32 v5, v8  }
0x115: {  	v8 =	vld [tilespmem:s8+$0xA560];
	v3 =	vadd.f32 v56, v3;
	v7 =	vadd.f32 v28, v7  }
0x116: {  	v54 =	vld [tilespmem:s8+$0xB550];
	v2 =	vadd.f32 v2, v11;
	v5 =	vadd.f32 v58, v5  }
0x117: {  	v63 =	vld [tilespmem:s8+$0xAD60];
	v3 =	vadd.f32 v29, v3;
	v7 =	vadd.f32 v35, v7  }
0x118: {  	v57 =	vld [tilespmem:s8+$0xBD70];
	v2 =	vadd.f32 v26, v2;
	v5 =	vadd.f32 v31, v5  }
0x119: {  	v62 =	vld [tilespmem:s8+$0xAD50];
	v3 =	vadd.f32 v36, v3;
	v7 =	vadd.f32 v42, v7  }
0x11a: {  	v55 =	vld [tilespmem:s8+$0xB560];
	v8 =	vadd.f32 v8, v9;
	v2 =	vadd.f32 v33, v2  }
0x11b: {  	v56 =	vld [tilespmem:s8+$0xB570];
	v5 =	vadd.f32 v38, v5;
	v3 =	vadd.f32 v43, v3  }
0x11c: {  	v11 =	vld [tilespmem:s8+$0xA570];
	v6 =	vadd.f32 v6, v7;
	v8 =	vadd.f32 v63, v8  }
0x11d: {  	v58 =	vld [tilespmem:s8+$0xBD80];
	v2 =	vadd.f32 v40, v2;
	v5 =	vadd.f32 v45, v5  }
0x11e: {  	v3 =	vadd.f32 v10, v3;
	v10 =	vld [tilespmem:s8+$0xB590];
	v6 =	vadd.f32 v59, v6  }
0x11f: {  	v9 =	vld [tilespmem:s8+$0xB5A0];
	v8 =	vadd.f32 v55, v8;
	v2 =	vadd.f32 v47, v2  }
0x120: {  	v7 =	vld [tilespmem:s8+$0xB580];
	v5 =	vadd.f32 v14, v5;
	v3 =	vadd.f32 v60, v3  }
0x121: {  	v59 =	vld [tilespmem:s8+$0xBD90];
	v6 =	vadd.f32 v51, v6;
	v2 =	vadd.f32 v11, v2  }
0x122: {  	v11 =	vadd.f32 v15, v12;
	v5 =	vadd.f32 v62, v5;
	v15 =	vld [tilespmem:s8+$0xBD60]  }
0x123: {  	v14 =	vld [tilespmem:s8+$0xBD50];
	v3 =	vadd.f32 v52, v3;
	v62 =	vadd.f32 v10, v6  }
0x124: {  	v60 =	vld [tilespmem:s8+$0xBDA0];
	v2 =	vadd.f32 v49, v2;
	v11 =	vadd.f32 v50, v11  }
0x125: {  	v12 =	vld [tilespmem:s8+$0xC550];
	v5 =	vadd.f32 v54, v5;
	v63 =	vadd.f32 v9, v3  }
0x126: {  	v10 =	vld [tilespmem:s8+$0xC560];
	v3 =	vadd.f32 v59, v62;
	v2 =	vadd.f32 v56, v2  }
0x127: {  	v11 =	vadd.f32 v7, v11;
	v6 =	vadd.f32 v15, v8;
	v8 =	vld [tilespmem:s8+$0xC570]  }
0x128: {  	v9 =	vld [tilespmem:s8+$0xC580];
	v7 =	vadd.f32 v14, v5;
	v5 =	vadd.f32 v57, v2  }
0x129: {  	s9 =	simm.s32 $0x0;
	s10 =	simm.s32 $0x200;
	v4 =	vadd.f32 v58, v11;
	v2 =	vadd.f32 v60, v63;
	v11 =	vld [tilespmem:s8+$0xC590]  }
.LBB2_9:
0x12a: {  	s14 =	sshra.s32 s10, $0x2;
	v7 =	vadd.f32 v12, v7;
	v12 =	vld [tilespmem:s8+$0xC5A0]  }
0x12b: {  	s9 =	sadd.s32 $0x2, s9;
	v14 =	vld [tilespmem:s14+$0x6DB0];
	[tilespmem:s8+$0x12D40] =	vst v13;
	v6 =	vadd.f32 v10, v6  }
0x12c: {  	p0 =	slt.u32 s9, $0x1E;
	v10 =	vld [tilespmem:s14+$0x75B0];
	[tilespmem:s8+$0x12D50] =	vst v7;
	v5 =	vadd.f32 v8, v5  }
0x12d: {  	v7 =	vld [tilespmem:s14+$0x6D40];
	[tilespmem:s8+$0x12D60] =	vst v6;
	v4 =	vadd.f32 v9, v4  }
0x12e: {  	v6 =	vld [tilespmem:s14+$0x7DB0];
	[tilespmem:s8+$0x12D70] =	vst v5;
	v3 =	vadd.f32 v11, v3  }
0x12f: {  	v5 =	vld [tilespmem:s14+$0x7540];
	[tilespmem:s8+$0x12D80] =	vst v4;
	v2 =	vadd.f32 v12, v2  }
0x130: {  	v4 =	vld [tilespmem:s14+$0x85B0];
	[tilespmem:s8+$0x12D90] =	vst v3  }
0x131: {  	v3 =	vld [tilespmem:s14+$0x6D50];
	v8 =	vadd.f32 v10, v14;
	[tilespmem:s8+$0x12DA0] =	vst v2;
	s8 =	smov.u32 s14  }
0x132: {  	v2 =	vld [tilespmem:s8+$0x8DB0]  }
0x133: {  	v9 =	vld [tilespmem:s8+$0x7550];
	v6 =	vadd.f32 v6, v8  }
0x134: {  	v5 =	vadd.f32 v5, v7;
	v7 =	vld [tilespmem:s8+$0x95B0]  }
0x135: {  	v8 =	vld [tilespmem:s8+$0x6D60];
	v4 =	vadd.f32 v4, v6  }
0x136: {  	v6 =	vld [tilespmem:s8+$0x9DB0]  }
0x137: {  	v10 =	vld [tilespmem:s8+$0x7560];
	v2 =	vadd.f32 v2, v4  }
0x138: {  	v3 =	vadd.f32 v9, v3;
	v4 =	vld [tilespmem:s8+$0xA5B0]  }
0x139: {  	v9 =	vld [tilespmem:s8+$0x6D70];
	v2 =	vadd.f32 v7, v2  }
0x13a: {  	v7 =	vld [tilespmem:s8+$0xADB0]  }
0x13b: {  	v11 =	vld [tilespmem:s8+$0x7570];
	v2 =	vadd.f32 v6, v2  }
0x13c: {  	v6 =	vadd.f32 v10, v8;
	v8 =	vld [tilespmem:s8+$0xB5B0]  }
0x13d: {  	v10 =	vld [tilespmem:s8+$0x6D80];
	v2 =	vadd.f32 v4, v2  }
0x13e: {  	v4 =	vld [tilespmem:s8+$0xBDB0]  }
0x13f: {  	v12 =	vld [tilespmem:s8+$0x7580];
	v2 =	vadd.f32 v7, v2  }
0x140: {  	v7 =	vadd.f32 v11, v9;
	v9 =	vld [tilespmem:s8+$0xC5B0]  }
0x141: {  	v11 =	vld [tilespmem:s8+$0x6D90];
	v2 =	vadd.f32 v8, v2  }
0x142: {  	v8 =	vld [tilespmem:s8+$0x7590]  }
0x143: {  	v13 =	vld [tilespmem:s8+$0x6DA0];
	v2 =	vadd.f32 v4, v2  }
0x144: {  	v4 =	vadd.f32 v12, v10;
	v10 =	vld [tilespmem:s8+$0x75A0]  }
0x145: {  	v12 =	vld [tilespmem:s8+$0x7D40];
	v2 =	vadd.f32 v9, v2  }
0x146: {  	v9 =	vld [tilespmem:s8+$0x7D50]  }
0x147: {  	v14 =	vld [tilespmem:s8+$0x7D60];
	v8 =	vadd.f32 v8, v11;
	[tilespmem:s8+$0x12DB0] =	vst v2  }
0x148: {  	v2 =	vld [tilespmem:s8+$0x7D70]  }
0x149: {  	v11 =	vld [tilespmem:s8+$0x7D80];
	v10 =	vadd.f32 v10, v13  }
0x14a: {  	v5 =	vadd.f32 v12, v5;
	v12 =	vld [tilespmem:s8+$0x7D90]  }
0x14b: {  	v3 =	vadd.f32 v9, v3;
	v9 =	vld [tilespmem:s8+$0x7DA0]  }
0x14c: {  	v13 =	vld [tilespmem:s8+$0x8540];
	v6 =	vadd.f32 v14, v6  }
0x14d: {  	v14 =	vld [tilespmem:s8+$0x8550];
	v2 =	vadd.f32 v2, v7  }
0x14e: {  	v7 =	vld [tilespmem:s8+$0x8560];
	v4 =	vadd.f32 v11, v4  }
0x14f: {  	v11 =	vld [tilespmem:s8+$0x8570];
	v8 =	vadd.f32 v12, v8  }
0x150: {  	v12 =	vld [tilespmem:s8+$0x8580];
	v9 =	vadd.f32 v9, v10  }
0x151: {  	v5 =	vadd.f32 v13, v5;
	v10 =	vld [tilespmem:s8+$0x8590]  }
0x152: {  	v3 =	vadd.f32 v14, v3;
	v13 =	vld [tilespmem:s8+$0x85A0]  }
0x153: {  	v14 =	vld [tilespmem:s8+$0x8D40];
	v6 =	vadd.f32 v7, v6  }
0x154: {  	v7 =	vld [tilespmem:s8+$0x8D50];
	v2 =	vadd.f32 v11, v2  }
0x155: {  	v11 =	vld [tilespmem:s8+$0x8D60];
	v4 =	vadd.f32 v12, v4  }
0x156: {  	v12 =	vld [tilespmem:s8+$0x8D70];
	v8 =	vadd.f32 v10, v8  }
0x157: {  	v10 =	vld [tilespmem:s8+$0x8D80];
	v9 =	vadd.f32 v13, v9  }
0x158: {  	v5 =	vadd.f32 v14, v5;
	v13 =	vld [tilespmem:s8+$0x8D90]  }
0x159: {  	v3 =	vadd.f32 v7, v3;
	v7 =	vld [tilespmem:s8+$0x8DA0]  }
0x15a: {  	v14 =	vld [tilespmem:s8+$0x9540];
	v6 =	vadd.f32 v11, v6  }
0x15b: {  	v11 =	vld [tilespmem:s8+$0x9550];
	v2 =	vadd.f32 v12, v2  }
0x15c: {  	v12 =	vld [tilespmem:s8+$0x9560];
	v4 =	vadd.f32 v10, v4  }
0x15d: {  	v10 =	vld [tilespmem:s8+$0x9570];
	v8 =	vadd.f32 v13, v8  }
0x15e: {  	v13 =	vld [tilespmem:s8+$0x9580];
	v7 =	vadd.f32 v7, v9  }
0x15f: {  	v5 =	vadd.f32 v14, v5;
	v9 =	vld [tilespmem:s8+$0x9590]  }
0x160: {  	v3 =	vadd.f32 v11, v3;
	v11 =	vld [tilespmem:s8+$0x95A0]  }
0x161: {  	v14 =	vld [tilespmem:s8+$0x9D40];
	v6 =	vadd.f32 v12, v6  }
0x162: {  	v12 =	vld [tilespmem:s8+$0x9D50];
	v2 =	vadd.f32 v10, v2  }
0x163: {  	v10 =	vld [tilespmem:s8+$0x9D60];
	v4 =	vadd.f32 v13, v4  }
0x164: {  	v13 =	vld [tilespmem:s8+$0x9D70];
	v8 =	vadd.f32 v9, v8  }
0x165: {  	v9 =	vld [tilespmem:s8+$0x9D80];
	v7 =	vadd.f32 v11, v7  }
0x166: {  	v5 =	vadd.f32 v14, v5;
	v11 =	vld [tilespmem:s8+$0x9D90]  }
0x167: {  	v3 =	vadd.f32 v12, v3;
	v12 =	vld [tilespmem:s8+$0x9DA0]  }
0x168: {  	v14 =	vld [tilespmem:s8+$0xA540];
	v6 =	vadd.f32 v10, v6  }
0x169: {  	v10 =	vld [tilespmem:s8+$0xA550];
	v2 =	vadd.f32 v13, v2  }
0x16a: {  	v13 =	vld [tilespmem:s8+$0xA560];
	v4 =	vadd.f32 v9, v4  }
0x16b: {  	v9 =	vld [tilespmem:s8+$0xA570];
	v8 =	vadd.f32 v11, v8  }
0x16c: {  	v11 =	vld [tilespmem:s8+$0xA580];
	v7 =	vadd.f32 v12, v7  }
0x16d: {  	v5 =	vadd.f32 v14, v5;
	v12 =	vld [tilespmem:s8+$0xA590]  }
0x16e: {  	v3 =	vadd.f32 v10, v3;
	v10 =	vld [tilespmem:s8+$0xA5A0]  }
0x16f: {  	v14 =	vld [tilespmem:s8+$0xAD40];
	v6 =	vadd.f32 v13, v6  }
0x170: {  	v13 =	vld [tilespmem:s8+$0xAD50];
	v2 =	vadd.f32 v9, v2  }
0x171: {  	v9 =	vld [tilespmem:s8+$0xAD60];
	v4 =	vadd.f32 v11, v4  }
0x172: {  	v11 =	vld [tilespmem:s8+$0xAD70];
	v8 =	vadd.f32 v12, v8  }
0x173: {  	v12 =	vld [tilespmem:s8+$0xAD80];
	v7 =	vadd.f32 v10, v7  }
0x174: {  	v5 =	vadd.f32 v14, v5;
	v10 =	vld [tilespmem:s8+$0xAD90]  }
0x175: {  	v3 =	vadd.f32 v13, v3;
	v13 =	vld [tilespmem:s8+$0xADA0]  }
0x176: {  	v14 =	vld [tilespmem:s8+$0xB540];
	v6 =	vadd.f32 v9, v6  }
0x177: {  	v9 =	vld [tilespmem:s8+$0xB550];
	v2 =	vadd.f32 v11, v2  }
0x178: {  	v11 =	vld [tilespmem:s8+$0xB560];
	v4 =	vadd.f32 v12, v4  }
0x179: {  	v12 =	vld [tilespmem:s8+$0xB570];
	v8 =	vadd.f32 v10, v8  }
0x17a: {  	v10 =	vld [tilespmem:s8+$0xB580];
	v7 =	vadd.f32 v13, v7  }
0x17b: {  	v5 =	vadd.f32 v14, v5;
	v13 =	vld [tilespmem:s8+$0xB590]  }
0x17c: {  	v3 =	vadd.f32 v9, v3;
	v9 =	vld [tilespmem:s8+$0xB5A0]  }
0x17d: {  	v14 =	vld [tilespmem:s8+$0xBD40];
	v6 =	vadd.f32 v11, v6  }
0x17e: {  	v11 =	vld [tilespmem:s8+$0xBD50];
	v2 =	vadd.f32 v12, v2  }
0x17f: {  	v12 =	vld [tilespmem:s8+$0xBD60];
	v4 =	vadd.f32 v10, v4  }
0x180: {  	v10 =	vld [tilespmem:s8+$0xBD70];
	v13 =	vadd.f32 v13, v8  }
0x181: {  	v8 =	vld [tilespmem:s8+$0xBD80];
	v15 =	vadd.f32 v9, v7  }
0x182: {  	v14 =	vadd.f32 v14, v5;
	v9 =	vld [tilespmem:s8+$0xBD90]  }
0x183: {  	v7 =	vadd.f32 v11, v3;
	v11 =	vld [tilespmem:s8+$0xBDA0]  }
0x184: {  	v16 =	vld [tilespmem:s8+$0xC540];
	v6 =	vadd.f32 v12, v6  }
.Ltmp3:
0x185: {  	v12 =	vld [tilespmem:s8+$0xC550];
	v5 =	vadd.f32 v10, v2;
	(pc) =	sbr.rel @p0 .LBB2_9-.Ltmp3, $4  }
0x186: {  	v10 =	vld [tilespmem:s8+$0xC560];
	v4 =	vadd.f32 v8, v4  }
0x187: {  	v8 =	vld [tilespmem:s8+$0xC570];
	v3 =	vadd.f32 v9, v13  }
0x188: {  	v9 =	vld [tilespmem:s8+$0xC580];
	v2 =	vadd.f32 v11, v15  }
0x189: {  	s10 =	sadd.s32 $0x200, s10;
	v13 =	vadd.f32 v16, v14;
	v11 =	vld [tilespmem:s8+$0xC590]  }
0x18a: {  	v7 =	vadd.f32 v12, v7;
	v49 =	vld [tilespmem:s8+$0xC5A0]  }
0x18b: {  	[tilespmem:s8+$0x12D40] =	vst v13;
	v6 =	vadd.f32 v10, v6  }
0x18c: {  	[tilespmem:s8+$0x12D50] =	vst v7;
	v5 =	vadd.f32 v8, v5  }
0x18d: {  	[tilespmem:s8+$0x12D60] =	vst v6;
	v4 =	vadd.f32 v9, v4  }
0x18e: {  	s9 =	sshll.u32 s3, $0xC;
	[tilespmem:s8+$0x12D70] =	vst v5;
	v3 =	vadd.f32 v11, v3  }
0x18f: {  	s9 =	sadd.s32 s4, s9;
	[tilespmem:s8+$0x12D80] =	vst v4;
	v2 =	vadd.f32 v49, v2  }
0x190: {  	s9 =	sshrl.u32 s9, $0x3;
	[tilespmem:s8+$0x12D90] =	vst v3  }
0x191: {  	s18 =	simm.s32 $0x0;
	s14 =	sadd.s32 s2, s9;
	[tilespmem:s8+$0x12DA0] =	vst v2  }
0x192: {  	[hbm4b:s14+s18] =	stream.linear.scatter [tilespmem:s0], [sflag:$0x4], $0x800, $0x38;
	[tilespmem:$0x13540] =	vst v63  }
0x193: {  	_ =	swait.ge [sflag:s11], $0x800  }
0x194: {  	[sflag:s11] =	ssyncset.done $0x0  }
0x195: {  	[sflag:s11] =	ssyncadd.s32 $0xFFFFF800  }
0x196: {  	s10 =	simm.s32 $0x1;
	v7 =	vor.u32 s18, v1;
	v4 =	vld [tilespmem:s17+$0x0]  }
0x197: {  	v3 =	vadd.s32 v0, v7;
	v2 =	vor.u32 s10, v1;
	v8 =	vld [tilespmem:s17+$0xFFFFFFE0]  }
0x198: {  	v5 =	vand.u32 $0x1FFC, v3;
	s14 =	simm.s32 $0x2;
	v6 =	vadd.s32 v0, v2;
	s18 =	simm.s32 $0x3;
	v50 =	vld [tilespmem:s17+$0xFFFFFFD0]  }
0x199: {  	v5 =	vadd.s32 $0x19000, v5;
	v3 =	vor.u32 s14, v1;
	v52 =	vor.u32 s18, v1;
	v14 =	vld [tilespmem:s17+$0xFFFFFFF0]  }
0x19a: {  	v6 =	vand.u32 $0x1FFD, v6;
	v51 =	vadd.s32 v0, v3;
	v54 =	vadd.s32 v0, v52  }
0x19b: {  	v6 =	vadd.s32 $0x19000, v6;
	v10 =	vand.u32 $0x1FFE, v51;
	v13 =	vand.u32 $0x1FFF, v54  }
0x19c: {  	v10 =	vadd.s32 $0x19000, v10;
	v13 =	vadd.s32 $0x19000, v13;
	v53 =	vshll.u32 v4, $0x1  }
0x19d: {  	v15 =	vand.u32 $0xFFFFF000, v4;
	v16 =	vshrl.u32 v4, $0xB;
	vm0 =	veq.s32 v4, $0x0  }
0x19e: {  	v4 =	vshll.u32 v50, $0x1;
	v56 =	vshll.u32 v8, $0x1;
	v58 =	vshll.u32 v14, $0x1  }
0x19f: {  	v59 =	vand.u32 $0xFFFFF000, v50;
	v17 =	vshrl.u32 v50, $0xB;
	v18 =	vand.u32 $0xFFFFF000, v8  }
0x1a0: {  	v60 =	vshrl.u32 v8, $0xB;
	v61 =	vand.u32 $0xFFFFF000, v14;
	v62 =	vshrl.u32 v14, $0xB  }
0x1a1: {  	vm14 =	veq.s32 v50, $0x0;
	vm1 =	veq.s32 v8, $0x0;
	v12 =	vand.u32 $0xFFE, v53  }
0x1a2: {  	v55 =	vand.u32 $0x1, v16;
	v4 =	vand.u32 $0xFFE, v4;
	v57 =	vand.u32 $0xFFE, v56  }
0x1a3: {  	v17 =	vand.u32 $0x1, v17;
	v16 =	vand.u32 $0x1, v60;
	v63 =	vand.u32 $0x1, v62  }
0x1a4: {  	v12 =	vor.u32 v15, v12;
	v15 =	vand.u32 $0xFFE, v58;
	v4 =	vor.u32 v59, v4  }
0x1a5: {  	v12 =	vor.u32 v55, v12;
	v15 =	vor.u32 v61, v15;
	v4 =	vor.u32 v17, v4  }
0x1a6: {  	v12 =	vsel vm0, v13, v12;
	v13 =	vor.u32 v18, v57;
	v8 =	vor.u32 v63, v15  }
0x1a7: {  	s9 =	simm.s32 $0x4;
	s8 =	sadd.s32 $0x40, s17;
	vm15 =	veq.s32 v14, $0x0;
	v9 =	vsel vm14, v5, v4;
	v13 =	vor.u32 v16, v13;
	[tilespmem:v52+s19+$0x0] =	vst.idx.msk $0xfff, v12  }
0x1a8: {  	s10 =	simm.s32 $0x8;
	s18 =	simm.s32 $0x5;
	v4 =	vor.u32 s9, v1;
	v5 =	vld [tilespmem:s8+$0x0];
	[tilespmem:v7+s19+$0x0] =	vst.idx.msk $0xfff, v9;
	v7 =	vsel vm15, v10, v8;
	v6 =	vsel vm1, v6, v13  }
.LBB2_11:
0x1a9: {  	p0 =	slt.u32 s10, $0x1C;
	v8 =	vadd.s32 v0, v4;
	v9 =	vld [tilespmem:s8+$0xFFFFFFE0];
	s14 =	sadd.s32 $0x2, s9;
	[tilespmem:v2+s19+$0x0] =	vst.idx.msk $0xfff, v6;
	v2 =	vor.u32 s18, v1  }
0x1aa: {  	v6 =	vand.u32 $0x1FFC, v8;
	v8 =	vadd.s32 v0, v2;
	v10 =	vld [tilespmem:s8+$0xFFFFFFF0];
	[tilespmem:v3+s19+$0x0] =	vst.idx.msk $0xfff, v7;
	v3 =	vor.u32 s14, v1  }
0x1ab: {  	s14 =	sadd.s32 $0x3, s9;
	s9 =	smov.u32 s10;
	v7 =	vld [tilespmem:s8+$0xFFFFFFD0];
	v6 =	vadd.s32 $0x19000, v6;
	v8 =	vand.u32 $0x1FFD, v8;
	v11 =	vadd.s32 v0, v3  }
0x1ac: {  	v12 =	vor.u32 s14, v1;
	v8 =	vadd.s32 $0x19000, v8;
	v11 =	vand.u32 $0x1FFE, v11  }
0x1ad: {  	v14 =	vadd.s32 v0, v12;
	v11 =	vadd.s32 $0x19000, v11;
	v13 =	vshll.u32 v5, $0x1  }
0x1ae: {  	v15 =	vand.u32 $0xFFFFF000, v5;
	v16 =	vshrl.u32 v5, $0xB;
	v13 =	vand.u32 $0xFFE, v13  }
0x1af: {  	v14 =	vand.u32 $0x1FFF, v14;
	v13 =	vor.u32 v15, v13;
	v15 =	vand.u32 $0x1, v16  }
0x1b0: {  	vm0 =	veq.s32 v5, $0x0;
	v14 =	vadd.s32 $0x19000, v14;
	v13 =	vor.u32 v15, v13  }
0x1b1: {  	v5 =	vshll.u32 v7, $0x1;
	v15 =	vshll.u32 v9, $0x1;
	v13 =	vsel vm0, v14, v13  }
0x1b2: {  	v5 =	vand.u32 $0xFFE, v5;
	v14 =	vand.u32 $0xFFE, v15;
	v15 =	vshll.u32 v10, $0x1;
	[tilespmem:v12+s19+$0x0] =	vst.idx.msk $0xfff, v13  }
0x1b3: {  	v12 =	vand.u32 $0xFFFFF000, v7;
	v13 =	vshrl.u32 v7, $0xB;
	v15 =	vand.u32 $0xFFE, v15  }
0x1b4: {  	v17 =	vshrl.u32 v9, $0xB;
	v16 =	vand.u32 $0xFFFFF000, v9;
	v18 =	vand.u32 $0xFFFFF000, v10  }
0x1b5: {  	v5 =	vor.u32 v12, v5;
	v12 =	vor.u32 v16, v14;
	v14 =	vshrl.u32 v10, $0xB  }
.Ltmp4:
0x1b6: {  	v13 =	vand.u32 $0x1, v13;
	v16 =	vand.u32 $0x1, v17;
	v15 =	vor.u32 v18, v15;
	(pc) =	sbr.rel @p0 .LBB2_11-.Ltmp4, $4  }
0x1b7: {  	v5 =	vor.u32 v13, v5;
	v12 =	vor.u32 v16, v12;
	v13 =	vand.u32 $0x1, v14  }
0x1b8: {  	vm1 =	veq.s32 v9, $0x0;
	vm0 =	veq.s32 v7, $0x0;
	v7 =	vor.u32 v13, v15  }
0x1b9: {  	s8 =	sadd.s32 $0x40, s8;
	v9 =	vsel vm0, v6, v5;
	v6 =	vsel vm1, v8, v12;
	vm0 =	veq.s32 v10, $0x0  }
0x1ba: {  	s10 =	sadd.s32 $0x4, s10;
	s18 =	sadd.s32 $0x1, s9;
	v7 =	vsel vm0, v11, v7;
	v5 =	vld [tilespmem:s8+$0x0];
	[tilespmem:v4+s19+$0x0] =	vst.idx.msk $0xfff, v9;
	v4 =	vor.u32 s9, v1  }
0x1bb: {  	v8 =	vadd.s32 v0, v4;
	v9 =	vor.u32 s18, v1;
	s10 =	sadd.s32 $0x2, s9  }
0x1bc: {  	v12 =	vld [tilespmem:s8+$0xFFFFFFE0];
	s18 =	sadd.s32 $0x3, s9;
	v8 =	vand.u32 $0x1FFC, v8;
	v10 =	vadd.s32 v0, v9;
	v11 =	vor.u32 s10, v1  }
0x1bd: {  	v14 =	vld [tilespmem:s8+$0xFFFFFFD0];
	v15 =	vor.u32 s18, v1;
	v8 =	vadd.s32 $0x19000, v8;
	v13 =	vadd.s32 v0, v11  }
0x1be: {  	v16 =	vld [tilespmem:s8+$0xFFFFFFF0];
	v10 =	vand.u32 $0x1FFD, v10;
	v18 =	vadd.s32 v0, v15;
	v13 =	vand.u32 $0x1FFE, v13  }
0x1bf: {  	v10 =	vadd.s32 $0x19000, v10;
	v18 =	vand.u32 $0x1FFF, v18;
	v13 =	vadd.s32 $0x19000, v13  }
0x1c0: {  	v17 =	vshll.u32 v5, $0x1;
	v19 =	vand.u32 $0xFFFFF000, v5;
	v20 =	vshrl.u32 v5, $0xB  }
0x1c1: {  	v18 =	vadd.s32 $0x19000, v18;
	vm0 =	veq.s32 v5, $0x0;
	v17 =	vand.u32 $0xFFE, v17  }
0x1c2: {  	v56 =	vand.u32 $0x1, v20;
	v5 =	vshll.u32 v14, $0x1;
	v57 =	vshll.u32 v12, $0x1  }
0x1c3: {  	v59 =	vshll.u32 v16, $0x1;
	v60 =	vand.u32 $0xFFFFF000, v14;
	v21 =	vshrl.u32 v14, $0xB  }
0x1c4: {  	v22 =	vand.u32 $0xFFFFF000, v12;
	v23 =	vshrl.u32 v12, $0xB;
	v24 =	vand.u32 $0xFFFFF000, v16  }
0x1c5: {  	v61 =	vshrl.u32 v16, $0xB;
	vm14 =	veq.s32 v14, $0x0;
	vm1 =	veq.s32 v12, $0x0  }
0x1c6: {  	[tilespmem:v2+s19+$0x0] =	vst.idx.msk $0xfff, v6;
	v17 =	vor.u32 v19, v17;
	v5 =	vand.u32 $0xFFE, v5;
	v58 =	vand.u32 $0xFFE, v57  }
0x1c7: {  	[tilespmem:v3+s19+$0x0] =	vst.idx.msk $0xfff, v7;
	v19 =	vand.u32 $0xFFE, v59;
	v2 =	vand.u32 $0x1, v21;
	v6 =	vand.u32 $0x1, v23  }
0x1c8: {  	v17 =	vor.u32 v56, v17;
	v5 =	vor.u32 v60, v5;
	v19 =	vor.u32 v24, v19  }
0x1c9: {  	v17 =	vsel vm0, v18, v17;
	v18 =	vor.u32 v22, v58;
	v2 =	vor.u32 v2, v5  }
0x1ca: {  	v5 =	vand.u32 $0x1, v61;
	v3 =	vor.u32 v6, v18;
	[tilespmem:v15+s19+$0x0] =	vst.idx.msk $0xfff, v17;
	v2 =	vsel vm14, v8, v2  }
0x1cb: {  	vm15 =	veq.s32 v16, $0x0;
	v5 =	vor.u32 v5, v19;
	v3 =	vsel vm1, v10, v3;
	[tilespmem:v4+s19+$0x0] =	vst.idx.msk $0xfff, v2  }
0x1cc: {  	v2 =	vsel vm15, v13, v5;
	[tilespmem:v9+s19+$0x0] =	vst.idx.msk $0xfff, v3  }
0x1cd: {  	[tilespmem:v11+s19+$0x0] =	vst.idx.msk $0xfff, v2  }
0x1ce: {  	[tilespmem:s20], [sflag:$0x2] =	stream.indirect.gather [hbm4b:s6+s12], $0x40, s19, s12, $0xb8;
	[tilespmem:$0x13540] =	vst v63  }
0x1cf: {  	_ = 	snop  }
0x1d0: {  	[tilespmem:s22], [sflag:$0x2] =	stream.indirect.gather [hbm4b:s6+s12], $0x40, s21, s12, $0xb8;
	[tilespmem:$0x13540] =	vst v63  }
0x1d1: {  	_ = 	snop  }
0x1d2: {  	[tilespmem:s24], [sflag:$0x2] =	stream.indirect.gather [hbm4b:s6+s12], $0x40, s23, s12, $0xb8;
	[tilespmem:$0x13540] =	vst v63  }
0x1d3: {  	_ =	swait.ge [sflag:s13], $0x6000  }
0x1d4: {  	[sflag:s13] =	ssyncset.done $0x0  }
0x1d5: {  	s8 =	simm.s32 $0x0;
	[sflag:s13] =	ssyncadd.s32 $0xFFFFA000  }
0x1d6: {  	v2 =	vld [tilespmem:s8+$0xCDB0]  }
0x1d7: {  	v3 =	vld [tilespmem:s8+$0xD5B0]  }
0x1d8: {  	v4 =	vld [tilespmem:s8+$0xCD40]  }
0x1d9: {  	v5 =	vld [tilespmem:s8+$0xDDB0]  }
0x1da: {  	v6 =	vld [tilespmem:s8+$0xD540]  }
0x1db: {  	v7 =	vld [tilespmem:s8+$0xE5B0]  }
0x1dc: {  	v8 =	vld [tilespmem:s8+$0xCD50]  }
0x1dd: {  	v9 =	vld [tilespmem:s8+$0xD550]  }
0x1de: {  	v10 =	vld [tilespmem:s8+$0xCD60]  }
0x1df: {  	v11 =	vld [tilespmem:s8+$0xD560]  }
0x1e0: {  	v12 =	vld [tilespmem:s8+$0xCD70]  }
0x1e1: {  	v13 =	vld [tilespmem:s8+$0xD570]  }
0x1e2: {  	v14 =	vld [tilespmem:s8+$0xCD80]  }
0x1e3: {  	v15 =	vld [tilespmem:s8+$0xD580]  }
0x1e4: {  	v62 =	vld [tilespmem:s8+$0xCD90]  }
0x1e5: {  	v63 =	vld [tilespmem:s8+$0xCDA0]  }
0x1e6: {  	v52 =	vld [tilespmem:s8+$0xDD40]  }
0x1e7: {  	v53 =	vld [tilespmem:s8+$0xDD60]  }
0x1e8: {  	v54 =	vld [tilespmem:s8+$0xDD80]  }
0x1e9: {  	v55 =	vld [tilespmem:s8+$0xDD90]  }
0x1ea: {  	v56 =	vld [tilespmem:s8+$0xDDA0]  }
0x1eb: {  	v57 =	vld [tilespmem:s8+$0xE540]  }
0x1ec: {  	v58 =	vld [tilespmem:s8+$0xE550]  }
0x1ed: {  	v25 =	vld [tilespmem:s8+$0xE560]  }
0x1ee: {  	v26 =	vld [tilespmem:s8+$0xE570]  }
0x1ef: {  	v27 =	vld [tilespmem:s8+$0xE580]  }
0x1f0: {  	v28 =	vld [tilespmem:s8+$0xE590]  }
0x1f1: {  	v29 =	vld [tilespmem:s8+$0xE5A0]  }
0x1f2: {  	v30 =	vld [tilespmem:s8+$0xED40]  }
0x1f3: {  	v31 =	vld [tilespmem:s8+$0xED50]  }
0x1f4: {  	v32 =	vld [tilespmem:s8+$0xED60]  }
0x1f5: {  	v33 =	vld [tilespmem:s8+$0xED70]  }
0x1f6: {  	v34 =	vld [tilespmem:s8+$0xED80]  }
0x1f7: {  	v35 =	vld [tilespmem:s8+$0xED90]  }
0x1f8: {  	v36 =	vld [tilespmem:s8+$0xEDA0]  }
0x1f9: {  	v37 =	vld [tilespmem:s8+$0xF540]  }
0x1fa: {  	v38 =	vld [tilespmem:s8+$0xF550]  }
0x1fb: {  	v39 =	vld [tilespmem:s8+$0xF560]  }
0x1fc: {  	v40 =	vld [tilespmem:s8+$0xF570]  }
0x1fd: {  	v41 =	vld [tilespmem:s8+$0xF580]  }
0x1fe: {  	v42 =	vld [tilespmem:s8+$0xF590]  }
0x1ff: {  	v43 =	vld [tilespmem:s8+$0xF5A0]  }
0x200: {  	v44 =	vld [tilespmem:s8+$0xFD40]  }
0x201: {  	v45 =	vld [tilespmem:s8+$0xFD50]  }
0x202: {  	v46 =	vld [tilespmem:s8+$0xFD60]  }
0x203: {  	v47 =	vld [tilespmem:s8+$0xFD70]  }
0x204: {  	v48 =	vld [tilespmem:s8+$0xFD80]  }
0x205: {  	v59 =	vld [tilespmem:s8+$0x10590]  }
0x206: {  	v60 =	vld [tilespmem:s8+$0x105A0];
	v2 =	vadd.f32 v3, v2  }
0x207: {  	v3 =	vld [tilespmem:s8+$0xEDB0]  }
0x208: {  	v61 =	vld [tilespmem:s8+$0x10D40];
	v2 =	vadd.f32 v5, v2  }
0x209: {  	v5 =	vld [tilespmem:s8+$0xF5B0]  }
0x20a: {  	v49 =	vld [tilespmem:s8+$0x10D70];
	v4 =	vadd.f32 v6, v4;
	v2 =	vadd.f32 v7, v2  }
0x20b: {  	v7 =	vld [tilespmem:s8+$0xFDB0]  }
0x20c: {  	v50 =	vld [tilespmem:s8+$0x10D80];
	v4 =	vadd.f32 v52, v4;
	v2 =	vadd.f32 v3, v2  }
0x20d: {  	v8 =	vadd.f32 v9, v8;
	v3 =	vld [tilespmem:s8+$0x105B0]  }
0x20e: {  	v51 =	vld [tilespmem:s8+$0x10D90];
	v4 =	vadd.f32 v57, v4;
	v2 =	vadd.f32 v5, v2  }
0x20f: {  	v9 =	vadd.f32 v11, v10;
	v11 =	vadd.f32 v13, v12;
	v5 =	vld [tilespmem:s8+$0x10DB0]  }
0x210: {  	v13 =	vld [tilespmem:s8+$0x10540];
	v4 =	vadd.f32 v30, v4;
	v2 =	vadd.f32 v7, v2  }
0x211: {  	v7 =	vld [tilespmem:s8+$0x115B0]  }
0x212: {  	v6 =	vld [tilespmem:s8+$0xFD90];
	v4 =	vadd.f32 v37, v4;
	v2 =	vadd.f32 v3, v2  }
0x213: {  	v12 =	vadd.f32 v15, v14;
	v9 =	vadd.f32 v53, v9;
	v3 =	vld [tilespmem:s8+$0x11DB0]  }
0x214: {  	v53 =	vld [tilespmem:s8+$0x11540];
	v4 =	vadd.f32 v44, v4;
	v2 =	vadd.f32 v5, v2  }
0x215: {  	v12 =	vadd.f32 v54, v12;
	v9 =	vadd.f32 v25, v9;
	v5 =	vld [tilespmem:s8+$0x125B0]  }
0x216: {  	v4 =	vadd.f32 v13, v4;
	v13 =	vld [tilespmem:s8+$0x11D40];
	v2 =	vadd.f32 v7, v2  }
0x217: {  	v12 =	vadd.f32 v27, v12;
	v9 =	vadd.f32 v32, v9;
	v7 =	vld [tilespmem:s8+$0xD590]  }
0x218: {  	v4 =	vadd.f32 v61, v4;
	v61 =	vld [tilespmem:s8+$0x12540];
	v2 =	vadd.f32 v3, v2  }
0x219: {  	v12 =	vadd.f32 v34, v12;
	v3 =	vld [tilespmem:s8+$0xD5A0]  }
0x21a: {  	v9 =	vadd.f32 v39, v9;
	v2 =	vadd.f32 v5, v2;
	v5 =	vld [tilespmem:s8+$0xDD50]  }
0x21b: {  	v10 =	vld [tilespmem:s8+$0xFDA0];
	v12 =	vadd.f32 v41, v12;
	v4 =	vadd.f32 v53, v4  }
0x21c: {  	v9 =	vadd.f32 v46, v9;
	v7 =	vadd.f32 v7, v62;
	[tilespmem:s8+$0x12DB0] =	vst v2;
	v2 =	vld [tilespmem:s8+$0xDD70]  }
0x21d: {  	v14 =	vld [tilespmem:s8+$0x10550];
	v12 =	vadd.f32 v48, v12;
	v13 =	vadd.f32 v13, v4  }
0x21e: {  	v15 =	vld [tilespmem:s8+$0x10580];
	v3 =	vadd.f32 v3, v63;
	v7 =	vadd.f32 v55, v7  }
0x21f: {  	v52 =	vld [tilespmem:s8+$0x10DA0];
	v13 =	vadd.f32 v61, v13;
	v5 =	vadd.f32 v5, v8  }
0x220: {  	v8 =	vld [tilespmem:s8+$0x10560];
	v3 =	vadd.f32 v56, v3;
	v7 =	vadd.f32 v28, v7  }
0x221: {  	v54 =	vld [tilespmem:s8+$0x11550];
	v2 =	vadd.f32 v2, v11;
	v5 =	vadd.f32 v58, v5  }
0x222: {  	v63 =	vld [tilespmem:s8+$0x10D60];
	v3 =	vadd.f32 v29, v3;
	v7 =	vadd.f32 v35, v7  }
0x223: {  	v57 =	vld [tilespmem:s8+$0x11D70];
	v2 =	vadd.f32 v26, v2;
	v5 =	vadd.f32 v31, v5  }
0x224: {  	v62 =	vld [tilespmem:s8+$0x10D50];
	v3 =	vadd.f32 v36, v3;
	v7 =	vadd.f32 v42, v7  }
0x225: {  	v55 =	vld [tilespmem:s8+$0x11560];
	v8 =	vadd.f32 v8, v9;
	v2 =	vadd.f32 v33, v2  }
0x226: {  	v56 =	vld [tilespmem:s8+$0x11570];
	v5 =	vadd.f32 v38, v5;
	v3 =	vadd.f32 v43, v3  }
0x227: {  	v11 =	vld [tilespmem:s8+$0x10570];
	v6 =	vadd.f32 v6, v7;
	v8 =	vadd.f32 v63, v8  }
0x228: {  	v58 =	vld [tilespmem:s8+$0x11D80];
	v2 =	vadd.f32 v40, v2;
	v5 =	vadd.f32 v45, v5  }
0x229: {  	v3 =	vadd.f32 v10, v3;
	v10 =	vld [tilespmem:s8+$0x11590];
	v6 =	vadd.f32 v59, v6  }
0x22a: {  	v9 =	vld [tilespmem:s8+$0x115A0];
	v8 =	vadd.f32 v55, v8;
	v2 =	vadd.f32 v47, v2  }
0x22b: {  	v7 =	vld [tilespmem:s8+$0x11580];
	v5 =	vadd.f32 v14, v5;
	v3 =	vadd.f32 v60, v3  }
0x22c: {  	v59 =	vld [tilespmem:s8+$0x11D90];
	v6 =	vadd.f32 v51, v6;
	v2 =	vadd.f32 v11, v2  }
0x22d: {  	v11 =	vadd.f32 v15, v12;
	v5 =	vadd.f32 v62, v5;
	v15 =	vld [tilespmem:s8+$0x11D60]  }
0x22e: {  	v14 =	vld [tilespmem:s8+$0x11D50];
	v3 =	vadd.f32 v52, v3;
	v62 =	vadd.f32 v10, v6  }
0x22f: {  	v60 =	vld [tilespmem:s8+$0x11DA0];
	v2 =	vadd.f32 v49, v2;
	v11 =	vadd.f32 v50, v11  }
0x230: {  	v12 =	vld [tilespmem:s8+$0x12550];
	v5 =	vadd.f32 v54, v5;
	v63 =	vadd.f32 v9, v3  }
0x231: {  	v10 =	vld [tilespmem:s8+$0x12560];
	v3 =	vadd.f32 v59, v62;
	v2 =	vadd.f32 v56, v2  }
0x232: {  	v11 =	vadd.f32 v7, v11;
	v6 =	vadd.f32 v15, v8;
	v8 =	vld [tilespmem:s8+$0x12570]  }
0x233: {  	v9 =	vld [tilespmem:s8+$0x12580];
	v7 =	vadd.f32 v14, v5;
	v5 =	vadd.f32 v57, v2  }
0x234: {  	s9 =	simm.s32 $0x0;
	s10 =	simm.s32 $0x200;
	v4 =	vadd.f32 v58, v11;
	v2 =	vadd.f32 v60, v63;
	v11 =	vld [tilespmem:s8+$0x12590]  }
.LBB2_13:
0x235: {  	s14 =	sshra.s32 s10, $0x2;
	v7 =	vadd.f32 v12, v7;
	v12 =	vld [tilespmem:s8+$0x125A0]  }
0x236: {  	s9 =	sadd.s32 $0x2, s9;
	v14 =	vld [tilespmem:s14+$0xCDB0];
	[tilespmem:s8+$0x12D40] =	vst v13;
	v6 =	vadd.f32 v10, v6  }
0x237: {  	p0 =	slt.u32 s9, $0x1E;
	v10 =	vld [tilespmem:s14+$0xD5B0];
	[tilespmem:s8+$0x12D50] =	vst v7;
	v5 =	vadd.f32 v8, v5  }
0x238: {  	v7 =	vld [tilespmem:s14+$0xCD40];
	[tilespmem:s8+$0x12D60] =	vst v6;
	v4 =	vadd.f32 v9, v4  }
0x239: {  	v6 =	vld [tilespmem:s14+$0xDDB0];
	[tilespmem:s8+$0x12D70] =	vst v5;
	v3 =	vadd.f32 v11, v3  }
0x23a: {  	v5 =	vld [tilespmem:s14+$0xD540];
	[tilespmem:s8+$0x12D80] =	vst v4;
	v2 =	vadd.f32 v12, v2  }
0x23b: {  	v4 =	vld [tilespmem:s14+$0xE5B0];
	[tilespmem:s8+$0x12D90] =	vst v3  }
0x23c: {  	v3 =	vld [tilespmem:s14+$0xCD50];
	v8 =	vadd.f32 v10, v14;
	[tilespmem:s8+$0x12DA0] =	vst v2;
	s8 =	smov.u32 s14  }
0x23d: {  	v2 =	vld [tilespmem:s8+$0xEDB0]  }
0x23e: {  	v9 =	vld [tilespmem:s8+$0xD550];
	v6 =	vadd.f32 v6, v8  }
0x23f: {  	v5 =	vadd.f32 v5, v7;
	v7 =	vld [tilespmem:s8+$0xF5B0]  }
0x240: {  	v8 =	vld [tilespmem:s8+$0xCD60];
	v4 =	vadd.f32 v4, v6  }
0x241: {  	v6 =	vld [tilespmem:s8+$0xFDB0]  }
0x242: {  	v10 =	vld [tilespmem:s8+$0xD560];
	v2 =	vadd.f32 v2, v4  }
0x243: {  	v3 =	vadd.f32 v9, v3;
	v4 =	vld [tilespmem:s8+$0x105B0]  }
0x244: {  	v9 =	vld [tilespmem:s8+$0xCD70];
	v2 =	vadd.f32 v7, v2  }
0x245: {  	v7 =	vld [tilespmem:s8+$0x10DB0]  }
0x246: {  	v11 =	vld [tilespmem:s8+$0xD570];
	v2 =	vadd.f32 v6, v2  }
0x247: {  	v6 =	vadd.f32 v10, v8;
	v8 =	vld [tilespmem:s8+$0x115B0]  }
0x248: {  	v10 =	vld [tilespmem:s8+$0xCD80];
	v2 =	vadd.f32 v4, v2  }
0x249: {  	v4 =	vld [tilespmem:s8+$0x11DB0]  }
0x24a: {  	v12 =	vld [tilespmem:s8+$0xD580];
	v2 =	vadd.f32 v7, v2  }
0x24b: {  	v7 =	vadd.f32 v11, v9;
	v9 =	vld [tilespmem:s8+$0x125B0]  }
0x24c: {  	v11 =	vld [tilespmem:s8+$0xCD90];
	v2 =	vadd.f32 v8, v2  }
0x24d: {  	v8 =	vld [tilespmem:s8+$0xD590]  }
0x24e: {  	v13 =	vld [tilespmem:s8+$0xCDA0];
	v2 =	vadd.f32 v4, v2  }
0x24f: {  	v4 =	vadd.f32 v12, v10;
	v10 =	vld [tilespmem:s8+$0xD5A0]  }
0x250: {  	v12 =	vld [tilespmem:s8+$0xDD40];
	v2 =	vadd.f32 v9, v2  }
0x251: {  	v9 =	vld [tilespmem:s8+$0xDD50]  }
0x252: {  	v14 =	vld [tilespmem:s8+$0xDD60];
	v8 =	vadd.f32 v8, v11;
	[tilespmem:s8+$0x12DB0] =	vst v2  }
0x253: {  	v2 =	vld [tilespmem:s8+$0xDD70]  }
0x254: {  	v11 =	vld [tilespmem:s8+$0xDD80];
	v10 =	vadd.f32 v10, v13  }
0x255: {  	v5 =	vadd.f32 v12, v5;
	v12 =	vld [tilespmem:s8+$0xDD90]  }
0x256: {  	v3 =	vadd.f32 v9, v3;
	v9 =	vld [tilespmem:s8+$0xDDA0]  }
0x257: {  	v13 =	vld [tilespmem:s8+$0xE540];
	v6 =	vadd.f32 v14, v6  }
0x258: {  	v14 =	vld [tilespmem:s8+$0xE550];
	v2 =	vadd.f32 v2, v7  }
0x259: {  	v7 =	vld [tilespmem:s8+$0xE560];
	v4 =	vadd.f32 v11, v4  }
0x25a: {  	v11 =	vld [tilespmem:s8+$0xE570];
	v8 =	vadd.f32 v12, v8  }
0x25b: {  	v12 =	vld [tilespmem:s8+$0xE580];
	v9 =	vadd.f32 v9, v10  }
0x25c: {  	v5 =	vadd.f32 v13, v5;
	v10 =	vld [tilespmem:s8+$0xE590]  }
0x25d: {  	v3 =	vadd.f32 v14, v3;
	v13 =	vld [tilespmem:s8+$0xE5A0]  }
0x25e: {  	v14 =	vld [tilespmem:s8+$0xED40];
	v6 =	vadd.f32 v7, v6  }
0x25f: {  	v7 =	vld [tilespmem:s8+$0xED50];
	v2 =	vadd.f32 v11, v2  }
0x260: {  	v11 =	vld [tilespmem:s8+$0xED60];
	v4 =	vadd.f32 v12, v4  }
0x261: {  	v12 =	vld [tilespmem:s8+$0xED70];
	v8 =	vadd.f32 v10, v8  }
0x262: {  	v10 =	vld [tilespmem:s8+$0xED80];
	v9 =	vadd.f32 v13, v9  }
0x263: {  	v5 =	vadd.f32 v14, v5;
	v13 =	vld [tilespmem:s8+$0xED90]  }
0x264: {  	v3 =	vadd.f32 v7, v3;
	v7 =	vld [tilespmem:s8+$0xEDA0]  }
0x265: {  	v14 =	vld [tilespmem:s8+$0xF540];
	v6 =	vadd.f32 v11, v6  }
0x266: {  	v11 =	vld [tilespmem:s8+$0xF550];
	v2 =	vadd.f32 v12, v2  }
0x267: {  	v12 =	vld [tilespmem:s8+$0xF560];
	v4 =	vadd.f32 v10, v4  }
0x268: {  	v10 =	vld [tilespmem:s8+$0xF570];
	v8 =	vadd.f32 v13, v8  }
0x269: {  	v13 =	vld [tilespmem:s8+$0xF580];
	v7 =	vadd.f32 v7, v9  }
0x26a: {  	v5 =	vadd.f32 v14, v5;
	v9 =	vld [tilespmem:s8+$0xF590]  }
0x26b: {  	v3 =	vadd.f32 v11, v3;
	v11 =	vld [tilespmem:s8+$0xF5A0]  }
0x26c: {  	v14 =	vld [tilespmem:s8+$0xFD40];
	v6 =	vadd.f32 v12, v6  }
0x26d: {  	v12 =	vld [tilespmem:s8+$0xFD50];
	v2 =	vadd.f32 v10, v2  }
0x26e: {  	v10 =	vld [tilespmem:s8+$0xFD60];
	v4 =	vadd.f32 v13, v4  }
0x26f: {  	v13 =	vld [tilespmem:s8+$0xFD70];
	v8 =	vadd.f32 v9, v8  }
0x270: {  	v9 =	vld [tilespmem:s8+$0xFD80];
	v7 =	vadd.f32 v11, v7  }
0x271: {  	v5 =	vadd.f32 v14, v5;
	v11 =	vld [tilespmem:s8+$0xFD90]  }
0x272: {  	v3 =	vadd.f32 v12, v3;
	v12 =	vld [tilespmem:s8+$0xFDA0]  }
0x273: {  	v14 =	vld [tilespmem:s8+$0x10540];
	v6 =	vadd.f32 v10, v6  }
0x274: {  	v10 =	vld [tilespmem:s8+$0x10550];
	v2 =	vadd.f32 v13, v2  }
0x275: {  	v13 =	vld [tilespmem:s8+$0x10560];
	v4 =	vadd.f32 v9, v4  }
0x276: {  	v9 =	vld [tilespmem:s8+$0x10570];
	v8 =	vadd.f32 v11, v8  }
0x277: {  	v11 =	vld [tilespmem:s8+$0x10580];
	v7 =	vadd.f32 v12, v7  }
0x278: {  	v5 =	vadd.f32 v14, v5;
	v12 =	vld [tilespmem:s8+$0x10590]  }
0x279: {  	v3 =	vadd.f32 v10, v3;
	v10 =	vld [tilespmem:s8+$0x105A0]  }
0x27a: {  	v14 =	vld [tilespmem:s8+$0x10D40];
	v6 =	vadd.f32 v13, v6  }
0x27b: {  	v13 =	vld [tilespmem:s8+$0x10D50];
	v2 =	vadd.f32 v9, v2  }
0x27c: {  	v9 =	vld [tilespmem:s8+$0x10D60];
	v4 =	vadd.f32 v11, v4  }
0x27d: {  	v11 =	vld [tilespmem:s8+$0x10D70];
	v8 =	vadd.f32 v12, v8  }
0x27e: {  	v12 =	vld [tilespmem:s8+$0x10D80];
	v7 =	vadd.f32 v10, v7  }
0x27f: {  	v5 =	vadd.f32 v14, v5;
	v10 =	vld [tilespmem:s8+$0x10D90]  }
0x280: {  	v3 =	vadd.f32 v13, v3;
	v13 =	vld [tilespmem:s8+$0x10DA0]  }
0x281: {  	v14 =	vld [tilespmem:s8+$0x11540];
	v6 =	vadd.f32 v9, v6  }
0x282: {  	v9 =	vld [tilespmem:s8+$0x11550];
	v2 =	vadd.f32 v11, v2  }
0x283: {  	v11 =	vld [tilespmem:s8+$0x11560];
	v4 =	vadd.f32 v12, v4  }
0x284: {  	v12 =	vld [tilespmem:s8+$0x11570];
	v8 =	vadd.f32 v10, v8  }
0x285: {  	v10 =	vld [tilespmem:s8+$0x11580];
	v7 =	vadd.f32 v13, v7  }
0x286: {  	v5 =	vadd.f32 v14, v5;
	v13 =	vld [tilespmem:s8+$0x11590]  }
0x287: {  	v3 =	vadd.f32 v9, v3;
	v9 =	vld [tilespmem:s8+$0x115A0]  }
0x288: {  	v14 =	vld [tilespmem:s8+$0x11D40];
	v6 =	vadd.f32 v11, v6  }
0x289: {  	v11 =	vld [tilespmem:s8+$0x11D50];
	v2 =	vadd.f32 v12, v2  }
0x28a: {  	v12 =	vld [tilespmem:s8+$0x11D60];
	v4 =	vadd.f32 v10, v4  }
0x28b: {  	v10 =	vld [tilespmem:s8+$0x11D70];
	v13 =	vadd.f32 v13, v8  }
0x28c: {  	v8 =	vld [tilespmem:s8+$0x11D80];
	v15 =	vadd.f32 v9, v7  }
0x28d: {  	v14 =	vadd.f32 v14, v5;
	v9 =	vld [tilespmem:s8+$0x11D90]  }
0x28e: {  	v7 =	vadd.f32 v11, v3;
	v11 =	vld [tilespmem:s8+$0x11DA0]  }
0x28f: {  	v16 =	vld [tilespmem:s8+$0x12540];
	v6 =	vadd.f32 v12, v6  }
.Ltmp5:
0x290: {  	v12 =	vld [tilespmem:s8+$0x12550];
	v5 =	vadd.f32 v10, v2;
	(pc) =	sbr.rel @p0 .LBB2_13-.Ltmp5, $4  }
0x291: {  	v10 =	vld [tilespmem:s8+$0x12560];
	v4 =	vadd.f32 v8, v4  }
0x292: {  	v8 =	vld [tilespmem:s8+$0x12570];
	v3 =	vadd.f32 v9, v13  }
0x293: {  	v9 =	vld [tilespmem:s8+$0x12580];
	v2 =	vadd.f32 v11, v15  }
0x294: {  	s10 =	sadd.s32 $0x200, s10;
	v13 =	vadd.f32 v16, v14;
	v11 =	vld [tilespmem:s8+$0x12590]  }
0x295: {  	v7 =	vadd.f32 v12, v7;
	v63 =	vld [tilespmem:s8+$0x125A0]  }
0x296: {  	[tilespmem:s8+$0x12D40] =	vst v13;
	v6 =	vadd.f32 v10, v6  }
0x297: {  	[tilespmem:s8+$0x12D50] =	vst v7;
	v5 =	vadd.f32 v8, v5  }
0x298: {  	[tilespmem:s8+$0x12D60] =	vst v6;
	v4 =	vadd.f32 v9, v4  }
0x299: {  	s7 =	sshll.u32 s7, $0xB;
	[tilespmem:s8+$0x12D70] =	vst v5;
	v3 =	vadd.f32 v11, v3  }
0x29a: {  	s3 =	sadd.s32 $0x1, s3;
	s7 =	sadd.s32 s4, s7;
	[tilespmem:s8+$0x12D80] =	vst v4;
	v2 =	vadd.f32 v63, v2  }
0x29b: {  	p0 =	sne.s32 s3, $0x18;
	s7 =	sshrl.u32 s7, $0x3;
	[tilespmem:s8+$0x12D90] =	vst v3  }
.Ltmp6:
0x29c: {  	s18 =	sadd.s32 s2, s7;
	s7 =	simm.s32 $0x0;
	[tilespmem:s8+$0x12DA0] =	vst v2;
	(pc) =	sbr.rel @p0 .LBB2_6-.Ltmp6, $4  }
0x29d: {  	[hbm4b:s18+s7] =	stream.linear.scatter [tilespmem:s0], [sflag:$0x4], $0x800, $0x38;
	[tilespmem:$0x13540] =	vst v63  }
0x29e: {  	_ =	swait.ge [sflag:s11], $0x800  }
0x29f: {  	[sflag:s11] =	ssyncset.done $0x0  }
0x2a0: {  	s16 =	sadd.s32 $0x400, s16;
	s17 =	sadd.s32 $0x400, s17;
	[sflag:s11] =	ssyncadd.s32 $0xFFFFF800  }
0x2a1: {  	s3 =	simm.s32 $0x6870  }
0x2a2: {  	v7 =	vor.u32 s7, v1;
	v4 =	vld [tilespmem:s3+$0x0]  }
0x2a3: {  	s16 =	simm.s32 $0x1;
	s18 =	simm.s32 $0x3;
	v3 =	vadd.s32 v0, v7;
	v8 =	vld [tilespmem:s3+$0xFFFFFFE0]  }
0x2a4: {  	s17 =	simm.s32 $0x2;
	v2 =	vor.u32 s16, v1;
	v9 =	vld [tilespmem:s3+$0xFFFFFFD0];
	v11 =	vor.u32 s18, v1;
	v5 =	vand.u32 $0x1FFC, v3  }
0x2a5: {  	v14 =	vld [tilespmem:s3+$0xFFFFFFF0];
	v6 =	vadd.s32 v0, v2;
	v3 =	vor.u32 s17, v1;
	v13 =	vadd.s32 v0, v11  }
0x2a6: {  	v5 =	vadd.s32 $0x19000, v5;
	v6 =	vand.u32 $0x1FFD, v6;
	v10 =	vadd.s32 v0, v3  }
0x2a7: {  	v13 =	vand.u32 $0x1FFF, v13;
	v6 =	vadd.s32 $0x19000, v6;
	v10 =	vand.u32 $0x1FFE, v10  }
0x2a8: {  	v13 =	vadd.s32 $0x19000, v13;
	v10 =	vadd.s32 $0x19000, v10;
	v12 =	vshll.u32 v4, $0x1  }
0x2a9: {  	v15 =	vand.u32 $0xFFFFF000, v4;
	v16 =	vshrl.u32 v4, $0xB;
	vm0 =	veq.s32 v4, $0x0  }
0x2aa: {  	v4 =	vshll.u32 v9, $0x1;
	v56 =	vshll.u32 v8, $0x1;
	v58 =	vshll.u32 v14, $0x1  }
0x2ab: {  	v59 =	vand.u32 $0xFFFFF000, v9;
	v17 =	vshrl.u32 v9, $0xB;
	v18 =	vand.u32 $0xFFFFF000, v8  }
0x2ac: {  	v60 =	vshrl.u32 v8, $0xB;
	v61 =	vand.u32 $0xFFFFF000, v14;
	v62 =	vshrl.u32 v14, $0xB  }
0x2ad: {  	vm14 =	veq.s32 v9, $0x0;
	vm1 =	veq.s32 v8, $0x0;
	v12 =	vand.u32 $0xFFE, v12  }
0x2ae: {  	v55 =	vand.u32 $0x1, v16;
	v4 =	vand.u32 $0xFFE, v4;
	v57 =	vand.u32 $0xFFE, v56  }
0x2af: {  	v17 =	vand.u32 $0x1, v17;
	v16 =	vand.u32 $0x1, v60;
	v63 =	vand.u32 $0x1, v62  }
0x2b0: {  	v12 =	vor.u32 v15, v12;
	v15 =	vand.u32 $0xFFE, v58;
	v4 =	vor.u32 v59, v4  }
0x2b1: {  	v12 =	vor.u32 v55, v12;
	v15 =	vor.u32 v61, v15;
	v4 =	vor.u32 v17, v4  }
0x2b2: {  	v12 =	vsel vm0, v13, v12;
	v13 =	vor.u32 v18, v57;
	v8 =	vor.u32 v63, v15  }
0x2b3: {  	s7 =	simm.s32 $0x4;
	s3 =	simm.s32 $0x68B0;
	vm15 =	veq.s32 v14, $0x0;
	v9 =	vsel vm14, v5, v4;
	v13 =	vor.u32 v16, v13;
	[tilespmem:v11+s25+$0x0] =	vst.idx.msk $0xfff, v12  }
0x2b4: {  	s9 =	simm.s32 $0x5;
	s8 =	simm.s32 $0x8;
	v4 =	vor.u32 s7, v1;
	v5 =	vld [tilespmem:s3+$0x0];
	[tilespmem:v7+s25+$0x0] =	vst.idx.msk $0xfff, v9;
	v7 =	vsel vm15, v10, v8;
	v6 =	vsel vm1, v6, v13  }
.LBB2_16:
0x2b5: {  	p0 =	slt.u32 s8, $0x1C;
	v8 =	vadd.s32 v0, v4;
	v9 =	vld [tilespmem:s3+$0xFFFFFFE0];
	s10 =	sadd.s32 $0x2, s7;
	[tilespmem:v2+s25+$0x0] =	vst.idx.msk $0xfff, v6;
	v2 =	vor.u32 s9, v1  }
0x2b6: {  	v6 =	vand.u32 $0x1FFC, v8;
	v8 =	vadd.s32 v0, v2;
	v10 =	vld [tilespmem:s3+$0xFFFFFFF0];
	[tilespmem:v3+s25+$0x0] =	vst.idx.msk $0xfff, v7;
	v3 =	vor.u32 s10, v1  }
0x2b7: {  	s9 =	sadd.s32 $0x3, s7;
	s7 =	smov.u32 s8;
	v7 =	vld [tilespmem:s3+$0xFFFFFFD0];
	v6 =	vadd.s32 $0x19000, v6;
	v8 =	vand.u32 $0x1FFD, v8;
	v11 =	vadd.s32 v0, v3  }
0x2b8: {  	v12 =	vor.u32 s9, v1;
	v8 =	vadd.s32 $0x19000, v8;
	v11 =	vand.u32 $0x1FFE, v11  }
0x2b9: {  	v14 =	vadd.s32 v0, v12;
	v11 =	vadd.s32 $0x19000, v11;
	v13 =	vshll.u32 v5, $0x1  }
0x2ba: {  	v15 =	vand.u32 $0xFFFFF000, v5;
	v16 =	vshrl.u32 v5, $0xB;
	v13 =	vand.u32 $0xFFE, v13  }
0x2bb: {  	v14 =	vand.u32 $0x1FFF, v14;
	v13 =	vor.u32 v15, v13;
	v15 =	vand.u32 $0x1, v16  }
0x2bc: {  	v14 =	vadd.s32 $0x19000, v14;
	vm0 =	veq.s32 v5, $0x0;
	v13 =	vor.u32 v15, v13  }
0x2bd: {  	v5 =	vshll.u32 v7, $0x1;
	v15 =	vshll.u32 v9, $0x1;
	v13 =	vsel vm0, v14, v13  }
0x2be: {  	v5 =	vand.u32 $0xFFE, v5;
	v14 =	vand.u32 $0xFFE, v15;
	v15 =	vshll.u32 v10, $0x1;
	[tilespmem:v12+s25+$0x0] =	vst.idx.msk $0xfff, v13  }
0x2bf: {  	v12 =	vand.u32 $0xFFFFF000, v7;
	v13 =	vshrl.u32 v7, $0xB;
	v15 =	vand.u32 $0xFFE, v15  }
0x2c0: {  	v17 =	vshrl.u32 v9, $0xB;
	v16 =	vand.u32 $0xFFFFF000, v9;
	v18 =	vand.u32 $0xFFFFF000, v10  }
0x2c1: {  	v5 =	vor.u32 v12, v5;
	v12 =	vor.u32 v16, v14;
	v14 =	vshrl.u32 v10, $0xB  }
.Ltmp7:
0x2c2: {  	v13 =	vand.u32 $0x1, v13;
	v16 =	vand.u32 $0x1, v17;
	v15 =	vor.u32 v18, v15;
	(pc) =	sbr.rel @p0 .LBB2_16-.Ltmp7, $4  }
0x2c3: {  	v5 =	vor.u32 v13, v5;
	v12 =	vor.u32 v16, v12;
	v13 =	vand.u32 $0x1, v14  }
0x2c4: {  	vm1 =	veq.s32 v9, $0x0;
	vm0 =	veq.s32 v7, $0x0;
	v7 =	vor.u32 v13, v15  }
0x2c5: {  	s3 =	sadd.s32 $0x40, s3;
	v9 =	vsel vm0, v6, v5;
	v6 =	vsel vm1, v8, v12;
	vm0 =	veq.s32 v10, $0x0  }
0x2c6: {  	s8 =	sadd.s32 $0x4, s8;
	s9 =	sadd.s32 $0x1, s7;
	v7 =	vsel vm0, v11, v7;
	v5 =	vld [tilespmem:s3+$0x0];
	[tilespmem:v4+s25+$0x0] =	vst.idx.msk $0xfff, v9;
	v4 =	vor.u32 s7, v1  }
0x2c7: {  	v8 =	vadd.s32 v0, v4;
	v9 =	vor.u32 s9, v1;
	s8 =	sadd.s32 $0x2, s7  }
0x2c8: {  	v12 =	vld [tilespmem:s3+$0xFFFFFFE0];
	s18 =	sadd.s32 $0x3, s7;
	v8 =	vand.u32 $0x1FFC, v8;
	v10 =	vadd.s32 v0, v9;
	v11 =	vor.u32 s8, v1  }
0x2c9: {  	v14 =	vld [tilespmem:s3+$0xFFFFFFD0];
	v15 =	vor.u32 s18, v1;
	v8 =	vadd.s32 $0x19000, v8;
	v13 =	vadd.s32 v0, v11  }
0x2ca: {  	v16 =	vld [tilespmem:s3+$0xFFFFFFF0];
	v10 =	vand.u32 $0x1FFD, v10;
	v18 =	vadd.s32 v0, v15;
	v13 =	vand.u32 $0x1FFE, v13  }
0x2cb: {  	v10 =	vadd.s32 $0x19000, v10;
	v18 =	vand.u32 $0x1FFF, v18;
	v13 =	vadd.s32 $0x19000, v13  }
0x2cc: {  	v17 =	vshll.u32 v5, $0x1;
	v19 =	vand.u32 $0xFFFFF000, v5;
	v20 =	vshrl.u32 v5, $0xB  }
0x2cd: {  	v18 =	vadd.s32 $0x19000, v18;
	vm0 =	veq.s32 v5, $0x0;
	v17 =	vand.u32 $0xFFE, v17  }
0x2ce: {  	v57 =	vand.u32 $0x1, v20;
	v5 =	vshll.u32 v14, $0x1;
	v58 =	vshll.u32 v12, $0x1  }
0x2cf: {  	v60 =	vshll.u32 v16, $0x1;
	v61 =	vand.u32 $0xFFFFF000, v14;
	v21 =	vshrl.u32 v14, $0xB  }
0x2d0: {  	v22 =	vand.u32 $0xFFFFF000, v12;
	v23 =	vshrl.u32 v12, $0xB;
	v24 =	vand.u32 $0xFFFFF000, v16  }
0x2d1: {  	v62 =	vshrl.u32 v16, $0xB;
	vm14 =	veq.s32 v14, $0x0;
	vm1 =	veq.s32 v12, $0x0  }
0x2d2: {  	[tilespmem:v2+s25+$0x0] =	vst.idx.msk $0xfff, v6;
	v17 =	vor.u32 v19, v17;
	v5 =	vand.u32 $0xFFE, v5;
	v59 =	vand.u32 $0xFFE, v58  }
0x2d3: {  	[tilespmem:v3+s25+$0x0] =	vst.idx.msk $0xfff, v7;
	v19 =	vand.u32 $0xFFE, v60;
	v2 =	vand.u32 $0x1, v21;
	v6 =	vand.u32 $0x1, v23  }
0x2d4: {  	v17 =	vor.u32 v57, v17;
	v5 =	vor.u32 v61, v5;
	v19 =	vor.u32 v24, v19  }
0x2d5: {  	v17 =	vsel vm0, v18, v17;
	v18 =	vor.u32 v22, v59;
	v2 =	vor.u32 v2, v5  }
0x2d6: {  	v5 =	vand.u32 $0x1, v62;
	v3 =	vor.u32 v6, v18;
	[tilespmem:v15+s25+$0x0] =	vst.idx.msk $0xfff, v17;
	v2 =	vsel vm14, v8, v2  }
0x2d7: {  	vm15 =	veq.s32 v16, $0x0;
	v5 =	vor.u32 v5, v19;
	v3 =	vsel vm1, v10, v3;
	[tilespmem:v4+s25+$0x0] =	vst.idx.msk $0xfff, v2  }
0x2d8: {  	v2 =	vsel vm15, v13, v5;
	[tilespmem:v9+s25+$0x0] =	vst.idx.msk $0xfff, v3  }
0x2d9: {  	[tilespmem:v11+s25+$0x0] =	vst.idx.msk $0xfff, v2  }
0x2da: {  	[tilespmem:s26], [sflag:$0x3] =	stream.indirect.gather [hbm4b:s6+s12], $0x40, s25, s12, $0xb8;
	[tilespmem:$0x13540] =	vst v63  }
0x2db: {  	_ = 	snop  }
0x2dc: {  	[tilespmem:s29], [sflag:$0x3] =	stream.indirect.gather [hbm4b:s6+s12], $0x40, s28, s12, $0xb8;
	[tilespmem:$0x13540] =	vst v63  }
0x2dd: {  	_ = 	snop  }
0x2de: {  	[tilespmem:s31], [sflag:$0x3] =	stream.indirect.gather [hbm4b:s6+s12], $0x40, s30, s12, $0xb8;
	[tilespmem:$0x13540] =	vst v63  }
0x2df: {  	_ =	swait.ge [sflag:s1], $0x6000  }
0x2e0: {  	[sflag:s1] =	ssyncset.done $0x0  }
0x2e1: {  	s3 =	simm.s32 $0x0;
	[sflag:s1] =	ssyncadd.s32 $0xFFFFA000  }
0x2e2: {  	v2 =	vld [tilespmem:s3+$0x6DB0]  }
0x2e3: {  	v3 =	vld [tilespmem:s3+$0x75B0]  }
0x2e4: {  	v4 =	vld [tilespmem:s3+$0x6D40]  }
0x2e5: {  	v5 =	vld [tilespmem:s3+$0x7DB0]  }
0x2e6: {  	v6 =	vld [tilespmem:s3+$0x7540]  }
0x2e7: {  	v7 =	vld [tilespmem:s3+$0x85B0]  }
0x2e8: {  	v8 =	vld [tilespmem:s3+$0x6D50]  }
0x2e9: {  	v9 =	vld [tilespmem:s3+$0x7550]  }
0x2ea: {  	v10 =	vld [tilespmem:s3+$0x6D60]  }
0x2eb: {  	v11 =	vld [tilespmem:s3+$0x7560]  }
0x2ec: {  	v12 =	vld [tilespmem:s3+$0x6D70]  }
0x2ed: {  	v13 =	vld [tilespmem:s3+$0x7570]  }
0x2ee: {  	v14 =	vld [tilespmem:s3+$0x6D80]  }
0x2ef: {  	v15 =	vld [tilespmem:s3+$0x7580]  }
0x2f0: {  	v63 =	vld [tilespmem:s3+$0x6D90]  }
0x2f1: {  	v52 =	vld [tilespmem:s3+$0x6DA0]  }
0x2f2: {  	v53 =	vld [tilespmem:s3+$0x7D40]  }
0x2f3: {  	v54 =	vld [tilespmem:s3+$0x7D60]  }
0x2f4: {  	v55 =	vld [tilespmem:s3+$0x7D80]  }
0x2f5: {  	v56 =	vld [tilespmem:s3+$0x7D90]  }
0x2f6: {  	v57 =	vld [tilespmem:s3+$0x7DA0]  }
0x2f7: {  	v58 =	vld [tilespmem:s3+$0x8540]  }
0x2f8: {  	v59 =	vld [tilespmem:s3+$0x8550]  }
0x2f9: {  	v25 =	vld [tilespmem:s3+$0x8560]  }
0x2fa: {  	v26 =	vld [tilespmem:s3+$0x8570]  }
0x2fb: {  	v27 =	vld [tilespmem:s3+$0x8580]  }
0x2fc: {  	v28 =	vld [tilespmem:s3+$0x8590]  }
0x2fd: {  	v29 =	vld [tilespmem:s3+$0x85A0]  }
0x2fe: {  	v30 =	vld [tilespmem:s3+$0x8D40]  }
0x2ff: {  	v31 =	vld [tilespmem:s3+$0x8D50]  }
0x300: {  	v32 =	vld [tilespmem:s3+$0x8D60]  }
0x301: {  	v33 =	vld [tilespmem:s3+$0x8D70]  }
0x302: {  	v34 =	vld [tilespmem:s3+$0x8D80]  }
0x303: {  	v35 =	vld [tilespmem:s3+$0x8D90]  }
0x304: {  	v36 =	vld [tilespmem:s3+$0x8DA0]  }
0x305: {  	v37 =	vld [tilespmem:s3+$0x9540]  }
0x306: {  	v38 =	vld [tilespmem:s3+$0x9550]  }
0x307: {  	v39 =	vld [tilespmem:s3+$0x9560]  }
0x308: {  	v40 =	vld [tilespmem:s3+$0x9570]  }
0x309: {  	v41 =	vld [tilespmem:s3+$0x9580]  }
0x30a: {  	v42 =	vld [tilespmem:s3+$0x9590]  }
0x30b: {  	v43 =	vld [tilespmem:s3+$0x95A0]  }
0x30c: {  	v44 =	vld [tilespmem:s3+$0x9D40]  }
0x30d: {  	v45 =	vld [tilespmem:s3+$0x9D50]  }
0x30e: {  	v46 =	vld [tilespmem:s3+$0x9D60]  }
0x30f: {  	v47 =	vld [tilespmem:s3+$0x9D70]  }
0x310: {  	v48 =	vld [tilespmem:s3+$0x9D80]  }
0x311: {  	v60 =	vld [tilespmem:s3+$0xA590]  }
0x312: {  	v61 =	vld [tilespmem:s3+$0xA5A0];
	v2 =	vadd.f32 v3, v2  }
0x313: {  	v3 =	vld [tilespmem:s3+$0x8DB0]  }
0x314: {  	v62 =	vld [tilespmem:s3+$0xAD40];
	v2 =	vadd.f32 v5, v2  }
0x315: {  	v5 =	vld [tilespmem:s3+$0x95B0]  }
0x316: {  	v49 =	vld [tilespmem:s3+$0xAD60];
	v4 =	vadd.f32 v6, v4;
	v2 =	vadd.f32 v7, v2  }
0x317: {  	v7 =	vld [tilespmem:s3+$0x9DB0]  }
0x318: {  	v50 =	vld [tilespmem:s3+$0xAD70];
	v4 =	vadd.f32 v53, v4;
	v2 =	vadd.f32 v3, v2  }
0x319: {  	v8 =	vadd.f32 v9, v8;
	v3 =	vld [tilespmem:s3+$0xA5B0]  }
0x31a: {  	v51 =	vld [tilespmem:s3+$0xAD80];
	v4 =	vadd.f32 v58, v4;
	v2 =	vadd.f32 v5, v2  }
0x31b: {  	v9 =	vadd.f32 v11, v10;
	v11 =	vadd.f32 v13, v12;
	v5 =	vld [tilespmem:s3+$0xADB0]  }
0x31c: {  	v13 =	vld [tilespmem:s3+$0xA540];
	v4 =	vadd.f32 v30, v4;
	v2 =	vadd.f32 v7, v2  }
0x31d: {  	v7 =	vld [tilespmem:s3+$0xB5B0]  }
0x31e: {  	v6 =	vld [tilespmem:s3+$0x9D90];
	v4 =	vadd.f32 v37, v4;
	v2 =	vadd.f32 v3, v2  }
0x31f: {  	v12 =	vadd.f32 v15, v14;
	v9 =	vadd.f32 v54, v9;
	v3 =	vld [tilespmem:s3+$0xBDB0]  }
0x320: {  	v54 =	vld [tilespmem:s3+$0xB540];
	v4 =	vadd.f32 v44, v4;
	v2 =	vadd.f32 v5, v2  }
0x321: {  	v12 =	vadd.f32 v55, v12;
	v9 =	vadd.f32 v25, v9;
	v5 =	vld [tilespmem:s3+$0xC5B0]  }
0x322: {  	v4 =	vadd.f32 v13, v4;
	v13 =	vld [tilespmem:s3+$0xBD40];
	v2 =	vadd.f32 v7, v2  }
0x323: {  	v12 =	vadd.f32 v27, v12;
	v9 =	vadd.f32 v32, v9;
	v7 =	vld [tilespmem:s3+$0x7590]  }
0x324: {  	v4 =	vadd.f32 v62, v4;
	v62 =	vld [tilespmem:s3+$0xC540];
	v2 =	vadd.f32 v3, v2  }
0x325: {  	v12 =	vadd.f32 v34, v12;
	v3 =	vld [tilespmem:s3+$0x75A0]  }
0x326: {  	v9 =	vadd.f32 v39, v9;
	v2 =	vadd.f32 v5, v2;
	v5 =	vld [tilespmem:s3+$0x7D50]  }
0x327: {  	v10 =	vld [tilespmem:s3+$0x9DA0];
	v12 =	vadd.f32 v41, v12;
	v4 =	vadd.f32 v54, v4  }
0x328: {  	v9 =	vadd.f32 v46, v9;
	v7 =	vadd.f32 v7, v63;
	[tilespmem:s3+$0x12DB0] =	vst v2;
	v2 =	vld [tilespmem:s3+$0x7D70]  }
0x329: {  	v14 =	vld [tilespmem:s3+$0xA550];
	v12 =	vadd.f32 v48, v12;
	v13 =	vadd.f32 v13, v4  }
0x32a: {  	v15 =	vld [tilespmem:s3+$0xA580];
	v3 =	vadd.f32 v3, v52;
	v7 =	vadd.f32 v56, v7  }
0x32b: {  	v53 =	vld [tilespmem:s3+$0xADA0];
	v13 =	vadd.f32 v62, v13;
	v5 =	vadd.f32 v5, v8  }
0x32c: {  	v8 =	vld [tilespmem:s3+$0xA560];
	v3 =	vadd.f32 v57, v3;
	v7 =	vadd.f32 v28, v7  }
0x32d: {  	v55 =	vld [tilespmem:s3+$0xB550];
	v2 =	vadd.f32 v2, v11;
	v5 =	vadd.f32 v59, v5  }
0x32e: {  	v58 =	vld [tilespmem:s3+$0xBD70];
	v3 =	vadd.f32 v29, v3;
	v7 =	vadd.f32 v35, v7  }
0x32f: {  	v63 =	vld [tilespmem:s3+$0xAD50];
	v2 =	vadd.f32 v26, v2;
	v5 =	vadd.f32 v31, v5  }
0x330: {  	v52 =	vld [tilespmem:s3+$0xAD90];
	v3 =	vadd.f32 v36, v3;
	v7 =	vadd.f32 v42, v7  }
0x331: {  	v56 =	vld [tilespmem:s3+$0xB560];
	v8 =	vadd.f32 v8, v9;
	v2 =	vadd.f32 v33, v2  }
0x332: {  	v57 =	vld [tilespmem:s3+$0xB570];
	v5 =	vadd.f32 v38, v5;
	v3 =	vadd.f32 v43, v3  }
0x333: {  	v11 =	vld [tilespmem:s3+$0xA570];
	v6 =	vadd.f32 v6, v7;
	v8 =	vadd.f32 v49, v8  }
0x334: {  	v59 =	vld [tilespmem:s3+$0xBD80];
	v2 =	vadd.f32 v40, v2;
	v5 =	vadd.f32 v45, v5  }
0x335: {  	v3 =	vadd.f32 v10, v3;
	v10 =	vld [tilespmem:s3+$0xB590];
	v6 =	vadd.f32 v60, v6  }
0x336: {  	v9 =	vld [tilespmem:s3+$0xB5A0];
	v8 =	vadd.f32 v56, v8;
	v2 =	vadd.f32 v47, v2  }
0x337: {  	v7 =	vld [tilespmem:s3+$0xB580];
	v5 =	vadd.f32 v14, v5;
	v3 =	vadd.f32 v61, v3  }
0x338: {  	v14 =	vld [tilespmem:s3+$0xBD50];
	v6 =	vadd.f32 v52, v6;
	v2 =	vadd.f32 v11, v2  }
0x339: {  	v11 =	vadd.f32 v15, v12;
	v5 =	vadd.f32 v63, v5;
	v15 =	vld [tilespmem:s3+$0xBD60]  }
0x33a: {  	v61 =	vld [tilespmem:s3+$0xBDA0];
	v3 =	vadd.f32 v53, v3;
	v63 =	vadd.f32 v10, v6  }
0x33b: {  	v60 =	vld [tilespmem:s3+$0xBD90];
	v2 =	vadd.f32 v50, v2;
	v11 =	vadd.f32 v51, v11  }
0x33c: {  	v12 =	vld [tilespmem:s3+$0xC550];
	v5 =	vadd.f32 v55, v5;
	v3 =	vadd.f32 v9, v3  }
0x33d: {  	v10 =	vld [tilespmem:s3+$0xC560];
	v2 =	vadd.f32 v57, v2;
	v11 =	vadd.f32 v7, v11  }
0x33e: {  	v7 =	vadd.f32 v14, v5;
	v6 =	vadd.f32 v15, v8;
	v8 =	vld [tilespmem:s3+$0xC570]  }
0x33f: {  	v9 =	vld [tilespmem:s3+$0xC580];
	v3 =	vadd.f32 v61, v3;
	v5 =	vadd.f32 v58, v2  }
0x340: {  	s7 =	simm.s32 $0x0;
	s8 =	simm.s32 $0x200;
	v4 =	vadd.f32 v59, v11;
	v2 =	vadd.f32 v60, v63;
	v11 =	vld [tilespmem:s3+$0xC590]  }
.LBB2_18:
0x341: {  	s9 =	sshra.s32 s8, $0x2;
	v7 =	vadd.f32 v12, v7;
	v12 =	vld [tilespmem:s3+$0xC5A0]  }
0x342: {  	s7 =	sadd.s32 $0x2, s7;
	v14 =	vld [tilespmem:s9+$0x6DB0];
	[tilespmem:s3+$0x12D40] =	vst v13;
	v6 =	vadd.f32 v10, v6  }
0x343: {  	p0 =	slt.u32 s7, $0x1E;
	v10 =	vld [tilespmem:s9+$0x75B0];
	[tilespmem:s3+$0x12D50] =	vst v7;
	v5 =	vadd.f32 v8, v5  }
0x344: {  	v7 =	vld [tilespmem:s9+$0x6D40];
	[tilespmem:s3+$0x12D60] =	vst v6;
	v4 =	vadd.f32 v9, v4  }
0x345: {  	v6 =	vld [tilespmem:s9+$0x7DB0];
	[tilespmem:s3+$0x12D70] =	vst v5;
	v2 =	vadd.f32 v11, v2  }
0x346: {  	v5 =	vld [tilespmem:s9+$0x7540];
	[tilespmem:s3+$0x12D80] =	vst v4;
	v3 =	vadd.f32 v12, v3  }
0x347: {  	v4 =	vld [tilespmem:s9+$0x85B0];
	[tilespmem:s3+$0x12D90] =	vst v2  }
0x348: {  	v2 =	vld [tilespmem:s9+$0x6D50];
	v8 =	vadd.f32 v10, v14;
	[tilespmem:s3+$0x12DA0] =	vst v3;
	s3 =	smov.u32 s9  }
0x349: {  	v3 =	vld [tilespmem:s3+$0x8DB0]  }
0x34a: {  	v9 =	vld [tilespmem:s3+$0x7550];
	v6 =	vadd.f32 v6, v8  }
0x34b: {  	v5 =	vadd.f32 v5, v7;
	v7 =	vld [tilespmem:s3+$0x95B0]  }
0x34c: {  	v8 =	vld [tilespmem:s3+$0x6D60];
	v4 =	vadd.f32 v4, v6  }
0x34d: {  	v6 =	vld [tilespmem:s3+$0x9DB0]  }
0x34e: {  	v10 =	vld [tilespmem:s3+$0x7560];
	v3 =	vadd.f32 v3, v4  }
0x34f: {  	v2 =	vadd.f32 v9, v2;
	v4 =	vld [tilespmem:s3+$0xA5B0]  }
0x350: {  	v9 =	vld [tilespmem:s3+$0x6D70];
	v3 =	vadd.f32 v7, v3  }
0x351: {  	v7 =	vld [tilespmem:s3+$0xADB0]  }
0x352: {  	v11 =	vld [tilespmem:s3+$0x7570];
	v3 =	vadd.f32 v6, v3  }
0x353: {  	v6 =	vadd.f32 v10, v8;
	v8 =	vld [tilespmem:s3+$0xB5B0]  }
0x354: {  	v10 =	vld [tilespmem:s3+$0x6D80];
	v3 =	vadd.f32 v4, v3  }
0x355: {  	v4 =	vld [tilespmem:s3+$0xBDB0]  }
0x356: {  	v12 =	vld [tilespmem:s3+$0x7580];
	v3 =	vadd.f32 v7, v3  }
0x357: {  	v7 =	vadd.f32 v11, v9;
	v9 =	vld [tilespmem:s3+$0xC5B0]  }
0x358: {  	v11 =	vld [tilespmem:s3+$0x6D90];
	v3 =	vadd.f32 v8, v3  }
0x359: {  	v8 =	vld [tilespmem:s3+$0x7590]  }
0x35a: {  	v13 =	vld [tilespmem:s3+$0x6DA0];
	v3 =	vadd.f32 v4, v3  }
0x35b: {  	v4 =	vadd.f32 v12, v10;
	v10 =	vld [tilespmem:s3+$0x75A0]  }
0x35c: {  	v12 =	vld [tilespmem:s3+$0x7D40];
	v3 =	vadd.f32 v9, v3  }
0x35d: {  	v9 =	vld [tilespmem:s3+$0x7D50]  }
0x35e: {  	v14 =	vld [tilespmem:s3+$0x7D60];
	v8 =	vadd.f32 v8, v11;
	[tilespmem:s3+$0x12DB0] =	vst v3  }
0x35f: {  	v3 =	vld [tilespmem:s3+$0x7D70]  }
0x360: {  	v11 =	vld [tilespmem:s3+$0x7D80];
	v10 =	vadd.f32 v10, v13  }
0x361: {  	v5 =	vadd.f32 v12, v5;
	v12 =	vld [tilespmem:s3+$0x7D90]  }
0x362: {  	v2 =	vadd.f32 v9, v2;
	v9 =	vld [tilespmem:s3+$0x7DA0]  }
0x363: {  	v13 =	vld [tilespmem:s3+$0x8540];
	v6 =	vadd.f32 v14, v6  }
0x364: {  	v14 =	vld [tilespmem:s3+$0x8550];
	v3 =	vadd.f32 v3, v7  }
0x365: {  	v7 =	vld [tilespmem:s3+$0x8560];
	v4 =	vadd.f32 v11, v4  }
0x366: {  	v11 =	vld [tilespmem:s3+$0x8570];
	v8 =	vadd.f32 v12, v8  }
0x367: {  	v12 =	vld [tilespmem:s3+$0x8580];
	v9 =	vadd.f32 v9, v10  }
0x368: {  	v5 =	vadd.f32 v13, v5;
	v10 =	vld [tilespmem:s3+$0x8590]  }
0x369: {  	v2 =	vadd.f32 v14, v2;
	v13 =	vld [tilespmem:s3+$0x85A0]  }
0x36a: {  	v14 =	vld [tilespmem:s3+$0x8D40];
	v6 =	vadd.f32 v7, v6  }
0x36b: {  	v7 =	vld [tilespmem:s3+$0x8D50];
	v3 =	vadd.f32 v11, v3  }
0x36c: {  	v11 =	vld [tilespmem:s3+$0x8D60];
	v4 =	vadd.f32 v12, v4  }
0x36d: {  	v12 =	vld [tilespmem:s3+$0x8D70];
	v8 =	vadd.f32 v10, v8  }
0x36e: {  	v10 =	vld [tilespmem:s3+$0x8D80];
	v9 =	vadd.f32 v13, v9  }
0x36f: {  	v5 =	vadd.f32 v14, v5;
	v13 =	vld [tilespmem:s3+$0x8D90]  }
0x370: {  	v2 =	vadd.f32 v7, v2;
	v7 =	vld [tilespmem:s3+$0x8DA0]  }
0x371: {  	v14 =	vld [tilespmem:s3+$0x9540];
	v6 =	vadd.f32 v11, v6  }
0x372: {  	v11 =	vld [tilespmem:s3+$0x9550];
	v3 =	vadd.f32 v12, v3  }
0x373: {  	v12 =	vld [tilespmem:s3+$0x9560];
	v4 =	vadd.f32 v10, v4  }
0x374: {  	v10 =	vld [tilespmem:s3+$0x9570];
	v8 =	vadd.f32 v13, v8  }
0x375: {  	v13 =	vld [tilespmem:s3+$0x9580];
	v7 =	vadd.f32 v7, v9  }
0x376: {  	v5 =	vadd.f32 v14, v5;
	v9 =	vld [tilespmem:s3+$0x9590]  }
0x377: {  	v2 =	vadd.f32 v11, v2;
	v11 =	vld [tilespmem:s3+$0x95A0]  }
0x378: {  	v14 =	vld [tilespmem:s3+$0x9D40];
	v6 =	vadd.f32 v12, v6  }
0x379: {  	v12 =	vld [tilespmem:s3+$0x9D50];
	v3 =	vadd.f32 v10, v3  }
0x37a: {  	v10 =	vld [tilespmem:s3+$0x9D60];
	v4 =	vadd.f32 v13, v4  }
0x37b: {  	v13 =	vld [tilespmem:s3+$0x9D70];
	v8 =	vadd.f32 v9, v8  }
0x37c: {  	v9 =	vld [tilespmem:s3+$0x9D80];
	v7 =	vadd.f32 v11, v7  }
0x37d: {  	v5 =	vadd.f32 v14, v5;
	v11 =	vld [tilespmem:s3+$0x9D90]  }
0x37e: {  	v2 =	vadd.f32 v12, v2;
	v12 =	vld [tilespmem:s3+$0x9DA0]  }
0x37f: {  	v14 =	vld [tilespmem:s3+$0xA540];
	v6 =	vadd.f32 v10, v6  }
0x380: {  	v10 =	vld [tilespmem:s3+$0xA550];
	v3 =	vadd.f32 v13, v3  }
0x381: {  	v13 =	vld [tilespmem:s3+$0xA560];
	v4 =	vadd.f32 v9, v4  }
0x382: {  	v9 =	vld [tilespmem:s3+$0xA570];
	v8 =	vadd.f32 v11, v8  }
0x383: {  	v11 =	vld [tilespmem:s3+$0xA580];
	v7 =	vadd.f32 v12, v7  }
0x384: {  	v5 =	vadd.f32 v14, v5;
	v12 =	vld [tilespmem:s3+$0xA590]  }
0x385: {  	v2 =	vadd.f32 v10, v2;
	v10 =	vld [tilespmem:s3+$0xA5A0]  }
0x386: {  	v14 =	vld [tilespmem:s3+$0xAD40];
	v6 =	vadd.f32 v13, v6  }
0x387: {  	v13 =	vld [tilespmem:s3+$0xAD50];
	v3 =	vadd.f32 v9, v3  }
0x388: {  	v9 =	vld [tilespmem:s3+$0xAD60];
	v4 =	vadd.f32 v11, v4  }
0x389: {  	v11 =	vld [tilespmem:s3+$0xAD70];
	v8 =	vadd.f32 v12, v8  }
0x38a: {  	v12 =	vld [tilespmem:s3+$0xAD80];
	v7 =	vadd.f32 v10, v7  }
0x38b: {  	v5 =	vadd.f32 v14, v5;
	v10 =	vld [tilespmem:s3+$0xAD90]  }
0x38c: {  	v2 =	vadd.f32 v13, v2;
	v13 =	vld [tilespmem:s3+$0xADA0]  }
0x38d: {  	v14 =	vld [tilespmem:s3+$0xB540];
	v6 =	vadd.f32 v9, v6  }
0x38e: {  	v9 =	vld [tilespmem:s3+$0xB550];
	v3 =	vadd.f32 v11, v3  }
0x38f: {  	v11 =	vld [tilespmem:s3+$0xB560];
	v4 =	vadd.f32 v12, v4  }
0x390: {  	v12 =	vld [tilespmem:s3+$0xB570];
	v8 =	vadd.f32 v10, v8  }
0x391: {  	v10 =	vld [tilespmem:s3+$0xB580];
	v7 =	vadd.f32 v13, v7  }
0x392: {  	v5 =	vadd.f32 v14, v5;
	v13 =	vld [tilespmem:s3+$0xB590]  }
0x393: {  	v2 =	vadd.f32 v9, v2;
	v9 =	vld [tilespmem:s3+$0xB5A0]  }
0x394: {  	v14 =	vld [tilespmem:s3+$0xBD40];
	v6 =	vadd.f32 v11, v6  }
0x395: {  	v11 =	vld [tilespmem:s3+$0xBD50];
	v3 =	vadd.f32 v12, v3  }
0x396: {  	v12 =	vld [tilespmem:s3+$0xBD60];
	v4 =	vadd.f32 v10, v4  }
0x397: {  	v10 =	vld [tilespmem:s3+$0xBD70];
	v13 =	vadd.f32 v13, v8  }
0x398: {  	v8 =	vld [tilespmem:s3+$0xBD80];
	v15 =	vadd.f32 v9, v7  }
0x399: {  	v14 =	vadd.f32 v14, v5;
	v9 =	vld [tilespmem:s3+$0xBD90]  }
0x39a: {  	v7 =	vadd.f32 v11, v2;
	v11 =	vld [tilespmem:s3+$0xBDA0]  }
0x39b: {  	v16 =	vld [tilespmem:s3+$0xC540];
	v6 =	vadd.f32 v12, v6  }
.Ltmp8:
0x39c: {  	v12 =	vld [tilespmem:s3+$0xC550];
	v5 =	vadd.f32 v10, v3;
	(pc) =	sbr.rel @p0 .LBB2_18-.Ltmp8, $4  }
0x39d: {  	v10 =	vld [tilespmem:s3+$0xC560];
	v4 =	vadd.f32 v8, v4  }
0x39e: {  	v8 =	vld [tilespmem:s3+$0xC570];
	v2 =	vadd.f32 v9, v13  }
0x39f: {  	v9 =	vld [tilespmem:s3+$0xC580];
	v3 =	vadd.f32 v11, v15  }
0x3a0: {  	s8 =	sadd.s32 $0x200, s8;
	v13 =	vadd.f32 v16, v14;
	v11 =	vld [tilespmem:s3+$0xC590]  }
0x3a1: {  	v7 =	vadd.f32 v12, v7;
	v12 =	vld [tilespmem:s3+$0xC5A0]  }
0x3a2: {  	[tilespmem:s3+$0x12D40] =	vst v13;
	v6 =	vadd.f32 v10, v6  }
0x3a3: {  	[tilespmem:s3+$0x12D50] =	vst v7;
	v5 =	vadd.f32 v8, v5  }
0x3a4: {  	[tilespmem:s3+$0x12D60] =	vst v6;
	v4 =	vadd.f32 v9, v4  }
0x3a5: {  	[tilespmem:s3+$0x12D70] =	vst v5;
	v2 =	vadd.f32 v11, v2  }
0x3a6: {  	[tilespmem:s3+$0x12D80] =	vst v4;
	v3 =	vadd.f32 v12, v3  }
0x3a7: {  	[tilespmem:s3+$0x12D90] =	vst v2  }
0x3a8: {  	[tilespmem:s3+$0x12DA0] =	vst v3  }
0x3a9: {  	s18 =	simm.s32 $0x0;
	s7 =	rddreg [dreg:$0x4]  }
0x3aa: {  	[hbm4b:s7+s18] =	stream.linear.scatter [tilespmem:s0], [sflag:$0x4], $0x800, $0x38;
	[tilespmem:$0x13540] =	vst v63  }
0x3ab: {  	_ =	swait.ge [sflag:s11], $0x800  }
0x3ac: {  	[sflag:s11] =	ssyncset.done $0x0  }
0x3ad: {  	[sflag:s11] =	ssyncadd.s32 $0xFFFFF800  }
0x3ae: {  	_ =	swait.ge [sflag:s13], $0x6000  }
0x3af: {  	[sflag:s13] =	ssyncset.done $0x0  }
0x3b0: {  	s3 =	simm.s32 $0x0;
	[sflag:s13] =	ssyncadd.s32 $0xFFFFA000  }
0x3b1: {  	v2 =	vld [tilespmem:s3+$0xCDB0]  }
0x3b2: {  	v3 =	vld [tilespmem:s3+$0xD5B0]  }
0x3b3: {  	v4 =	vld [tilespmem:s3+$0xCD40]  }
0x3b4: {  	v5 =	vld [tilespmem:s3+$0xDDB0]  }
0x3b5: {  	v6 =	vld [tilespmem:s3+$0xD540]  }
0x3b6: {  	v7 =	vld [tilespmem:s3+$0xE5B0]  }
0x3b7: {  	v8 =	vld [tilespmem:s3+$0xCD50]  }
0x3b8: {  	v9 =	vld [tilespmem:s3+$0xD550]  }
0x3b9: {  	v10 =	vld [tilespmem:s3+$0xCD60]  }
0x3ba: {  	v11 =	vld [tilespmem:s3+$0xD560]  }
0x3bb: {  	v12 =	vld [tilespmem:s3+$0xCD70]  }
0x3bc: {  	v13 =	vld [tilespmem:s3+$0xD570]  }
0x3bd: {  	v14 =	vld [tilespmem:s3+$0xCD80]  }
0x3be: {  	v15 =	vld [tilespmem:s3+$0xD580]  }
0x3bf: {  	v16 =	vld [tilespmem:s3+$0xCD90]  }
0x3c0: {  	v17 =	vld [tilespmem:s3+$0xCDA0]  }
0x3c1: {  	v18 =	vld [tilespmem:s3+$0xDD40]  }
0x3c2: {  	v19 =	vld [tilespmem:s3+$0xDD60]  }
0x3c3: {  	v20 =	vld [tilespmem:s3+$0xDD80]  }
0x3c4: {  	v21 =	vld [tilespmem:s3+$0xDD90]  }
0x3c5: {  	v22 =	vld [tilespmem:s3+$0xDDA0]  }
0x3c6: {  	v23 =	vld [tilespmem:s3+$0xE540]  }
0x3c7: {  	v24 =	vld [tilespmem:s3+$0xE550]  }
0x3c8: {  	v25 =	vld [tilespmem:s3+$0xE560]  }
0x3c9: {  	v26 =	vld [tilespmem:s3+$0xE570]  }
0x3ca: {  	v27 =	vld [tilespmem:s3+$0xE580]  }
0x3cb: {  	v28 =	vld [tilespmem:s3+$0xE590]  }
0x3cc: {  	v29 =	vld [tilespmem:s3+$0xE5A0]  }
0x3cd: {  	v30 =	vld [tilespmem:s3+$0xED40]  }
0x3ce: {  	v31 =	vld [tilespmem:s3+$0xED50]  }
0x3cf: {  	v32 =	vld [tilespmem:s3+$0xED60]  }
0x3d0: {  	v33 =	vld [tilespmem:s3+$0xED70]  }
0x3d1: {  	v34 =	vld [tilespmem:s3+$0xED80]  }
0x3d2: {  	v35 =	vld [tilespmem:s3+$0xED90]  }
0x3d3: {  	v36 =	vld [tilespmem:s3+$0xEDA0]  }
0x3d4: {  	v37 =	vld [tilespmem:s3+$0xF540]  }
0x3d5: {  	v38 =	vld [tilespmem:s3+$0xF550]  }
0x3d6: {  	v39 =	vld [tilespmem:s3+$0xF560]  }
0x3d7: {  	v40 =	vld [tilespmem:s3+$0xF570]  }
0x3d8: {  	v41 =	vld [tilespmem:s3+$0xF580]  }
0x3d9: {  	v42 =	vld [tilespmem:s3+$0xF590]  }
0x3da: {  	v43 =	vld [tilespmem:s3+$0xF5A0]  }
0x3db: {  	v44 =	vld [tilespmem:s3+$0xFD40]  }
0x3dc: {  	v45 =	vld [tilespmem:s3+$0xFD50]  }
0x3dd: {  	v46 =	vld [tilespmem:s3+$0xFD60]  }
0x3de: {  	v47 =	vld [tilespmem:s3+$0xFD70]  }
0x3df: {  	v48 =	vld [tilespmem:s3+$0xFD80]  }
0x3e0: {  	v60 =	vld [tilespmem:s3+$0x10590]  }
0x3e1: {  	v61 =	vld [tilespmem:s3+$0x105A0];
	v2 =	vadd.f32 v3, v2  }
0x3e2: {  	v3 =	vld [tilespmem:s3+$0xEDB0]  }
0x3e3: {  	v62 =	vld [tilespmem:s3+$0x10D40];
	v2 =	vadd.f32 v5, v2  }
0x3e4: {  	v5 =	vld [tilespmem:s3+$0xF5B0]  }
0x3e5: {  	v63 =	vld [tilespmem:s3+$0x10D50];
	v4 =	vadd.f32 v6, v4;
	v2 =	vadd.f32 v7, v2  }
0x3e6: {  	v7 =	vld [tilespmem:s3+$0xFDB0]  }
0x3e7: {  	v49 =	vld [tilespmem:s3+$0x10D60];
	v4 =	vadd.f32 v18, v4;
	v2 =	vadd.f32 v3, v2  }
0x3e8: {  	v8 =	vadd.f32 v9, v8;
	v3 =	vld [tilespmem:s3+$0x105B0]  }
0x3e9: {  	v50 =	vld [tilespmem:s3+$0x10D70];
	v4 =	vadd.f32 v23, v4;
	v2 =	vadd.f32 v5, v2  }
0x3ea: {  	v9 =	vadd.f32 v11, v10;
	v11 =	vadd.f32 v13, v12;
	v5 =	vld [tilespmem:s3+$0x10DB0]  }
0x3eb: {  	v13 =	vld [tilespmem:s3+$0x10540];
	v4 =	vadd.f32 v30, v4;
	v2 =	vadd.f32 v7, v2  }
0x3ec: {  	v7 =	vld [tilespmem:s3+$0x115B0]  }
0x3ed: {  	v51 =	vld [tilespmem:s3+$0x10D80];
	v4 =	vadd.f32 v37, v4;
	v2 =	vadd.f32 v3, v2  }
0x3ee: {  	v12 =	vadd.f32 v15, v14;
	v9 =	vadd.f32 v19, v9;
	v3 =	vld [tilespmem:s3+$0x11DB0]  }
0x3ef: {  	v54 =	vld [tilespmem:s3+$0x11540];
	v4 =	vadd.f32 v44, v4;
	v2 =	vadd.f32 v5, v2  }
0x3f0: {  	v12 =	vadd.f32 v20, v12;
	v9 =	vadd.f32 v25, v9;
	v5 =	vld [tilespmem:s3+$0x125B0]  }
0x3f1: {  	v4 =	vadd.f32 v13, v4;
	v13 =	vld [tilespmem:s3+$0x11D40];
	v2 =	vadd.f32 v7, v2  }
0x3f2: {  	v12 =	vadd.f32 v27, v12;
	v9 =	vadd.f32 v32, v9;
	v7 =	vld [tilespmem:s3+$0xD590]  }
0x3f3: {  	v4 =	vadd.f32 v62, v4;
	v62 =	vld [tilespmem:s3+$0x12540];
	v2 =	vadd.f32 v3, v2  }
0x3f4: {  	v12 =	vadd.f32 v34, v12;
	v3 =	vld [tilespmem:s3+$0xD5A0]  }
0x3f5: {  	v9 =	vadd.f32 v39, v9;
	v2 =	vadd.f32 v5, v2;
	v5 =	vld [tilespmem:s3+$0xDD50]  }
0x3f6: {  	v52 =	vld [tilespmem:s3+$0x10D90];
	v12 =	vadd.f32 v41, v12;
	v4 =	vadd.f32 v54, v4  }
0x3f7: {  	v9 =	vadd.f32 v46, v9;
	v7 =	vadd.f32 v7, v16;
	[tilespmem:s3+$0x12DB0] =	vst v2;
	v2 =	vld [tilespmem:s3+$0xDD70]  }
0x3f8: {  	v53 =	vld [tilespmem:s3+$0x10DA0];
	v12 =	vadd.f32 v48, v12;
	v13 =	vadd.f32 v13, v4  }
0x3f9: {  	v55 =	vld [tilespmem:s3+$0x11550];
	v3 =	vadd.f32 v3, v17;
	v7 =	vadd.f32 v21, v7  }
0x3fa: {  	v56 =	vld [tilespmem:s3+$0x11560];
	v13 =	vadd.f32 v62, v13;
	v5 =	vadd.f32 v5, v8  }
0x3fb: {  	v8 =	vld [tilespmem:s3+$0x10560];
	v3 =	vadd.f32 v22, v3;
	v7 =	vadd.f32 v28, v7  }
0x3fc: {  	v57 =	vld [tilespmem:s3+$0x11570];
	v2 =	vadd.f32 v2, v11;
	v5 =	vadd.f32 v24, v5  }
0x3fd: {  	v6 =	vld [tilespmem:s3+$0xFD90];
	v3 =	vadd.f32 v29, v3;
	v7 =	vadd.f32 v35, v7  }
0x3fe: {  	v58 =	vld [tilespmem:s3+$0x11D70];
	v2 =	vadd.f32 v26, v2;
	v5 =	vadd.f32 v31, v5  }
0x3ff: {  	v10 =	vld [tilespmem:s3+$0xFDA0];
	v3 =	vadd.f32 v36, v3;
	v7 =	vadd.f32 v42, v7  }
0x400: {  	v59 =	vld [tilespmem:s3+$0x11D80];
	v8 =	vadd.f32 v8, v9;
	v2 =	vadd.f32 v33, v2  }
0x401: {  	v14 =	vld [tilespmem:s3+$0x10550];
	v5 =	vadd.f32 v38, v5;
	v3 =	vadd.f32 v43, v3  }
0x402: {  	v11 =	vld [tilespmem:s3+$0x10570];
	v6 =	vadd.f32 v6, v7;
	v8 =	vadd.f32 v49, v8  }
0x403: {  	v15 =	vld [tilespmem:s3+$0x10580];
	v2 =	vadd.f32 v40, v2;
	v5 =	vadd.f32 v45, v5  }
0x404: {  	v3 =	vadd.f32 v10, v3;
	v10 =	vld [tilespmem:s3+$0x11590];
	v6 =	vadd.f32 v60, v6  }
0x405: {  	v9 =	vld [tilespmem:s3+$0x115A0];
	v8 =	vadd.f32 v56, v8;
	v2 =	vadd.f32 v47, v2  }
0x406: {  	v7 =	vld [tilespmem:s3+$0x11580];
	v5 =	vadd.f32 v14, v5;
	v3 =	vadd.f32 v61, v3  }
0x407: {  	v14 =	vld [tilespmem:s3+$0x11D50];
	v6 =	vadd.f32 v52, v6;
	v2 =	vadd.f32 v11, v2  }
0x408: {  	v11 =	vadd.f32 v15, v12;
	v5 =	vadd.f32 v63, v5;
	v15 =	vld [tilespmem:s3+$0x11D60]  }
0x409: {  	v61 =	vld [tilespmem:s3+$0x11DA0];
	v3 =	vadd.f32 v53, v3;
	v63 =	vadd.f32 v10, v6  }
0x40a: {  	v60 =	vld [tilespmem:s3+$0x11D90];
	v2 =	vadd.f32 v50, v2;
	v11 =	vadd.f32 v51, v11  }
0x40b: {  	v12 =	vld [tilespmem:s3+$0x12550];
	v5 =	vadd.f32 v55, v5;
	v3 =	vadd.f32 v9, v3  }
0x40c: {  	v10 =	vld [tilespmem:s3+$0x12560];
	v2 =	vadd.f32 v57, v2;
	v11 =	vadd.f32 v7, v11  }
0x40d: {  	v7 =	vadd.f32 v14, v5;
	v6 =	vadd.f32 v15, v8;
	v8 =	vld [tilespmem:s3+$0x12570]  }
0x40e: {  	v9 =	vld [tilespmem:s3+$0x12580];
	v3 =	vadd.f32 v61, v3;
	v5 =	vadd.f32 v58, v2  }
0x40f: {  	s8 =	simm.s32 $0x200;
	s7 =	simm.s32 $0x0;
	v4 =	vadd.f32 v59, v11;
	v2 =	vadd.f32 v60, v63;
	v11 =	vld [tilespmem:s3+$0x12590]  }
.LBB2_20:
0x410: {  	s9 =	sshra.s32 s8, $0x2;
	v7 =	vadd.f32 v12, v7;
	v12 =	vld [tilespmem:s3+$0x125A0]  }
0x411: {  	s7 =	sadd.s32 $0x2, s7;
	v14 =	vld [tilespmem:s9+$0xCDB0];
	[tilespmem:s3+$0x12D40] =	vst v13;
	v6 =	vadd.f32 v10, v6  }
0x412: {  	p0 =	slt.u32 s7, $0x1E;
	v10 =	vld [tilespmem:s9+$0xD5B0];
	[tilespmem:s3+$0x12D50] =	vst v7;
	v5 =	vadd.f32 v8, v5  }
0x413: {  	v7 =	vld [tilespmem:s9+$0xCD40];
	[tilespmem:s3+$0x12D60] =	vst v6;
	v4 =	vadd.f32 v9, v4  }
0x414: {  	v6 =	vld [tilespmem:s9+$0xDDB0];
	[tilespmem:s3+$0x12D70] =	vst v5;
	v2 =	vadd.f32 v11, v2  }
0x415: {  	v5 =	vld [tilespmem:s9+$0xD540];
	[tilespmem:s3+$0x12D80] =	vst v4;
	v3 =	vadd.f32 v12, v3  }
0x416: {  	v4 =	vld [tilespmem:s9+$0xE5B0];
	[tilespmem:s3+$0x12D90] =	vst v2  }
0x417: {  	v2 =	vld [tilespmem:s9+$0xCD50];
	v8 =	vadd.f32 v10, v14;
	[tilespmem:s3+$0x12DA0] =	vst v3;
	s3 =	smov.u32 s9  }
0x418: {  	v3 =	vld [tilespmem:s3+$0xEDB0]  }
0x419: {  	v9 =	vld [tilespmem:s3+$0xD550];
	v6 =	vadd.f32 v6, v8  }
0x41a: {  	v5 =	vadd.f32 v5, v7;
	v7 =	vld [tilespmem:s3+$0xF5B0]  }
0x41b: {  	v8 =	vld [tilespmem:s3+$0xCD60];
	v4 =	vadd.f32 v4, v6  }
0x41c: {  	v6 =	vld [tilespmem:s3+$0xFDB0]  }
0x41d: {  	v10 =	vld [tilespmem:s3+$0xD560];
	v3 =	vadd.f32 v3, v4  }
0x41e: {  	v2 =	vadd.f32 v9, v2;
	v4 =	vld [tilespmem:s3+$0x105B0]  }
0x41f: {  	v9 =	vld [tilespmem:s3+$0xCD70];
	v3 =	vadd.f32 v7, v3  }
0x420: {  	v7 =	vld [tilespmem:s3+$0x10DB0]  }
0x421: {  	v11 =	vld [tilespmem:s3+$0xD570];
	v3 =	vadd.f32 v6, v3  }
0x422: {  	v6 =	vadd.f32 v10, v8;
	v8 =	vld [tilespmem:s3+$0x115B0]  }
0x423: {  	v10 =	vld [tilespmem:s3+$0xCD80];
	v3 =	vadd.f32 v4, v3  }
0x424: {  	v4 =	vld [tilespmem:s3+$0x11DB0]  }
0x425: {  	v12 =	vld [tilespmem:s3+$0xD580];
	v3 =	vadd.f32 v7, v3  }
0x426: {  	v7 =	vadd.f32 v11, v9;
	v9 =	vld [tilespmem:s3+$0x125B0]  }
0x427: {  	v11 =	vld [tilespmem:s3+$0xCD90];
	v3 =	vadd.f32 v8, v3  }
0x428: {  	v8 =	vld [tilespmem:s3+$0xD590]  }
0x429: {  	v13 =	vld [tilespmem:s3+$0xCDA0];
	v3 =	vadd.f32 v4, v3  }
0x42a: {  	v4 =	vadd.f32 v12, v10;
	v10 =	vld [tilespmem:s3+$0xD5A0]  }
0x42b: {  	v12 =	vld [tilespmem:s3+$0xDD40];
	v3 =	vadd.f32 v9, v3  }
0x42c: {  	v9 =	vld [tilespmem:s3+$0xDD50]  }
0x42d: {  	v14 =	vld [tilespmem:s3+$0xDD60];
	v8 =	vadd.f32 v8, v11;
	[tilespmem:s3+$0x12DB0] =	vst v3  }
0x42e: {  	v3 =	vld [tilespmem:s3+$0xDD70]  }
0x42f: {  	v11 =	vld [tilespmem:s3+$0xDD80];
	v10 =	vadd.f32 v10, v13  }
0x430: {  	v5 =	vadd.f32 v12, v5;
	v12 =	vld [tilespmem:s3+$0xDD90]  }
0x431: {  	v2 =	vadd.f32 v9, v2;
	v9 =	vld [tilespmem:s3+$0xDDA0]  }
0x432: {  	v13 =	vld [tilespmem:s3+$0xE540];
	v6 =	vadd.f32 v14, v6  }
0x433: {  	v14 =	vld [tilespmem:s3+$0xE550];
	v3 =	vadd.f32 v3, v7  }
0x434: {  	v7 =	vld [tilespmem:s3+$0xE560];
	v4 =	vadd.f32 v11, v4  }
0x435: {  	v11 =	vld [tilespmem:s3+$0xE570];
	v8 =	vadd.f32 v12, v8  }
0x436: {  	v12 =	vld [tilespmem:s3+$0xE580];
	v9 =	vadd.f32 v9, v10  }
0x437: {  	v5 =	vadd.f32 v13, v5;
	v10 =	vld [tilespmem:s3+$0xE590]  }
0x438: {  	v2 =	vadd.f32 v14, v2;
	v13 =	vld [tilespmem:s3+$0xE5A0]  }
0x439: {  	v14 =	vld [tilespmem:s3+$0xED40];
	v6 =	vadd.f32 v7, v6  }
0x43a: {  	v7 =	vld [tilespmem:s3+$0xED50];
	v3 =	vadd.f32 v11, v3  }
0x43b: {  	v11 =	vld [tilespmem:s3+$0xED60];
	v4 =	vadd.f32 v12, v4  }
0x43c: {  	v12 =	vld [tilespmem:s3+$0xED70];
	v8 =	vadd.f32 v10, v8  }
0x43d: {  	v10 =	vld [tilespmem:s3+$0xED80];
	v9 =	vadd.f32 v13, v9  }
0x43e: {  	v5 =	vadd.f32 v14, v5;
	v13 =	vld [tilespmem:s3+$0xED90]  }
0x43f: {  	v2 =	vadd.f32 v7, v2;
	v7 =	vld [tilespmem:s3+$0xEDA0]  }
0x440: {  	v14 =	vld [tilespmem:s3+$0xF540];
	v6 =	vadd.f32 v11, v6  }
0x441: {  	v11 =	vld [tilespmem:s3+$0xF550];
	v3 =	vadd.f32 v12, v3  }
0x442: {  	v12 =	vld [tilespmem:s3+$0xF560];
	v4 =	vadd.f32 v10, v4  }
0x443: {  	v10 =	vld [tilespmem:s3+$0xF570];
	v8 =	vadd.f32 v13, v8  }
0x444: {  	v13 =	vld [tilespmem:s3+$0xF580];
	v7 =	vadd.f32 v7, v9  }
0x445: {  	v5 =	vadd.f32 v14, v5;
	v9 =	vld [tilespmem:s3+$0xF590]  }
0x446: {  	v2 =	vadd.f32 v11, v2;
	v11 =	vld [tilespmem:s3+$0xF5A0]  }
0x447: {  	v14 =	vld [tilespmem:s3+$0xFD40];
	v6 =	vadd.f32 v12, v6  }
0x448: {  	v12 =	vld [tilespmem:s3+$0xFD50];
	v3 =	vadd.f32 v10, v3  }
0x449: {  	v10 =	vld [tilespmem:s3+$0xFD60];
	v4 =	vadd.f32 v13, v4  }
0x44a: {  	v13 =	vld [tilespmem:s3+$0xFD70];
	v8 =	vadd.f32 v9, v8  }
0x44b: {  	v9 =	vld [tilespmem:s3+$0xFD80];
	v7 =	vadd.f32 v11, v7  }
0x44c: {  	v5 =	vadd.f32 v14, v5;
	v11 =	vld [tilespmem:s3+$0xFD90]  }
0x44d: {  	v2 =	vadd.f32 v12, v2;
	v12 =	vld [tilespmem:s3+$0xFDA0]  }
0x44e: {  	v14 =	vld [tilespmem:s3+$0x10540];
	v6 =	vadd.f32 v10, v6  }
0x44f: {  	v10 =	vld [tilespmem:s3+$0x10550];
	v3 =	vadd.f32 v13, v3  }
0x450: {  	v13 =	vld [tilespmem:s3+$0x10560];
	v4 =	vadd.f32 v9, v4  }
0x451: {  	v9 =	vld [tilespmem:s3+$0x10570];
	v8 =	vadd.f32 v11, v8  }
0x452: {  	v11 =	vld [tilespmem:s3+$0x10580];
	v7 =	vadd.f32 v12, v7  }
0x453: {  	v5 =	vadd.f32 v14, v5;
	v12 =	vld [tilespmem:s3+$0x10590]  }
0x454: {  	v2 =	vadd.f32 v10, v2;
	v10 =	vld [tilespmem:s3+$0x105A0]  }
0x455: {  	v14 =	vld [tilespmem:s3+$0x10D40];
	v6 =	vadd.f32 v13, v6  }
0x456: {  	v13 =	vld [tilespmem:s3+$0x10D50];
	v3 =	vadd.f32 v9, v3  }
0x457: {  	v9 =	vld [tilespmem:s3+$0x10D60];
	v4 =	vadd.f32 v11, v4  }
0x458: {  	v11 =	vld [tilespmem:s3+$0x10D70];
	v8 =	vadd.f32 v12, v8  }
0x459: {  	v12 =	vld [tilespmem:s3+$0x10D80];
	v7 =	vadd.f32 v10, v7  }
0x45a: {  	v5 =	vadd.f32 v14, v5;
	v10 =	vld [tilespmem:s3+$0x10D90]  }
0x45b: {  	v2 =	vadd.f32 v13, v2;
	v13 =	vld [tilespmem:s3+$0x10DA0]  }
0x45c: {  	v14 =	vld [tilespmem:s3+$0x11540];
	v6 =	vadd.f32 v9, v6  }
0x45d: {  	v9 =	vld [tilespmem:s3+$0x11550];
	v3 =	vadd.f32 v11, v3  }
0x45e: {  	v11 =	vld [tilespmem:s3+$0x11560];
	v4 =	vadd.f32 v12, v4  }
0x45f: {  	v12 =	vld [tilespmem:s3+$0x11570];
	v8 =	vadd.f32 v10, v8  }
0x460: {  	v10 =	vld [tilespmem:s3+$0x11580];
	v7 =	vadd.f32 v13, v7  }
0x461: {  	v5 =	vadd.f32 v14, v5;
	v13 =	vld [tilespmem:s3+$0x11590]  }
0x462: {  	v2 =	vadd.f32 v9, v2;
	v9 =	vld [tilespmem:s3+$0x115A0]  }
0x463: {  	v14 =	vld [tilespmem:s3+$0x11D40];
	v6 =	vadd.f32 v11, v6  }
0x464: {  	v11 =	vld [tilespmem:s3+$0x11D50];
	v3 =	vadd.f32 v12, v3  }
0x465: {  	v12 =	vld [tilespmem:s3+$0x11D60];
	v4 =	vadd.f32 v10, v4  }
0x466: {  	v10 =	vld [tilespmem:s3+$0x11D70];
	v13 =	vadd.f32 v13, v8  }
0x467: {  	v8 =	vld [tilespmem:s3+$0x11D80];
	v15 =	vadd.f32 v9, v7  }
0x468: {  	v14 =	vadd.f32 v14, v5;
	v9 =	vld [tilespmem:s3+$0x11D90]  }
0x469: {  	v7 =	vadd.f32 v11, v2;
	v11 =	vld [tilespmem:s3+$0x11DA0]  }
0x46a: {  	v16 =	vld [tilespmem:s3+$0x12540];
	v6 =	vadd.f32 v12, v6  }
.Ltmp9:
0x46b: {  	v12 =	vld [tilespmem:s3+$0x12550];
	v5 =	vadd.f32 v10, v3;
	(pc) =	sbr.rel @p0 .LBB2_20-.Ltmp9, $4  }
0x46c: {  	v10 =	vld [tilespmem:s3+$0x12560];
	v4 =	vadd.f32 v8, v4  }
0x46d: {  	v8 =	vld [tilespmem:s3+$0x12570];
	v2 =	vadd.f32 v9, v13  }
0x46e: {  	v9 =	vld [tilespmem:s3+$0x12580];
	v3 =	vadd.f32 v11, v15  }
0x46f: {  	s8 =	sadd.s32 $0x200, s8;
	v13 =	vadd.f32 v16, v14;
	v11 =	vld [tilespmem:s3+$0x12590]  }
0x470: {  	v7 =	vadd.f32 v12, v7;
	v63 =	vld [tilespmem:s3+$0x125A0]  }
0x471: {  	[tilespmem:s3+$0x12D40] =	vst v13;
	v6 =	vadd.f32 v10, v6  }
0x472: {  	[tilespmem:s3+$0x12D50] =	vst v7;
	v5 =	vadd.f32 v8, v5  }
0x473: {  	[tilespmem:s3+$0x12D60] =	vst v6;
	v4 =	vadd.f32 v9, v4  }
0x474: {  	[tilespmem:s3+$0x12D70] =	vst v5;
	v2 =	vadd.f32 v11, v2  }
0x475: {  	[tilespmem:s3+$0x12D80] =	vst v4;
	v3 =	vadd.f32 v63, v3  }
0x476: {  	[tilespmem:s3+$0x12D90] =	vst v2  }
0x477: {  	[tilespmem:s3+$0x12DA0] =	vst v3  }
0x478: {  	s9 =	simm.s32 $0x0;
	s3 =	rddreg [dreg:$0x5]  }
0x479: {  	[hbm4b:s3+s9] =	stream.linear.scatter [tilespmem:s0], [sflag:$0x4], $0x800, $0x38;
	[tilespmem:$0x13540] =	vst v63  }
0x47a: {  	_ =	swait.ge [sflag:s11], $0x800  }
0x47b: {  	s7 =	rddreg [dreg:$0x7]  }
0x47c: {  	s18 =	rddreg [dreg:$0x6];
	s7 =	sadd.s32 $0x1, s7  }
0x47d: {  	p0 =	sne.s32 s7, s18  }
.Ltmp10:
0x47e: {  	_ = 	snop;
	(pc) =	sbr.rel @p0 .LBB2_1-.Ltmp10, $3  }
0x47f: {  	_ =	sdelay $0x1  }
0x480: {  	[sflag:s11] =	ssyncset.done $0x0  }
0x481: {  	[sflag:s11] =	ssyncadd.s32 $0xFFFFF800  }
0x482: {  	_ =	sfence.sel $0x180000  }
0x483: {  	[bflag:$0x0] =	sbarrier.arrive $0xFFFF  }
0x484: {  	_ =	strace $0x90000047  }
0x485: {  	s0 =	stileid.u32;
	[bflag:$0x2] =	sbarrier.arrive $0xFFFF  }
0x486: {  	p0 =	sne.s32 s0, $0x0;
	s0 =	rddreg [dreg:$0x2]  }
0x487: {  	s0 =	sadd.s32 @!p0 $0x100000, s0  }
0x488: {  	[sflag:s0] =	ssyncadd.tile.s32 @!p0 $0x1;
	_ =	shalt  }
.Lfunc_end2:
_tile_overlayer_lowered:
.L_overlay_start_2:
0x489: {  	(tag) =	ssettag $0x2  }
0x48a: {  	s0 =	rddreg [dreg:$0x0];
	s2 =	stileid.u32  }
0x48b: {  	s1 =	rddreg [dreg:$0x1];
	p0 =	sne.s32 s2, $0x0  }
0x48c: {  	s3 =	rddreg [dreg:$0x2];
	[bflag:$0x3] =	sbarrier.arrive $0xFFFF;
	s2 =	simm.s32 @!p0 $0x1C04  }
0x48d: {  	[timem:s3], [sflag:s2] =	dma.local @!p0 [hbm:s0], s1  }
0x48e: {  	s0 =	simm.s32 @!p0 $0x4  }
0x48f: {  	_ =	swait.ge @!p0 [sflag:s0], s1  }
0x490: {  	s1 =	ssub.s32 @!p0 $0x0, s1;
	[sflag:s0] =	ssyncset.done @!p0 $0x0  }
0x491: {  	[sflag:s0] =	ssyncadd.s32 @!p0 s1  }
0x492: {  	[bflag:$0x3] =	sbarrier.arrive $0xFFFF  }
0x493: {  	_ =	shalt  }

</sc_bundles>
